<compile_context>
chip_gen: v7x
topology: tpu7x:2x2x1
jax: 0.10.2.dev20260603
libtpu: 0.0.44.dev20260713+nightly
codegen_flags: <defaults>
</compile_context>

<pallas_src>
import jax
import jax.numpy as jnp
from jax import lax
from jax.experimental import pallas as pl
from jax.experimental.pallas import tpu as pltpu
from jax.experimental.pallas import tpu_sc as plsc

_NC = 2
_NS = 16
_K = 80


def _leaky(x):
    return jnp.where(x >= 0, x, 0.1 * x)


def _dot(a, b):
    return jnp.dot(a, b, preferred_element_type=jnp.float32)


def kernel(child_feats, edge_indices, edge_type_onehot, lengths,
           W1, b1, W2, b2, We0, be0, We1, be1, Ws, bs):
    N = child_feats.shape[1]
    FEAT = child_feats.shape[2]
    E = edge_indices.shape[1]
    H = W2.shape[0]
    ET = edge_type_onehot.shape[2]

    x = child_feats[0]
    W1p = jnp.zeros((FEAT, H), jnp.float32).at[: W1.shape[0]].set(W1)
    ef = edge_indices[0, :, 0]
    et = edge_indices[0, :, 1]
    ety = jnp.argmax(edge_type_onehot[0], axis=1).astype(jnp.int32)
    cidx = ety * N + et
    NP = ((N + 8 * _NS - 1) // (8 * _NS)) * (8 * _NS)
    zrows = jnp.zeros((NP, H), jnp.float32)


    R = 1000
    grid = (N // R,)
    full = lambda shape: pl.BlockSpec(shape, lambda i: tuple(0 for _ in shape))
    rows2 = pl.BlockSpec((R, H), lambda i: (i, 0))

    def mlp_body(x_ref, w1_ref, b1_ref, w2_ref, b2_ref, wsrc_ref, wdst_ref,
                 t_ref, cf_ref, a_ref, c_ref):
        net = _leaky(_leaky(_dot(x_ref[...], w1_ref[...]) + b1_ref[...]))
        cf = _leaky(_dot(net, w2_ref[...]) + b2_ref[...])
        cf_ref[...] = cf
        a_ref[...] = _dot(cf, wsrc_ref[...])
        c_ref[...] = _dot(cf, wdst_ref[...])[None, :, :] + t_ref[...][:, None, :]

    cf0, A0, C0 = pl.pallas_call(
        mlp_body,
        grid=grid,
        in_specs=[
            pl.BlockSpec((R, FEAT), lambda i: (i, 0)),
            full((FEAT, H)), full((1, H)), full((H, H)), full((1, H)),
            full((H, H)), full((H, H)), full((ET, H)),
        ],
        out_specs=[rows2, rows2, pl.BlockSpec((ET, R, H), lambda i: (0, i, 0))],
        out_shape=[
            jax.ShapeDtypeStruct((N, H), jnp.float32),
            jax.ShapeDtypeStruct((N, H), jnp.float32),
            jax.ShapeDtypeStruct((ET, N, H), jnp.float32),
        ],
    )(x, W1p, b1.reshape(1, H), W2, b2.reshape(1, H),
      We0[:H], We0[H:2 * H], We0[2 * H:] + be0[None, :])

    epw = E // (_NC * _NS)
    nchunks = epw // _K
    rows_per_tile = NP // _NS

    assert epw % _K == 0 and nchunks % 2 == 1 and nchunks >= 3

    def sc_body(ef_h, ci_h, a_h, c_h, z_h, out_h,
                ie0, ic0, ie1, ic1, se0, se1, ar0, cr0, ar1, cr1, acc,
                sie0, sic0, sie1, sic1, sga0, sgc0, sga1, sgc1, ssc0, ssc1):
        cx = lax.axis_index("c")
        sx = lax.axis_index("s")
        wid = sx * _NC + cx
        rsl = pl.ds(sx * rows_per_tile, rows_per_tile)
        pltpu.sync_copy(z_h.at[rsl], acc.at[rsl])
        plsc.subcore_barrier()
        ebase = wid * epw

        slots = [(ie0, ic0, ar0, cr0, sie0, sic0, sga0, sgc0, se0, ssc0),
                 (ie1, ic1, ar1, cr1, sie1, sic1, sga1, sgc1, se1, ssc1)]

        def fire_idx(cid, p):
            B = slots[p]
            base = jnp.minimum(ebase + cid * _K, E - _K)
            pltpu.async_copy(ef_h.at[pl.ds(base, _K)], B[0], B[4])
            pltpu.async_copy(ci_h.at[pl.ds(base, _K)], B[1], B[5])

        def wait_idx(p):
            B = slots[p]
            pltpu.make_async_copy(ef_h.at[pl.ds(0, _K)], B[0], B[4]).wait()
            pltpu.make_async_copy(ci_h.at[pl.ds(0, _K)], B[1], B[5]).wait()

        def fire_gather(p):
            B = slots[p]
            pltpu.async_copy(a_h.at[B[0]], B[2], B[6])
            pltpu.async_copy(c_h.at[B[1]], B[3], B[7])

        def wait_gather(p):
            B = slots[p]
            pltpu.make_async_copy(a_h.at[B[0]], B[2], B[6]).wait()
            pltpu.make_async_copy(c_h.at[B[1]], B[3], B[7]).wait()

        def compute(p):
            B = slots[p]
            ie, ar, cr, se = B[0], B[2], B[3], B[8]

            def vec(e, carry2):
                for g in range(H // 16):
                    sl = pl.ds(16 * g, 16)
                    ar[e, sl] = jnp.maximum(ar[e, sl] + cr[e, sl], 0.0)
                return carry2

            lax.fori_loop(0, _K, vec, 0)
            for j in range(_K // 16):
                sl = pl.ds(16 * j, 16)
                se[sl] = ie[sl]

        def fire_scat(p):
            B = slots[p]
            pltpu.async_copy(B[2], acc.at[B[8]], B[9], add=True)

        def wait_scat(p):
            B = slots[p]
            pltpu.make_async_copy(B[2], acc.at[B[8]], B[9]).wait()

        def step(cid, p, drain_scat=True):
            wait_idx(1 - p)
            if drain_scat:
                wait_scat(1 - p)
            fire_gather(1 - p)
            wait_gather(p)
            compute(p)
            fire_scat(p)
            fire_idx(cid + 2, p)

        fire_idx(0, 0)
        wait_idx(0)
        fire_gather(0)
        fire_idx(1, 1)
        step(0, 0, drain_scat=False)

        def outer(i, carry):
            step(2 * i + 1, 1)
            step(2 * i + 2, 0)
            return carry

        lax.fori_loop(0, (nchunks - 1) // 2, outer, 0)
        wait_scat((nchunks - 1) % 2)
        wait_gather(nchunks % 2)
        wait_idx((nchunks + 1) % 2)
        plsc.subcore_barrier()
        pltpu.sync_copy(acc.at[rsl], out_h.at[cx, rsl])

    sc_call = pl.kernel(
        sc_body,
        out_type=jax.ShapeDtypeStruct((_NC, NP, H), jnp.float32),
        mesh=plsc.VectorSubcoreMesh(core_axis_name="c", subcore_axis_name="s",
                                    num_cores=_NC, num_subcores=_NS),
        scratch_types=(
            [pltpu.VMEM((_K,), jnp.int32)] * 6
            + [pltpu.VMEM((_K, H), jnp.float32)] * 4
            + [pltpu.VMEM_SHARED((NP, H), jnp.float32)]
            + [pltpu.SemaphoreType.DMA] * 10
        ),
    )

    P0 = sc_call(ef, cidx, A0, C0.reshape(ET * N, H), zrows)

    def mid_body(p_ref, wsrc_ref, wdst_ref, t_ref, cf_ref, a_ref, c_ref):
        cf = p_ref[0] + p_ref[1]
        cf_ref[...] = cf
        a_ref[...] = _dot(cf, wsrc_ref[...])
        c_ref[...] = _dot(cf, wdst_ref[...])[None, :, :] + t_ref[...][:, None, :]

    cf1, A1, C1 = pl.pallas_call(
        mid_body,
        grid=grid,
        in_specs=[
            pl.BlockSpec((_NC, R, H), lambda i: (0, i, 0)),
            full((H, H)), full((H, H)), full((ET, H)),
        ],
        out_specs=[rows2, rows2, pl.BlockSpec((ET, R, H), lambda i: (0, i, 0))],
        out_shape=[
            jax.ShapeDtypeStruct((N, H), jnp.float32),
            jax.ShapeDtypeStruct((N, H), jnp.float32),
            jax.ShapeDtypeStruct((ET, N, H), jnp.float32),
        ],
    )(P0, We1[:H], We1[H:2 * H], We1[2 * H:] + be1[None, :])

    P1 = sc_call(ef, cidx, A1, C1.reshape(ET * N, H), zrows)

    def out_body(p_ref, cf0_ref, cf1_ref, w0_ref, w1_ref, w2_ref, bs_ref, o_ref):
        cf2 = p_ref[0] + p_ref[1]
        o_ref[...] = _leaky(
            _dot(cf0_ref[...], w0_ref[...]) + _dot(cf1_ref[...], w1_ref[...])
            + _dot(cf2, w2_ref[...]) + bs_ref[...])

    out = pl.pallas_call(
        out_body,
        grid=grid,
        in_specs=[
            pl.BlockSpec((_NC, R, H), lambda i: (0, i, 0)),
            rows2, rows2,
            full((H, FEAT)), full((H, FEAT)), full((H, FEAT)), full((1, FEAT)),
        ],
        out_specs=pl.BlockSpec((R, FEAT), lambda i: (i, 0)),
        out_shape=jax.ShapeDtypeStruct((N, FEAT), jnp.float32),
    )(P1, cf0, cf1, Ws[:H], Ws[H:2 * H], Ws[2 * H:], bs.reshape(1, FEAT))

    return out

# --- scband reference (transcript-rebuilt; emitter-appended) ---
"""Pipeline reference for scband-gnnencoder-11261404250791 (READ-ONLY COPY).

The authoritative reference and input builder live on the scoring server;
editing this copy changes nothing except your own understanding.
"""

import jax, jax.numpy as jnp
import numpy as np

N = 10000
E = 320000
H = 128
FEAT = 128
ET = 4
ITERS = 2


def _leaky(x):
    return jnp.where(x >= 0, x, 0.1 * x)


def setup_inputs(seed: int = 0) -> dict:
    key = jax.random.key(seed)
    ks = jax.random.split(key, 16)
    child_feats = jax.random.normal(ks[0], (1, N, FEAT), dtype=jnp.float32)
    edge_indices = jax.random.randint(ks[1], (1, E, 2), 0, N, dtype=jnp.int32)
    etype = jax.random.randint(ks[2], (E,), 0, ET, dtype=jnp.int32)
    edge_type_onehot = jax.nn.one_hot(etype, ET, dtype=jnp.float32)[None]
    lengths = jnp.array([N], dtype=jnp.int32)
    s = 0.05
    W1 = jax.random.normal(ks[3], (7, H), dtype=jnp.float32) * s
    b1 = jnp.zeros((H,), dtype=jnp.float32)
    W2 = jax.random.normal(ks[4], (H, H), dtype=jnp.float32) * s
    b2 = jnp.zeros((H,), dtype=jnp.float32)
    We0 = jax.random.normal(ks[5], (2 * H + ET, H), dtype=jnp.float32) * s
    be0 = jnp.zeros((H,), dtype=jnp.float32)
    We1 = jax.random.normal(ks[6], (2 * H + ET, H), dtype=jnp.float32) * s
    be1 = jnp.zeros((H,), dtype=jnp.float32)
    Ws = jax.random.normal(ks[7], (H * (ITERS + 1), FEAT), dtype=jnp.float32) * s
    bs = jnp.zeros((FEAT,), dtype=jnp.float32)
    return {
        'child_feats': child_feats, 'edge_indices': edge_indices,
        'edge_type_onehot': edge_type_onehot, 'lengths': lengths,
        'W1': W1, 'b1': b1, 'W2': W2, 'b2': b2,
        'We0': We0, 'be0': be0, 'We1': We1, 'be1': be1,
        'Ws': Ws, 'bs': bs,
    }


def reference(child_feats, edge_indices, edge_type_onehot, lengths,
              W1, b1, W2, b2, We0, be0, We1, be1, Ws, bs):
    # BoxEncoder1: mlp1 = Linear(7,H)+LeakyReLU(0.1), then forward applies
    # F.leaky_relu again, then mlp2 Linear(H,H) + leaky_relu
    net = _leaky(_leaky(child_feats[:, :, :7] @ W1 + b1))
    cf = _leaky(net @ W2 + b2)  # [1, N, H]
    iter_parent_feats = [cf.reshape(-1, H)]
    ef = edge_indices[0, :, 0]
    et = edge_indices[0, :, 1]
    edge_feats = edge_type_onehot[0]  # [E, ET]
    Wes = [(We0, be0), (We1, be1)]
    for i in range(ITERS):
        # gather src/dst node feats, concat with edge one-hot
        nef = jnp.concatenate([cf[0][ef], cf[0][et], edge_feats], axis=1)
        nef = jax.nn.relu(nef @ Wes[i][0] + Wes[i][1])  # [E, H]
        # scatter_add over source index (edge_symmetric_type == 'sum')
        new_cf = jax.ops.segment_sum(nef, ef, num_segments=N)
        cf = new_cf[None]
        iter_parent_feats.append(cf.reshape(-1, H))
    parent_feat = jnp.concatenate(iter_parent_feats, axis=1)  # [N, H*(ITERS+1)]
    parent_feat = _leaky(parent_feat @ Ws + bs)
    return parent_feat

if __name__ == "__main__":
    import jax
    _d = setup_inputs()
    print(jax.jit(kernel)(*tuple(_d.values())))

</pallas_src>

<mosaic_0001>
#map = affine_map<(d0, d1) -> (0)>
#map1 = affine_map<(d0, d1) -> (0, 0)>
#map2 = affine_map<(d0, d1) -> (0, 0, 0)>
module attributes {stable_mosaic.version = 14 : i64} {
  func.func @sc_body(%arg0: i32, %arg1: i32, %arg2: memref<320000xi32, #tpu.memory_space<hbm>>, %arg3: memref<320000xi32, #tpu.memory_space<hbm>>, %arg4: memref<10000x128xf32, #tpu.memory_space<hbm>>, %arg5: memref<40000x128xf32, #tpu.memory_space<hbm>>, %arg6: memref<10112x128xf32, #tpu.memory_space<hbm>>, %arg7: memref<2x10112x128xf32, #tpu.memory_space<hbm>>, %arg8: memref<80xi32, #tpu.memory_space<vmem>>, %arg9: memref<80xi32, #tpu.memory_space<vmem>>, %arg10: memref<80xi32, #tpu.memory_space<vmem>>, %arg11: memref<80xi32, #tpu.memory_space<vmem>>, %arg12: memref<80xi32, #tpu.memory_space<vmem>>, %arg13: memref<80xi32, #tpu.memory_space<vmem>>, %arg14: memref<80x128xf32, #tpu.memory_space<vmem>>, %arg15: memref<80x128xf32, #tpu.memory_space<vmem>>, %arg16: memref<80x128xf32, #tpu.memory_space<vmem>>, %arg17: memref<80x128xf32, #tpu.memory_space<vmem>>, %arg18: memref<10112x128xf32, #tpu.memory_space<vmem_shared>>, %arg19: memref<!tpu.dma_semaphore, #tpu.memory_space<semaphore_mem>>, %arg20: memref<!tpu.dma_semaphore, #tpu.memory_space<semaphore_mem>>, %arg21: memref<!tpu.dma_semaphore, #tpu.memory_space<semaphore_mem>>, %arg22: memref<!tpu.dma_semaphore, #tpu.memory_space<semaphore_mem>>, %arg23: memref<!tpu.dma_semaphore, #tpu.memory_space<semaphore_mem>>, %arg24: memref<!tpu.dma_semaphore, #tpu.memory_space<semaphore_mem>>, %arg25: memref<!tpu.dma_semaphore, #tpu.memory_space<semaphore_mem>>, %arg26: memref<!tpu.dma_semaphore, #tpu.memory_space<semaphore_mem>>, %arg27: memref<!tpu.dma_semaphore, #tpu.memory_space<semaphore_mem>>, %arg28: memref<!tpu.dma_semaphore, #tpu.memory_space<semaphore_mem>>) attributes {dimension_semantics = [#tpu.dimension_semantics<core_parallel>, #tpu.dimension_semantics<subcore_parallel>], iteration_bounds = array<i64: 2, 16>, scalar_prefetch = 0 : i64, scratch_operands = 21 : i64, tpu.core_type = #tpu.core_type<sc_vector_subcore>, window_params = [{transform_indices = #map}, {transform_indices = #map}, {transform_indices = #map1}, {transform_indices = #map1}, {transform_indices = #map1}, {transform_indices = #map2}]} {
    %mul3A = arith.constant 2 : i32
    %mul3A_0 = arith.muli %arg1, %mul3A : i32
    %add3A = arith.addi %mul3A_0, %arg0 : i32
    %mul3A_1 = arith.constant 632 : i32
    %mul3A_2 = arith.muli %arg1, %mul3A_1 : i32
    "tpu.region"() ({
      %run_scoped3A = tpu.sem_alloc : memref<!tpu.dma_semaphore, #tpu.memory_space<semaphore_mem>>
      %dma_start3A_125 = arith.constant 0 : i32
      %dma_start3A_126 = tpu.memref_slice %arg18[%mul3A_2, %dma_start3A_125] : memref<10112x128xf32, #tpu.memory_space<vmem_shared>> -> memref<632x128xf32, #tpu.memory_space<vmem_shared>>
      %dma_start3A_127 = arith.constant 0 : i32
      %dma_start3A_128 = tpu.memref_slice %arg6[%mul3A_2, %dma_start3A_127] : memref<10112x128xf32, #tpu.memory_space<hbm>> -> memref<632x128xf32, #tpu.memory_space<hbm>>
      tpu.enqueue_dma source(%dma_start3A_128 : memref<632x128xf32, #tpu.memory_space<hbm>>) target(%dma_start3A_126 : memref<632x128xf32, #tpu.memory_space<vmem_shared>>) target_semaphore(%run_scoped3A : memref<!tpu.dma_semaphore, #tpu.memory_space<semaphore_mem>>)
      %dma_wait3A_129 = arith.constant 0 : i32
      %dma_wait3A_130 = tpu.memref_slice %arg18[%mul3A_2, %dma_wait3A_129] : memref<10112x128xf32, #tpu.memory_space<vmem_shared>> -> memref<632x128xf32, #tpu.memory_space<vmem_shared>>
      %dma_wait3A_131 = arith.constant 0 : i32
      %dma_wait3A_132 = tpu.memref_slice %arg6[%mul3A_2, %dma_wait3A_131] : memref<10112x128xf32, #tpu.memory_space<hbm>> -> memref<632x128xf32, #tpu.memory_space<hbm>>
      tpu.wait_dma2 semaphore(%run_scoped3A : memref<!tpu.dma_semaphore, #tpu.memory_space<semaphore_mem>>) src(%dma_wait3A_132 : memref<632x128xf32, #tpu.memory_space<hbm>>) dst(%dma_wait3A_130 : memref<632x128xf32, #tpu.memory_space<vmem_shared>>)
      tpu.yield
    }) : () -> ()
    %barrier3A = arith.constant 0 : index
    tpu.barrier barrier_id(%barrier3A)
    %mul3A_3 = arith.constant 10000 : i32
    %mul3A_4 = arith.muli %add3A, %mul3A_3 : i32
    %add3A_5 = arith.constant 0 : i32
    %add3A_6 = arith.addi %mul3A_4, %add3A_5 : i32
    %min3A = arith.constant 319920 : i32
    %min3A_7 = arith.minsi %add3A_6, %min3A : i32
    %dma_start3A = tpu.memref_slice %arg2[%min3A_7] : memref<320000xi32, #tpu.memory_space<hbm>> -> memref<80xi32, #tpu.memory_space<hbm>>
    %dma_start3A_8 = tpu.memref_slice %arg2[%min3A_7] : memref<320000xi32, #tpu.memory_space<hbm>> -> memref<80xi32, #tpu.memory_space<hbm>>
    tpu.enqueue_dma source(%dma_start3A_8 : memref<80xi32, #tpu.memory_space<hbm>>) target(%arg8 : memref<80xi32, #tpu.memory_space<vmem>>) target_semaphore(%arg19 : memref<!tpu.dma_semaphore, #tpu.memory_space<semaphore_mem>>)
    %dma_start3A_9 = tpu.memref_slice %arg3[%min3A_7] : memref<320000xi32, #tpu.memory_space<hbm>> -> memref<80xi32, #tpu.memory_space<hbm>>
    %dma_start3A_10 = tpu.memref_slice %arg3[%min3A_7] : memref<320000xi32, #tpu.memory_space<hbm>> -> memref<80xi32, #tpu.memory_space<hbm>>
    tpu.enqueue_dma source(%dma_start3A_10 : memref<80xi32, #tpu.memory_space<hbm>>) target(%arg9 : memref<80xi32, #tpu.memory_space<vmem>>) target_semaphore(%arg20 : memref<!tpu.dma_semaphore, #tpu.memory_space<semaphore_mem>>)
    %dma_wait3A = arith.constant 0 : i32
    %dma_wait3A_11 = tpu.memref_slice %arg2[%dma_wait3A] : memref<320000xi32, #tpu.memory_space<hbm>> -> memref<80xi32, #tpu.memory_space<hbm>>
    %dma_wait3A_12 = arith.constant 0 : i32
    %dma_wait3A_13 = tpu.memref_slice %arg2[%dma_wait3A_12] : memref<320000xi32, #tpu.memory_space<hbm>> -> memref<80xi32, #tpu.memory_space<hbm>>
    tpu.wait_dma2 semaphore(%arg19 : memref<!tpu.dma_semaphore, #tpu.memory_space<semaphore_mem>>) src(%dma_wait3A_13 : memref<80xi32, #tpu.memory_space<hbm>>) dst(%arg8 : memref<80xi32, #tpu.memory_space<vmem>>)
    %dma_wait3A_14 = arith.constant 0 : i32
    %dma_wait3A_15 = tpu.memref_slice %arg3[%dma_wait3A_14] : memref<320000xi32, #tpu.memory_space<hbm>> -> memref<80xi32, #tpu.memory_space<hbm>>
    %dma_wait3A_16 = arith.constant 0 : i32
    %dma_wait3A_17 = tpu.memref_slice %arg3[%dma_wait3A_16] : memref<320000xi32, #tpu.memory_space<hbm>> -> memref<80xi32, #tpu.memory_space<hbm>>
    tpu.wait_dma2 semaphore(%arg20 : memref<!tpu.dma_semaphore, #tpu.memory_space<semaphore_mem>>) src(%dma_wait3A_17 : memref<80xi32, #tpu.memory_space<hbm>>) dst(%arg9 : memref<80xi32, #tpu.memory_space<vmem>>)
    %dma_start3A_18 = arith.constant 0 : i32
    %dma_start3A_19 = arith.constant 0 : i32
    %dma_start3A_20 = tpu.memref_slice %arg4[%dma_start3A_18, %dma_start3A_19] : memref<10000x128xf32, #tpu.memory_space<hbm>> -> memref<10000x128xf32, #tpu.memory_space<hbm>>
    tpu.enqueue_indirect_dma source(%dma_start3A_20 : memref<10000x128xf32, #tpu.memory_space<hbm>>) target(%arg14 : memref<80x128xf32, #tpu.memory_space<vmem>>) offsets(%arg8 : memref<80xi32, #tpu.memory_space<vmem>>) semaphore(%arg23 : memref<!tpu.dma_semaphore, #tpu.memory_space<semaphore_mem>>)
    %dma_start3A_21 = arith.constant 0 : i32
    %dma_start3A_22 = arith.constant 0 : i32
    %dma_start3A_23 = tpu.memref_slice %arg5[%dma_start3A_21, %dma_start3A_22] : memref<40000x128xf32, #tpu.memory_space<hbm>> -> memref<40000x128xf32, #tpu.memory_space<hbm>>
    tpu.enqueue_indirect_dma source(%dma_start3A_23 : memref<40000x128xf32, #tpu.memory_space<hbm>>) target(%arg15 : memref<80x128xf32, #tpu.memory_space<vmem>>) offsets(%arg9 : memref<80xi32, #tpu.memory_space<vmem>>) semaphore(%arg24 : memref<!tpu.dma_semaphore, #tpu.memory_space<semaphore_mem>>)
    %add3A_24 = arith.constant 80 : i32
    %add3A_25 = arith.addi %mul3A_4, %add3A_24 : i32
    %min3A_26 = arith.constant 319920 : i32
    %min3A_27 = arith.minsi %add3A_25, %min3A_26 : i32
    %dma_start3A_28 = tpu.memref_slice %arg2[%min3A_27] : memref<320000xi32, #tpu.memory_space<hbm>> -> memref<80xi32, #tpu.memory_space<hbm>>
    %dma_start3A_29 = tpu.memref_slice %arg2[%min3A_27] : memref<320000xi32, #tpu.memory_space<hbm>> -> memref<80xi32, #tpu.memory_space<hbm>>
    tpu.enqueue_dma source(%dma_start3A_29 : memref<80xi32, #tpu.memory_space<hbm>>) target(%arg10 : memref<80xi32, #tpu.memory_space<vmem>>) target_semaphore(%arg21 : memref<!tpu.dma_semaphore, #tpu.memory_space<semaphore_mem>>)
    %dma_start3A_30 = tpu.memref_slice %arg3[%min3A_27] : memref<320000xi32, #tpu.memory_space<hbm>> -> memref<80xi32, #tpu.memory_space<hbm>>
    %dma_start3A_31 = tpu.memref_slice %arg3[%min3A_27] : memref<320000xi32, #tpu.memory_space<hbm>> -> memref<80xi32, #tpu.memory_space<hbm>>
    tpu.enqueue_dma source(%dma_start3A_31 : memref<80xi32, #tpu.memory_space<hbm>>) target(%arg11 : memref<80xi32, #tpu.memory_space<vmem>>) target_semaphore(%arg22 : memref<!tpu.dma_semaphore, #tpu.memory_space<semaphore_mem>>)
    %dma_wait3A_32 = arith.constant 0 : i32
    %dma_wait3A_33 = tpu.memref_slice %arg2[%dma_wait3A_32] : memref<320000xi32, #tpu.memory_space<hbm>> -> memref<80xi32, #tpu.memory_space<hbm>>
    %dma_wait3A_34 = arith.constant 0 : i32
    %dma_wait3A_35 = tpu.memref_slice %arg2[%dma_wait3A_34] : memref<320000xi32, #tpu.memory_space<hbm>> -> memref<80xi32, #tpu.memory_space<hbm>>
    tpu.wait_dma2 semaphore(%arg21 : memref<!tpu.dma_semaphore, #tpu.memory_space<semaphore_mem>>) src(%dma_wait3A_35 : memref<80xi32, #tpu.memory_space<hbm>>) dst(%arg10 : memref<80xi32, #tpu.memory_space<vmem>>)
    %dma_wait3A_36 = arith.constant 0 : i32
    %dma_wait3A_37 = tpu.memref_slice %arg3[%dma_wait3A_36] : memref<320000xi32, #tpu.memory_space<hbm>> -> memref<80xi32, #tpu.memory_space<hbm>>
    %dma_wait3A_38 = arith.constant 0 : i32
    %dma_wait3A_39 = tpu.memref_slice %arg3[%dma_wait3A_38] : memref<320000xi32, #tpu.memory_space<hbm>> -> memref<80xi32, #tpu.memory_space<hbm>>
    tpu.wait_dma2 semaphore(%arg22 : memref<!tpu.dma_semaphore, #tpu.memory_space<semaphore_mem>>) src(%dma_wait3A_39 : memref<80xi32, #tpu.memory_space<hbm>>) dst(%arg11 : memref<80xi32, #tpu.memory_space<vmem>>)
    %dma_start3A_40 = arith.constant 0 : i32
    %dma_start3A_41 = arith.constant 0 : i32
    %dma_start3A_42 = tpu.memref_slice %arg4[%dma_start3A_40, %dma_start3A_41] : memref<10000x128xf32, #tpu.memory_space<hbm>> -> memref<10000x128xf32, #tpu.memory_space<hbm>>
    tpu.enqueue_indirect_dma source(%dma_start3A_42 : memref<10000x128xf32, #tpu.memory_space<hbm>>) target(%arg16 : memref<80x128xf32, #tpu.memory_space<vmem>>) offsets(%arg10 : memref<80xi32, #tpu.memory_space<vmem>>) semaphore(%arg25 : memref<!tpu.dma_semaphore, #tpu.memory_space<semaphore_mem>>)
    %dma_start3A_43 = arith.constant 0 : i32
    %dma_start3A_44 = arith.constant 0 : i32
    %dma_start3A_45 = tpu.memref_slice %arg5[%dma_start3A_43, %dma_start3A_44] : memref<40000x128xf32, #tpu.memory_space<hbm>> -> memref<40000x128xf32, #tpu.memory_space<hbm>>
    tpu.enqueue_indirect_dma source(%dma_start3A_45 : memref<40000x128xf32, #tpu.memory_space<hbm>>) target(%arg17 : memref<80x128xf32, #tpu.memory_space<vmem>>) offsets(%arg11 : memref<80xi32, #tpu.memory_space<vmem>>) semaphore(%arg26 : memref<!tpu.dma_semaphore, #tpu.memory_space<semaphore_mem>>)
    %dma_wait3A_46 = arith.constant 0 : i32
    %dma_wait3A_47 = arith.constant 0 : i32
    %dma_wait3A_48 = tpu.memref_slice %arg4[%dma_wait3A_46, %dma_wait3A_47] : memref<10000x128xf32, #tpu.memory_space<hbm>> -> memref<10000x128xf32, #tpu.memory_space<hbm>>
    tpu.wait_indirect_dma semaphore(%arg23 : memref<!tpu.dma_semaphore, #tpu.memory_space<semaphore_mem>>) src(%dma_wait3A_48 : memref<10000x128xf32, #tpu.memory_space<hbm>>) dst(%arg14 : memref<80x128xf32, #tpu.memory_space<vmem>>)
    %dma_wait3A_49 = arith.constant 0 : i32
    %dma_wait3A_50 = arith.constant 0 : i32
    %dma_wait3A_51 = tpu.memref_slice %arg5[%dma_wait3A_49, %dma_wait3A_50] : memref<40000x128xf32, #tpu.memory_space<hbm>> -> memref<40000x128xf32, #tpu.memory_space<hbm>>
    tpu.wait_indirect_dma semaphore(%arg24 : memref<!tpu.dma_semaphore, #tpu.memory_space<semaphore_mem>>) src(%dma_wait3A_51 : memref<40000x128xf32, #tpu.memory_space<hbm>>) dst(%arg15 : memref<80x128xf32, #tpu.memory_space<vmem>>)
    %scan3A = arith.constant 0 : i32
    %scan3A_52 = arith.constant 0 : i32
    %scan3A_53 = arith.constant 80 : i32
    %scan3A_54 = arith.addi %scan3A_52, %scan3A_53 : i32
    %scan3A_55 = arith.constant 1 : i32
    scf.for %scan3A_125 = %scan3A_52 to %scan3A_54 step %scan3A_55  : i32 {
      %get3A_126 = arith.index_cast %scan3A_125 : i32 to index
      %get3A_127 = arith.constant 0 : index
      %get3A_128 = tpu.vector_load %arg14[%get3A_126, %get3A_127] {strides = array<i32>} : memref<80x128xf32, #tpu.memory_space<vmem>>, vector<1x16xf32>,
      %get3A_129 = vector.shape_cast %get3A_128 : vector<1x16xf32> to vector<16xf32>
      %get3A_130 = arith.index_cast %scan3A_125 : i32 to index
      %get3A_131 = arith.constant 0 : index
      %get3A_132 = tpu.vector_load %arg15[%get3A_130, %get3A_131] {strides = array<i32>} : memref<80x128xf32, #tpu.memory_space<vmem>>, vector<1x16xf32>,
      %get3A_133 = vector.shape_cast %get3A_132 : vector<1x16xf32> to vector<16xf32>
      %add3A_134 = arith.addf %get3A_129, %get3A_133 : vector<16xf32>
      %max3A = arith.constant 0.000000e+00 : f32
      %max3A_135 = vector.broadcast %max3A : f32 to vector<16xf32>
      %max3A_136 = arith.maximumf %add3A_134, %max3A_135 : vector<16xf32>
      %swap3A_137 = arith.index_cast %scan3A_125 : i32 to index
      %swap3A_138 = arith.constant 0 : index
      %swap3A_139 = tpu.vector_load %arg14[%swap3A_137, %swap3A_138] {strides = array<i32>} : memref<80x128xf32, #tpu.memory_space<vmem>>, vector<1x16xf32>,
      %swap3A_140 = vector.shape_cast %swap3A_139 : vector<1x16xf32> to vector<16xf32>
      %swap3A_141 = vector.shape_cast %max3A_136 : vector<16xf32> to vector<1x16xf32>
      tpu.vector_store %arg14[%swap3A_137, %swap3A_138], %swap3A_141 {strides = array<i32>} : memref<80x128xf32, #tpu.memory_space<vmem>>, vector<1x16xf32>,
      %get3A_142 = arith.index_cast %scan3A_125 : i32 to index
      %get3A_143 = arith.constant 16 : index
      %get3A_144 = tpu.vector_load %arg14[%get3A_142, %get3A_143] {strides = array<i32>} : memref<80x128xf32, #tpu.memory_space<vmem>>, vector<1x16xf32>,
      %get3A_145 = vector.shape_cast %get3A_144 : vector<1x16xf32> to vector<16xf32>
      %get3A_146 = arith.index_cast %scan3A_125 : i32 to index
      %get3A_147 = arith.constant 16 : index
      %get3A_148 = tpu.vector_load %arg15[%get3A_146, %get3A_147] {strides = array<i32>} : memref<80x128xf32, #tpu.memory_space<vmem>>, vector<1x16xf32>,
      %get3A_149 = vector.shape_cast %get3A_148 : vector<1x16xf32> to vector<16xf32>
      %add3A_150 = arith.addf %get3A_145, %get3A_149 : vector<16xf32>
      %max3A_151 = arith.constant 0.000000e+00 : f32
      %max3A_152 = vector.broadcast %max3A_151 : f32 to vector<16xf32>
      %max3A_153 = arith.maximumf %add3A_150, %max3A_152 : vector<16xf32>
      %swap3A_154 = arith.index_cast %scan3A_125 : i32 to index
      %swap3A_155 = arith.constant 16 : index
      %swap3A_156 = tpu.vector_load %arg14[%swap3A_154, %swap3A_155] {strides = array<i32>} : memref<80x128xf32, #tpu.memory_space<vmem>>, vector<1x16xf32>,
      %swap3A_157 = vector.shape_cast %swap3A_156 : vector<1x16xf32> to vector<16xf32>
      %swap3A_158 = vector.shape_cast %max3A_153 : vector<16xf32> to vector<1x16xf32>
      tpu.vector_store %arg14[%swap3A_154, %swap3A_155], %swap3A_158 {strides = array<i32>} : memref<80x128xf32, #tpu.memory_space<vmem>>, vector<1x16xf32>,
      %get3A_159 = arith.index_cast %scan3A_125 : i32 to index
      %get3A_160 = arith.constant 32 : index
      %get3A_161 = tpu.vector_load %arg14[%get3A_159, %get3A_160] {strides = array<i32>} : memref<80x128xf32, #tpu.memory_space<vmem>>, vector<1x16xf32>,
      %get3A_162 = vector.shape_cast %get3A_161 : vector<1x16xf32> to vector<16xf32>
      %get3A_163 = arith.index_cast %scan3A_125 : i32 to index
      %get3A_164 = arith.constant 32 : index
      %get3A_165 = tpu.vector_load %arg15[%get3A_163, %get3A_164] {strides = array<i32>} : memref<80x128xf32, #tpu.memory_space<vmem>>, vector<1x16xf32>,
      %get3A_166 = vector.shape_cast %get3A_165 : vector<1x16xf32> to vector<16xf32>
      %add3A_167 = arith.addf %get3A_162, %get3A_166 : vector<16xf32>
      %max3A_168 = arith.constant 0.000000e+00 : f32
      %max3A_169 = vector.broadcast %max3A_168 : f32 to vector<16xf32>
      %max3A_170 = arith.maximumf %add3A_167, %max3A_169 : vector<16xf32>
      %swap3A_171 = arith.index_cast %scan3A_125 : i32 to index
      %swap3A_172 = arith.constant 32 : index
      %swap3A_173 = tpu.vector_load %arg14[%swap3A_171, %swap3A_172] {strides = array<i32>} : memref<80x128xf32, #tpu.memory_space<vmem>>, vector<1x16xf32>,
      %swap3A_174 = vector.shape_cast %swap3A_173 : vector<1x16xf32> to vector<16xf32>
      %swap3A_175 = vector.shape_cast %max3A_170 : vector<16xf32> to vector<1x16xf32>
      tpu.vector_store %arg14[%swap3A_171, %swap3A_172], %swap3A_175 {strides = array<i32>} : memref<80x128xf32, #tpu.memory_space<vmem>>, vector<1x16xf32>,
      %get3A_176 = arith.index_cast %scan3A_125 : i32 to index
      %get3A_177 = arith.constant 48 : index
      %get3A_178 = tpu.vector_load %arg14[%get3A_176, %get3A_177] {strides = array<i32>} : memref<80x128xf32, #tpu.memory_space<vmem>>, vector<1x16xf32>,
      %get3A_179 = vector.shape_cast %get3A_178 : vector<1x16xf32> to vector<16xf32>
      %get3A_180 = arith.index_cast %scan3A_125 : i32 to index
      %get3A_181 = arith.constant 48 : index
      %get3A_182 = tpu.vector_load %arg15[%get3A_180, %get3A_181] {strides = array<i32>} : memref<80x128xf32, #tpu.memory_space<vmem>>, vector<1x16xf32>,
      %get3A_183 = vector.shape_cast %get3A_182 : vector<1x16xf32> to vector<16xf32>
      %add3A_184 = arith.addf %get3A_179, %get3A_183 : vector<16xf32>
      %max3A_185 = arith.constant 0.000000e+00 : f32
      %max3A_186 = vector.broadcast %max3A_185 : f32 to vector<16xf32>
      %max3A_187 = arith.maximumf %add3A_184, %max3A_186 : vector<16xf32>
      %swap3A_188 = arith.index_cast %scan3A_125 : i32 to index
      %swap3A_189 = arith.constant 48 : index
      %swap3A_190 = tpu.vector_load %arg14[%swap3A_188, %swap3A_189] {strides = array<i32>} : memref<80x128xf32, #tpu.memory_space<vmem>>, vector<1x16xf32>,
      %swap3A_191 = vector.shape_cast %swap3A_190 : vector<1x16xf32> to vector<16xf32>
      %swap3A_192 = vector.shape_cast %max3A_187 : vector<16xf32> to vector<1x16xf32>
      tpu.vector_store %arg14[%swap3A_188, %swap3A_189], %swap3A_192 {strides = array<i32>} : memref<80x128xf32, #tpu.memory_space<vmem>>, vector<1x16xf32>,
      %get3A_193 = arith.index_cast %scan3A_125 : i32 to index
      %get3A_194 = arith.constant 64 : index
      %get3A_195 = tpu.vector_load %arg14[%get3A_193, %get3A_194] {strides = array<i32>} : memref<80x128xf32, #tpu.memory_space<vmem>>, vector<1x16xf32>,
      %get3A_196 = vector.shape_cast %get3A_195 : vector<1x16xf32> to vector<16xf32>
      %get3A_197 = arith.index_cast %scan3A_125 : i32 to index
      %get3A_198 = arith.constant 64 : index
      %get3A_199 = tpu.vector_load %arg15[%get3A_197, %get3A_198] {strides = array<i32>} : memref<80x128xf32, #tpu.memory_space<vmem>>, vector<1x16xf32>,
      %get3A_200 = vector.shape_cast %get3A_199 : vector<1x16xf32> to vector<16xf32>
      %add3A_201 = arith.addf %get3A_196, %get3A_200 : vector<16xf32>
      %max3A_202 = arith.constant 0.000000e+00 : f32
      %max3A_203 = vector.broadcast %max3A_202 : f32 to vector<16xf32>
      %max3A_204 = arith.maximumf %add3A_201, %max3A_203 : vector<16xf32>
      %swap3A_205 = arith.index_cast %scan3A_125 : i32 to index
      %swap3A_206 = arith.constant 64 : index
      %swap3A_207 = tpu.vector_load %arg14[%swap3A_205, %swap3A_206] {strides = array<i32>} : memref<80x128xf32, #tpu.memory_space<vmem>>, vector<1x16xf32>,
      %swap3A_208 = vector.shape_cast %swap3A_207 : vector<1x16xf32> to vector<16xf32>
      %swap3A_209 = vector.shape_cast %max3A_204 : vector<16xf32> to vector<1x16xf32>
      tpu.vector_store %arg14[%swap3A_205, %swap3A_206], %swap3A_209 {strides = array<i32>} : memref<80x128xf32, #tpu.memory_space<vmem>>, vector<1x16xf32>,
      %get3A_210 = arith.index_cast %scan3A_125 : i32 to index
      %get3A_211 = arith.constant 80 : index
      %get3A_212 = tpu.vector_load %arg14[%get3A_210, %get3A_211] {strides = array<i32>} : memref<80x128xf32, #tpu.memory_space<vmem>>, vector<1x16xf32>,
      %get3A_213 = vector.shape_cast %get3A_212 : vector<1x16xf32> to vector<16xf32>
      %get3A_214 = arith.index_cast %scan3A_125 : i32 to index
      %get3A_215 = arith.constant 80 : index
      %get3A_216 = tpu.vector_load %arg15[%get3A_214, %get3A_215] {strides = array<i32>} : memref<80x128xf32, #tpu.memory_space<vmem>>, vector<1x16xf32>,
      %get3A_217 = vector.shape_cast %get3A_216 : vector<1x16xf32> to vector<16xf32>
      %add3A_218 = arith.addf %get3A_213, %get3A_217 : vector<16xf32>
      %max3A_219 = arith.constant 0.000000e+00 : f32
      %max3A_220 = vector.broadcast %max3A_219 : f32 to vector<16xf32>
      %max3A_221 = arith.maximumf %add3A_218, %max3A_220 : vector<16xf32>
      %swap3A_222 = arith.index_cast %scan3A_125 : i32 to index
      %swap3A_223 = arith.constant 80 : index
      %swap3A_224 = tpu.vector_load %arg14[%swap3A_222, %swap3A_223] {strides = array<i32>} : memref<80x128xf32, #tpu.memory_space<vmem>>, vector<1x16xf32>,
      %swap3A_225 = vector.shape_cast %swap3A_224 : vector<1x16xf32> to vector<16xf32>
      %swap3A_226 = vector.shape_cast %max3A_221 : vector<16xf32> to vector<1x16xf32>
      tpu.vector_store %arg14[%swap3A_222, %swap3A_223], %swap3A_226 {strides = array<i32>} : memref<80x128xf32, #tpu.memory_space<vmem>>, vector<1x16xf32>,
      %get3A_227 = arith.index_cast %scan3A_125 : i32 to index
      %get3A_228 = arith.constant 96 : index
      %get3A_229 = tpu.vector_load %arg14[%get3A_227, %get3A_228] {strides = array<i32>} : memref<80x128xf32, #tpu.memory_space<vmem>>, vector<1x16xf32>,
      %get3A_230 = vector.shape_cast %get3A_229 : vector<1x16xf32> to vector<16xf32>
      %get3A_231 = arith.index_cast %scan3A_125 : i32 to index
      %get3A_232 = arith.constant 96 : index
      %get3A_233 = tpu.vector_load %arg15[%get3A_231, %get3A_232] {strides = array<i32>} : memref<80x128xf32, #tpu.memory_space<vmem>>, vector<1x16xf32>,
      %get3A_234 = vector.shape_cast %get3A_233 : vector<1x16xf32> to vector<16xf32>
      %add3A_235 = arith.addf %get3A_230, %get3A_234 : vector<16xf32>
      %max3A_236 = arith.constant 0.000000e+00 : f32
      %max3A_237 = vector.broadcast %max3A_236 : f32 to vector<16xf32>
      %max3A_238 = arith.maximumf %add3A_235, %max3A_237 : vector<16xf32>
      %swap3A_239 = arith.index_cast %scan3A_125 : i32 to index
      %swap3A_240 = arith.constant 96 : index
      %swap3A_241 = tpu.vector_load %arg14[%swap3A_239, %swap3A_240] {strides = array<i32>} : memref<80x128xf32, #tpu.memory_space<vmem>>, vector<1x16xf32>,
      %swap3A_242 = vector.shape_cast %swap3A_241 : vector<1x16xf32> to vector<16xf32>
      %swap3A_243 = vector.shape_cast %max3A_238 : vector<16xf32> to vector<1x16xf32>
      tpu.vector_store %arg14[%swap3A_239, %swap3A_240], %swap3A_243 {strides = array<i32>} : memref<80x128xf32, #tpu.memory_space<vmem>>, vector<1x16xf32>,
      %get3A_244 = arith.index_cast %scan3A_125 : i32 to index
      %get3A_245 = arith.constant 112 : index
      %get3A_246 = tpu.vector_load %arg14[%get3A_244, %get3A_245] {strides = array<i32>} : memref<80x128xf32, #tpu.memory_space<vmem>>, vector<1x16xf32>,
      %get3A_247 = vector.shape_cast %get3A_246 : vector<1x16xf32> to vector<16xf32>
      %get3A_248 = arith.index_cast %scan3A_125 : i32 to index
      %get3A_249 = arith.constant 112 : index
      %get3A_250 = tpu.vector_load %arg15[%get3A_248, %get3A_249] {strides = array<i32>} : memref<80x128xf32, #tpu.memory_space<vmem>>, vector<1x16xf32>,
      %get3A_251 = vector.shape_cast %get3A_250 : vector<1x16xf32> to vector<16xf32>
      %add3A_252 = arith.addf %get3A_247, %get3A_251 : vector<16xf32>
      %max3A_253 = arith.constant 0.000000e+00 : f32
      %max3A_254 = vector.broadcast %max3A_253 : f32 to vector<16xf32>
      %max3A_255 = arith.maximumf %add3A_252, %max3A_254 : vector<16xf32>
      %swap3A_256 = arith.index_cast %scan3A_125 : i32 to index
      %swap3A_257 = arith.constant 112 : index
      %swap3A_258 = tpu.vector_load %arg14[%swap3A_256, %swap3A_257] {strides = array<i32>} : memref<80x128xf32, #tpu.memory_space<vmem>>, vector<1x16xf32>,
      %swap3A_259 = vector.shape_cast %swap3A_258 : vector<1x16xf32> to vector<16xf32>
      %swap3A_260 = vector.shape_cast %max3A_255 : vector<16xf32> to vector<1x16xf32>
      tpu.vector_store %arg14[%swap3A_256, %swap3A_257], %swap3A_260 {strides = array<i32>} : memref<80x128xf32, #tpu.memory_space<vmem>>, vector<1x16xf32>,
    }
    %scan3A_56 = arith.constant 80 : i32
    %get3A = arith.constant 0 : index
    %get3A_57 = tpu.vector_load %arg8[%get3A] {strides = array<i32>} : memref<80xi32, #tpu.memory_space<vmem>>, vector<16xi32>,
    %get3A_58 = vector.shape_cast %get3A_57 : vector<16xi32> to vector<16xi32>
    %swap3A = arith.constant 0 : index
    %swap3A_59 = tpu.vector_load %arg12[%swap3A] {strides = array<i32>} : memref<80xi32, #tpu.memory_space<vmem>>, vector<16xi32>,
    %swap3A_60 = vector.shape_cast %swap3A_59 : vector<16xi32> to vector<16xi32>
    %swap3A_61 = vector.shape_cast %get3A_58 : vector<16xi32> to vector<16xi32>
    tpu.vector_store %arg12[%swap3A], %swap3A_61 {strides = array<i32>} : memref<80xi32, #tpu.memory_space<vmem>>, vector<16xi32>,
    %get3A_62 = arith.constant 16 : index
    %get3A_63 = tpu.vector_load %arg8[%get3A_62] {strides = array<i32>} : memref<80xi32, #tpu.memory_space<vmem>>, vector<16xi32>,
    %get3A_64 = vector.shape_cast %get3A_63 : vector<16xi32> to vector<16xi32>
    %swap3A_65 = arith.constant 16 : index
    %swap3A_66 = tpu.vector_load %arg12[%swap3A_65] {strides = array<i32>} : memref<80xi32, #tpu.memory_space<vmem>>, vector<16xi32>,
    %swap3A_67 = vector.shape_cast %swap3A_66 : vector<16xi32> to vector<16xi32>
    %swap3A_68 = vector.shape_cast %get3A_64 : vector<16xi32> to vector<16xi32>
    tpu.vector_store %arg12[%swap3A_65], %swap3A_68 {strides = array<i32>} : memref<80xi32, #tpu.memory_space<vmem>>, vector<16xi32>,
    %get3A_69 = arith.constant 32 : index
    %get3A_70 = tpu.vector_load %arg8[%get3A_69] {strides = array<i32>} : memref<80xi32, #tpu.memory_space<vmem>>, vector<16xi32>,
    %get3A_71 = vector.shape_cast %get3A_70 : vector<16xi32> to vector<16xi32>
    %swap3A_72 = arith.constant 32 : index
    %swap3A_73 = tpu.vector_load %arg12[%swap3A_72] {strides = array<i32>} : memref<80xi32, #tpu.memory_space<vmem>>, vector<16xi32>,
    %swap3A_74 = vector.shape_cast %swap3A_73 : vector<16xi32> to vector<16xi32>
    %swap3A_75 = vector.shape_cast %get3A_71 : vector<16xi32> to vector<16xi32>
    tpu.vector_store %arg12[%swap3A_72], %swap3A_75 {strides = array<i32>} : memref<80xi32, #tpu.memory_space<vmem>>, vector<16xi32>,
    %get3A_76 = arith.constant 48 : index
    %get3A_77 = tpu.vector_load %arg8[%get3A_76] {strides = array<i32>} : memref<80xi32, #tpu.memory_space<vmem>>, vector<16xi32>,
    %get3A_78 = vector.shape_cast %get3A_77 : vector<16xi32> to vector<16xi32>
    %swap3A_79 = arith.constant 48 : index
    %swap3A_80 = tpu.vector_load %arg12[%swap3A_79] {strides = array<i32>} : memref<80xi32, #tpu.memory_space<vmem>>, vector<16xi32>,
    %swap3A_81 = vector.shape_cast %swap3A_80 : vector<16xi32> to vector<16xi32>
    %swap3A_82 = vector.shape_cast %get3A_78 : vector<16xi32> to vector<16xi32>
    tpu.vector_store %arg12[%swap3A_79], %swap3A_82 {strides = array<i32>} : memref<80xi32, #tpu.memory_space<vmem>>, vector<16xi32>,
    %get3A_83 = arith.constant 64 : index
    %get3A_84 = tpu.vector_load %arg8[%get3A_83] {strides = array<i32>} : memref<80xi32, #tpu.memory_space<vmem>>, vector<16xi32>,
    %get3A_85 = vector.shape_cast %get3A_84 : vector<16xi32> to vector<16xi32>
    %swap3A_86 = arith.constant 64 : index
    %swap3A_87 = tpu.vector_load %arg12[%swap3A_86] {strides = array<i32>} : memref<80xi32, #tpu.memory_space<vmem>>, vector<16xi32>,
    %swap3A_88 = vector.shape_cast %swap3A_87 : vector<16xi32> to vector<16xi32>
    %swap3A_89 = vector.shape_cast %get3A_85 : vector<16xi32> to vector<16xi32>
    tpu.vector_store %arg12[%swap3A_86], %swap3A_89 {strides = array<i32>} : memref<80xi32, #tpu.memory_space<vmem>>, vector<16xi32>,
    %dma_start3A_90 = arith.constant 0 : i32
    %dma_start3A_91 = arith.constant 0 : i32
    %dma_start3A_92 = tpu.memref_slice %arg18[%dma_start3A_90, %dma_start3A_91] : memref<10112x128xf32, #tpu.memory_space<vmem_shared>> -> memref<10112x128xf32, #tpu.memory_space<vmem_shared>>
    tpu.enqueue_indirect_dma source(%arg14 : memref<80x128xf32, #tpu.memory_space<vmem>>) target(%dma_start3A_92 : memref<10112x128xf32, #tpu.memory_space<vmem_shared>>) offsets(%arg12 : memref<80xi32, #tpu.memory_space<vmem>>) semaphore(%arg27 : memref<!tpu.dma_semaphore, #tpu.memory_space<semaphore_mem>>) {add = true}
    %add3A_93 = arith.constant 160 : i32
    %add3A_94 = arith.addi %mul3A_4, %add3A_93 : i32
    %min3A_95 = arith.constant 319920 : i32
    %min3A_96 = arith.minsi %add3A_94, %min3A_95 : i32
    %dma_start3A_97 = tpu.memref_slice %arg2[%min3A_96] : memref<320000xi32, #tpu.memory_space<hbm>> -> memref<80xi32, #tpu.memory_space<hbm>>
    %dma_start3A_98 = tpu.memref_slice %arg2[%min3A_96] : memref<320000xi32, #tpu.memory_space<hbm>> -> memref<80xi32, #tpu.memory_space<hbm>>
    tpu.enqueue_dma source(%dma_start3A_98 : memref<80xi32, #tpu.memory_space<hbm>>) target(%arg8 : memref<80xi32, #tpu.memory_space<vmem>>) target_semaphore(%arg19 : memref<!tpu.dma_semaphore, #tpu.memory_space<semaphore_mem>>)
    %dma_start3A_99 = tpu.memref_slice %arg3[%min3A_96] : memref<320000xi32, #tpu.memory_space<hbm>> -> memref<80xi32, #tpu.memory_space<hbm>>
    %dma_start3A_100 = tpu.memref_slice %arg3[%min3A_96] : memref<320000xi32, #tpu.memory_space<hbm>> -> memref<80xi32, #tpu.memory_space<hbm>>
    tpu.enqueue_dma source(%dma_start3A_100 : memref<80xi32, #tpu.memory_space<hbm>>) target(%arg9 : memref<80xi32, #tpu.memory_space<vmem>>) target_semaphore(%arg20 : memref<!tpu.dma_semaphore, #tpu.memory_space<semaphore_mem>>)
    %scan3A_101 = arith.constant 0 : i32
    %scan3A_102 = arith.constant 0 : i32
    %scan3A_103 = arith.constant 62 : i32
    %scan3A_104 = arith.addi %scan3A_102, %scan3A_103 : i32
    %scan3A_105 = arith.constant 1 : i32
    scf.for %scan3A_125 = %scan3A_102 to %scan3A_104 step %scan3A_105  : i32 {
      %mul3A_126 = arith.constant 2 : i32
      %mul3A_127 = arith.muli %mul3A_126, %scan3A_125 : i32
      %add3A_128 = arith.constant 1 : i32
      %add3A_129 = arith.addi %mul3A_127, %add3A_128 : i32
      %dma_wait3A_130 = arith.constant 0 : i32
      %dma_wait3A_131 = tpu.memref_slice %arg2[%dma_wait3A_130] : memref<320000xi32, #tpu.memory_space<hbm>> -> memref<80xi32, #tpu.memory_space<hbm>>
      %dma_wait3A_132 = arith.constant 0 : i32
      %dma_wait3A_133 = tpu.memref_slice %arg2[%dma_wait3A_132] : memref<320000xi32, #tpu.memory_space<hbm>> -> memref<80xi32, #tpu.memory_space<hbm>>
      tpu.wait_dma2 semaphore(%arg19 : memref<!tpu.dma_semaphore, #tpu.memory_space<semaphore_mem>>) src(%dma_wait3A_133 : memref<80xi32, #tpu.memory_space<hbm>>) dst(%arg8 : memref<80xi32, #tpu.memory_space<vmem>>)
      %dma_wait3A_134 = arith.constant 0 : i32
      %dma_wait3A_135 = tpu.memref_slice %arg3[%dma_wait3A_134] : memref<320000xi32, #tpu.memory_space<hbm>> -> memref<80xi32, #tpu.memory_space<hbm>>
      %dma_wait3A_136 = arith.constant 0 : i32
      %dma_wait3A_137 = tpu.memref_slice %arg3[%dma_wait3A_136] : memref<320000xi32, #tpu.memory_space<hbm>> -> memref<80xi32, #tpu.memory_space<hbm>>
      tpu.wait_dma2 semaphore(%arg20 : memref<!tpu.dma_semaphore, #tpu.memory_space<semaphore_mem>>) src(%dma_wait3A_137 : memref<80xi32, #tpu.memory_space<hbm>>) dst(%arg9 : memref<80xi32, #tpu.memory_space<vmem>>)
      %dma_wait3A_138 = arith.constant 0 : i32
      %dma_wait3A_139 = arith.constant 0 : i32
      %dma_wait3A_140 = tpu.memref_slice %arg18[%dma_wait3A_138, %dma_wait3A_139] : memref<10112x128xf32, #tpu.memory_space<vmem_shared>> -> memref<10112x128xf32, #tpu.memory_space<vmem_shared>>
      tpu.wait_indirect_dma semaphore(%arg27 : memref<!tpu.dma_semaphore, #tpu.memory_space<semaphore_mem>>) src(%arg14 : memref<80x128xf32, #tpu.memory_space<vmem>>) dst(%dma_wait3A_140 : memref<10112x128xf32, #tpu.memory_space<vmem_shared>>)
      %dma_start3A_141 = arith.constant 0 : i32
      %dma_start3A_142 = arith.constant 0 : i32
      %dma_start3A_143 = tpu.memref_slice %arg4[%dma_start3A_141, %dma_start3A_142] : memref<10000x128xf32, #tpu.memory_space<hbm>> -> memref<10000x128xf32, #tpu.memory_space<hbm>>
      tpu.enqueue_indirect_dma source(%dma_start3A_143 : memref<10000x128xf32, #tpu.memory_space<hbm>>) target(%arg14 : memref<80x128xf32, #tpu.memory_space<vmem>>) offsets(%arg8 : memref<80xi32, #tpu.memory_space<vmem>>) semaphore(%arg23 : memref<!tpu.dma_semaphore, #tpu.memory_space<semaphore_mem>>)
      %dma_start3A_144 = arith.constant 0 : i32
      %dma_start3A_145 = arith.constant 0 : i32
      %dma_start3A_146 = tpu.memref_slice %arg5[%dma_start3A_144, %dma_start3A_145] : memref<40000x128xf32, #tpu.memory_space<hbm>> -> memref<40000x128xf32, #tpu.memory_space<hbm>>
      tpu.enqueue_indirect_dma source(%dma_start3A_146 : memref<40000x128xf32, #tpu.memory_space<hbm>>) target(%arg15 : memref<80x128xf32, #tpu.memory_space<vmem>>) offsets(%arg9 : memref<80xi32, #tpu.memory_space<vmem>>) semaphore(%arg24 : memref<!tpu.dma_semaphore, #tpu.memory_space<semaphore_mem>>)
      %dma_wait3A_147 = arith.constant 0 : i32
      %dma_wait3A_148 = arith.constant 0 : i32
      %dma_wait3A_149 = tpu.memref_slice %arg4[%dma_wait3A_147, %dma_wait3A_148] : memref<10000x128xf32, #tpu.memory_space<hbm>> -> memref<10000x128xf32, #tpu.memory_space<hbm>>
      tpu.wait_indirect_dma semaphore(%arg25 : memref<!tpu.dma_semaphore, #tpu.memory_space<semaphore_mem>>) src(%dma_wait3A_149 : memref<10000x128xf32, #tpu.memory_space<hbm>>) dst(%arg16 : memref<80x128xf32, #tpu.memory_space<vmem>>)
      %dma_wait3A_150 = arith.constant 0 : i32
      %dma_wait3A_151 = arith.constant 0 : i32
      %dma_wait3A_152 = tpu.memref_slice %arg5[%dma_wait3A_150, %dma_wait3A_151] : memref<40000x128xf32, #tpu.memory_space<hbm>> -> memref<40000x128xf32, #tpu.memory_space<hbm>>
      tpu.wait_indirect_dma semaphore(%arg26 : memref<!tpu.dma_semaphore, #tpu.memory_space<semaphore_mem>>) src(%dma_wait3A_152 : memref<40000x128xf32, #tpu.memory_space<hbm>>) dst(%arg17 : memref<80x128xf32, #tpu.memory_space<vmem>>)
      %scan3A_153 = arith.constant 0 : i32
      %scan3A_154 = arith.constant 0 : i32
      %scan3A_155 = arith.constant 80 : i32
      %scan3A_156 = arith.addi %scan3A_154, %scan3A_155 : i32
      %scan3A_157 = arith.constant 1 : i32
      scf.for %scan3A_290 = %scan3A_154 to %scan3A_156 step %scan3A_157  : i32 {
        %get3A_291 = arith.index_cast %scan3A_290 : i32 to index
        %get3A_292 = arith.constant 0 : index
        %get3A_293 = tpu.vector_load %arg16[%get3A_291, %get3A_292] {strides = array<i32>} : memref<80x128xf32, #tpu.memory_space<vmem>>, vector<1x16xf32>,
        %get3A_294 = vector.shape_cast %get3A_293 : vector<1x16xf32> to vector<16xf32>
        %get3A_295 = arith.index_cast %scan3A_290 : i32 to index
        %get3A_296 = arith.constant 0 : index
        %get3A_297 = tpu.vector_load %arg17[%get3A_295, %get3A_296] {strides = array<i32>} : memref<80x128xf32, #tpu.memory_space<vmem>>, vector<1x16xf32>,
        %get3A_298 = vector.shape_cast %get3A_297 : vector<1x16xf32> to vector<16xf32>
        %add3A_299 = arith.addf %get3A_294, %get3A_298 : vector<16xf32>
        %max3A = arith.constant 0.000000e+00 : f32
        %max3A_300 = vector.broadcast %max3A : f32 to vector<16xf32>
        %max3A_301 = arith.maximumf %add3A_299, %max3A_300 : vector<16xf32>
        %swap3A_302 = arith.index_cast %scan3A_290 : i32 to index
        %swap3A_303 = arith.constant 0 : index
        %swap3A_304 = tpu.vector_load %arg16[%swap3A_302, %swap3A_303] {strides = array<i32>} : memref<80x128xf32, #tpu.memory_space<vmem>>, vector<1x16xf32>,
        %swap3A_305 = vector.shape_cast %swap3A_304 : vector<1x16xf32> to vector<16xf32>
        %swap3A_306 = vector.shape_cast %max3A_301 : vector<16xf32> to vector<1x16xf32>
        tpu.vector_store %arg16[%swap3A_302, %swap3A_303], %swap3A_306 {strides = array<i32>} : memref<80x128xf32, #tpu.memory_space<vmem>>, vector<1x16xf32>,
        %get3A_307 = arith.index_cast %scan3A_290 : i32 to index
        %get3A_308 = arith.constant 16 : index
        %get3A_309 = tpu.vector_load %arg16[%get3A_307, %get3A_308] {strides = array<i32>} : memref<80x128xf32, #tpu.memory_space<vmem>>, vector<1x16xf32>,
        %get3A_310 = vector.shape_cast %get3A_309 : vector<1x16xf32> to vector<16xf32>
        %get3A_311 = arith.index_cast %scan3A_290 : i32 to index
        %get3A_312 = arith.constant 16 : index
        %get3A_313 = tpu.vector_load %arg17[%get3A_311, %get3A_312] {strides = array<i32>} : memref<80x128xf32, #tpu.memory_space<vmem>>, vector<1x16xf32>,
        %get3A_314 = vector.shape_cast %get3A_313 : vector<1x16xf32> to vector<16xf32>
        %add3A_315 = arith.addf %get3A_310, %get3A_314 : vector<16xf32>
        %max3A_316 = arith.constant 0.000000e+00 : f32
        %max3A_317 = vector.broadcast %max3A_316 : f32 to vector<16xf32>
        %max3A_318 = arith.maximumf %add3A_315, %max3A_317 : vector<16xf32>
        %swap3A_319 = arith.index_cast %scan3A_290 : i32 to index
        %swap3A_320 = arith.constant 16 : index
        %swap3A_321 = tpu.vector_load %arg16[%swap3A_319, %swap3A_320] {strides = array<i32>} : memref<80x128xf32, #tpu.memory_space<vmem>>, vector<1x16xf32>,
        %swap3A_322 = vector.shape_cast %swap3A_321 : vector<1x16xf32> to vector<16xf32>
        %swap3A_323 = vector.shape_cast %max3A_318 : vector<16xf32> to vector<1x16xf32>
        tpu.vector_store %arg16[%swap3A_319, %swap3A_320], %swap3A_323 {strides = array<i32>} : memref<80x128xf32, #tpu.memory_space<vmem>>, vector<1x16xf32>,
        %get3A_324 = arith.index_cast %scan3A_290 : i32 to index
        %get3A_325 = arith.constant 32 : index
        %get3A_326 = tpu.vector_load %arg16[%get3A_324, %get3A_325] {strides = array<i32>} : memref<80x128xf32, #tpu.memory_space<vmem>>, vector<1x16xf32>,
        %get3A_327 = vector.shape_cast %get3A_326 : vector<1x16xf32> to vector<16xf32>
        %get3A_328 = arith.index_cast %scan3A_290 : i32 to index
        %get3A_329 = arith.constant 32 : index
        %get3A_330 = tpu.vector_load %arg17[%get3A_328, %get3A_329] {strides = array<i32>} : memref<80x128xf32, #tpu.memory_space<vmem>>, vector<1x16xf32>,
        %get3A_331 = vector.shape_cast %get3A_330 : vector<1x16xf32> to vector<16xf32>
        %add3A_332 = arith.addf %get3A_327, %get3A_331 : vector<16xf32>
        %max3A_333 = arith.constant 0.000000e+00 : f32
        %max3A_334 = vector.broadcast %max3A_333 : f32 to vector<16xf32>
        %max3A_335 = arith.maximumf %add3A_332, %max3A_334 : vector<16xf32>
        %swap3A_336 = arith.index_cast %scan3A_290 : i32 to index
        %swap3A_337 = arith.constant 32 : index
        %swap3A_338 = tpu.vector_load %arg16[%swap3A_336, %swap3A_337] {strides = array<i32>} : memref<80x128xf32, #tpu.memory_space<vmem>>, vector<1x16xf32>,
        %swap3A_339 = vector.shape_cast %swap3A_338 : vector<1x16xf32> to vector<16xf32>
        %swap3A_340 = vector.shape_cast %max3A_335 : vector<16xf32> to vector<1x16xf32>
        tpu.vector_store %arg16[%swap3A_336, %swap3A_337], %swap3A_340 {strides = array<i32>} : memref<80x128xf32, #tpu.memory_space<vmem>>, vector<1x16xf32>,
        %get3A_341 = arith.index_cast %scan3A_290 : i32 to index
        %get3A_342 = arith.constant 48 : index
        %get3A_343 = tpu.vector_load %arg16[%get3A_341, %get3A_342] {strides = array<i32>} : memref<80x128xf32, #tpu.memory_space<vmem>>, vector<1x16xf32>,
        %get3A_344 = vector.shape_cast %get3A_343 : vector<1x16xf32> to vector<16xf32>
        %get3A_345 = arith.index_cast %scan3A_290 : i32 to index
        %get3A_346 = arith.constant 48 : index
        %get3A_347 = tpu.vector_load %arg17[%get3A_345, %get3A_346] {strides = array<i32>} : memref<80x128xf32, #tpu.memory_space<vmem>>, vector<1x16xf32>,
        %get3A_348 = vector.shape_cast %get3A_347 : vector<1x16xf32> to vector<16xf32>
        %add3A_349 = arith.addf %get3A_344, %get3A_348 : vector<16xf32>
        %max3A_350 = arith.constant 0.000000e+00 : f32
        %max3A_351 = vector.broadcast %max3A_350 : f32 to vector<16xf32>
        %max3A_352 = arith.maximumf %add3A_349, %max3A_351 : vector<16xf32>
        %swap3A_353 = arith.index_cast %scan3A_290 : i32 to index
        %swap3A_354 = arith.constant 48 : index
        %swap3A_355 = tpu.vector_load %arg16[%swap3A_353, %swap3A_354] {strides = array<i32>} : memref<80x128xf32, #tpu.memory_space<vmem>>, vector<1x16xf32>,
        %swap3A_356 = vector.shape_cast %swap3A_355 : vector<1x16xf32> to vector<16xf32>
        %swap3A_357 = vector.shape_cast %max3A_352 : vector<16xf32> to vector<1x16xf32>
        tpu.vector_store %arg16[%swap3A_353, %swap3A_354], %swap3A_357 {strides = array<i32>} : memref<80x128xf32, #tpu.memory_space<vmem>>, vector<1x16xf32>,
        %get3A_358 = arith.index_cast %scan3A_290 : i32 to index
        %get3A_359 = arith.constant 64 : index
        %get3A_360 = tpu.vector_load %arg16[%get3A_358, %get3A_359] {strides = array<i32>} : memref<80x128xf32, #tpu.memory_space<vmem>>, vector<1x16xf32>,
        %get3A_361 = vector.shape_cast %get3A_360 : vector<1x16xf32> to vector<16xf32>
        %get3A_362 = arith.index_cast %scan3A_290 : i32 to index
        %get3A_363 = arith.constant 64 : index
        %get3A_364 = tpu.vector_load %arg17[%get3A_362, %get3A_363] {strides = array<i32>} : memref<80x128xf32, #tpu.memory_space<vmem>>, vector<1x16xf32>,
        %get3A_365 = vector.shape_cast %get3A_364 : vector<1x16xf32> to vector<16xf32>
        %add3A_366 = arith.addf %get3A_361, %get3A_365 : vector<16xf32>
        %max3A_367 = arith.constant 0.000000e+00 : f32
        %max3A_368 = vector.broadcast %max3A_367 : f32 to vector<16xf32>
        %max3A_369 = arith.maximumf %add3A_366, %max3A_368 : vector<16xf32>
        %swap3A_370 = arith.index_cast %scan3A_290 : i32 to index
        %swap3A_371 = arith.constant 64 : index
        %swap3A_372 = tpu.vector_load %arg16[%swap3A_370, %swap3A_371] {strides = array<i32>} : memref<80x128xf32, #tpu.memory_space<vmem>>, vector<1x16xf32>,
        %swap3A_373 = vector.shape_cast %swap3A_372 : vector<1x16xf32> to vector<16xf32>
        %swap3A_374 = vector.shape_cast %max3A_369 : vector<16xf32> to vector<1x16xf32>
        tpu.vector_store %arg16[%swap3A_370, %swap3A_371], %swap3A_374 {strides = array<i32>} : memref<80x128xf32, #tpu.memory_space<vmem>>, vector<1x16xf32>,
        %get3A_375 = arith.index_cast %scan3A_290 : i32 to index
        %get3A_376 = arith.constant 80 : index
        %get3A_377 = tpu.vector_load %arg16[%get3A_375, %get3A_376] {strides = array<i32>} : memref<80x128xf32, #tpu.memory_space<vmem>>, vector<1x16xf32>,
        %get3A_378 = vector.shape_cast %get3A_377 : vector<1x16xf32> to vector<16xf32>
        %get3A_379 = arith.index_cast %scan3A_290 : i32 to index
        %get3A_380 = arith.constant 80 : index
        %get3A_381 = tpu.vector_load %arg17[%get3A_379, %get3A_380] {strides = array<i32>} : memref<80x128xf32, #tpu.memory_space<vmem>>, vector<1x16xf32>,
        %get3A_382 = vector.shape_cast %get3A_381 : vector<1x16xf32> to vector<16xf32>
        %add3A_383 = arith.addf %get3A_378, %get3A_382 : vector<16xf32>
        %max3A_384 = arith.constant 0.000000e+00 : f32
        %max3A_385 = vector.broadcast %max3A_384 : f32 to vector<16xf32>
        %max3A_386 = arith.maximumf %add3A_383, %max3A_385 : vector<16xf32>
        %swap3A_387 = arith.index_cast %scan3A_290 : i32 to index
        %swap3A_388 = arith.constant 80 : index
        %swap3A_389 = tpu.vector_load %arg16[%swap3A_387, %swap3A_388] {strides = array<i32>} : memref<80x128xf32, #tpu.memory_space<vmem>>, vector<1x16xf32>,
        %swap3A_390 = vector.shape_cast %swap3A_389 : vector<1x16xf32> to vector<16xf32>
        %swap3A_391 = vector.shape_cast %max3A_386 : vector<16xf32> to vector<1x16xf32>
        tpu.vector_store %arg16[%swap3A_387, %swap3A_388], %swap3A_391 {strides = array<i32>} : memref<80x128xf32, #tpu.memory_space<vmem>>, vector<1x16xf32>,
        %get3A_392 = arith.index_cast %scan3A_290 : i32 to index
        %get3A_393 = arith.constant 96 : index
        %get3A_394 = tpu.vector_load %arg16[%get3A_392, %get3A_393] {strides = array<i32>} : memref<80x128xf32, #tpu.memory_space<vmem>>, vector<1x16xf32>,
        %get3A_395 = vector.shape_cast %get3A_394 : vector<1x16xf32> to vector<16xf32>
        %get3A_396 = arith.index_cast %scan3A_290 : i32 to index
        %get3A_397 = arith.constant 96 : index
        %get3A_398 = tpu.vector_load %arg17[%get3A_396, %get3A_397] {strides = array<i32>} : memref<80x128xf32, #tpu.memory_space<vmem>>, vector<1x16xf32>,
        %get3A_399 = vector.shape_cast %get3A_398 : vector<1x16xf32> to vector<16xf32>
        %add3A_400 = arith.addf %get3A_395, %get3A_399 : vector<16xf32>
        %max3A_401 = arith.constant 0.000000e+00 : f32
        %max3A_402 = vector.broadcast %max3A_401 : f32 to vector<16xf32>
        %max3A_403 = arith.maximumf %add3A_400, %max3A_402 : vector<16xf32>
        %swap3A_404 = arith.index_cast %scan3A_290 : i32 to index
        %swap3A_405 = arith.constant 96 : index
        %swap3A_406 = tpu.vector_load %arg16[%swap3A_404, %swap3A_405] {strides = array<i32>} : memref<80x128xf32, #tpu.memory_space<vmem>>, vector<1x16xf32>,
        %swap3A_407 = vector.shape_cast %swap3A_406 : vector<1x16xf32> to vector<16xf32>
        %swap3A_408 = vector.shape_cast %max3A_403 : vector<16xf32> to vector<1x16xf32>
        tpu.vector_store %arg16[%swap3A_404, %swap3A_405], %swap3A_408 {strides = array<i32>} : memref<80x128xf32, #tpu.memory_space<vmem>>, vector<1x16xf32>,
        %get3A_409 = arith.index_cast %scan3A_290 : i32 to index
        %get3A_410 = arith.constant 112 : index
        %get3A_411 = tpu.vector_load %arg16[%get3A_409, %get3A_410] {strides = array<i32>} : memref<80x128xf32, #tpu.memory_space<vmem>>, vector<1x16xf32>,
        %get3A_412 = vector.shape_cast %get3A_411 : vector<1x16xf32> to vector<16xf32>
        %get3A_413 = arith.index_cast %scan3A_290 : i32 to index
        %get3A_414 = arith.constant 112 : index
        %get3A_415 = tpu.vector_load %arg17[%get3A_413, %get3A_414] {strides = array<i32>} : memref<80x128xf32, #tpu.memory_space<vmem>>, vector<1x16xf32>,
        %get3A_416 = vector.shape_cast %get3A_415 : vector<1x16xf32> to vector<16xf32>
        %add3A_417 = arith.addf %get3A_412, %get3A_416 : vector<16xf32>
        %max3A_418 = arith.constant 0.000000e+00 : f32
        %max3A_419 = vector.broadcast %max3A_418 : f32 to vector<16xf32>
        %max3A_420 = arith.maximumf %add3A_417, %max3A_419 : vector<16xf32>
        %swap3A_421 = arith.index_cast %scan3A_290 : i32 to index
        %swap3A_422 = arith.constant 112 : index
        %swap3A_423 = tpu.vector_load %arg16[%swap3A_421, %swap3A_422] {strides = array<i32>} : memref<80x128xf32, #tpu.memory_space<vmem>>, vector<1x16xf32>,
        %swap3A_424 = vector.shape_cast %swap3A_423 : vector<1x16xf32> to vector<16xf32>
        %swap3A_425 = vector.shape_cast %max3A_420 : vector<16xf32> to vector<1x16xf32>
        tpu.vector_store %arg16[%swap3A_421, %swap3A_422], %swap3A_425 {strides = array<i32>} : memref<80x128xf32, #tpu.memory_space<vmem>>, vector<1x16xf32>,
      }
      %scan3A_158 = arith.constant 80 : i32
      %get3A_159 = arith.constant 0 : index
      %get3A_160 = tpu.vector_load %arg10[%get3A_159] {strides = array<i32>} : memref<80xi32, #tpu.memory_space<vmem>>, vector<16xi32>,
      %get3A_161 = vector.shape_cast %get3A_160 : vector<16xi32> to vector<16xi32>
      %swap3A_162 = arith.constant 0 : index
      %swap3A_163 = tpu.vector_load %arg13[%swap3A_162] {strides = array<i32>} : memref<80xi32, #tpu.memory_space<vmem>>, vector<16xi32>,
      %swap3A_164 = vector.shape_cast %swap3A_163 : vector<16xi32> to vector<16xi32>
      %swap3A_165 = vector.shape_cast %get3A_161 : vector<16xi32> to vector<16xi32>
      tpu.vector_store %arg13[%swap3A_162], %swap3A_165 {strides = array<i32>} : memref<80xi32, #tpu.memory_space<vmem>>, vector<16xi32>,
      %get3A_166 = arith.constant 16 : index
      %get3A_167 = tpu.vector_load %arg10[%get3A_166] {strides = array<i32>} : memref<80xi32, #tpu.memory_space<vmem>>, vector<16xi32>,
      %get3A_168 = vector.shape_cast %get3A_167 : vector<16xi32> to vector<16xi32>
      %swap3A_169 = arith.constant 16 : index
      %swap3A_170 = tpu.vector_load %arg13[%swap3A_169] {strides = array<i32>} : memref<80xi32, #tpu.memory_space<vmem>>, vector<16xi32>,
      %swap3A_171 = vector.shape_cast %swap3A_170 : vector<16xi32> to vector<16xi32>
      %swap3A_172 = vector.shape_cast %get3A_168 : vector<16xi32> to vector<16xi32>
      tpu.vector_store %arg13[%swap3A_169], %swap3A_172 {strides = array<i32>} : memref<80xi32, #tpu.memory_space<vmem>>, vector<16xi32>,
      %get3A_173 = arith.constant 32 : index
      %get3A_174 = tpu.vector_load %arg10[%get3A_173] {strides = array<i32>} : memref<80xi32, #tpu.memory_space<vmem>>, vector<16xi32>,
      %get3A_175 = vector.shape_cast %get3A_174 : vector<16xi32> to vector<16xi32>
      %swap3A_176 = arith.constant 32 : index
      %swap3A_177 = tpu.vector_load %arg13[%swap3A_176] {strides = array<i32>} : memref<80xi32, #tpu.memory_space<vmem>>, vector<16xi32>,
      %swap3A_178 = vector.shape_cast %swap3A_177 : vector<16xi32> to vector<16xi32>
      %swap3A_179 = vector.shape_cast %get3A_175 : vector<16xi32> to vector<16xi32>
      tpu.vector_store %arg13[%swap3A_176], %swap3A_179 {strides = array<i32>} : memref<80xi32, #tpu.memory_space<vmem>>, vector<16xi32>,
      %get3A_180 = arith.constant 48 : index
      %get3A_181 = tpu.vector_load %arg10[%get3A_180] {strides = array<i32>} : memref<80xi32, #tpu.memory_space<vmem>>, vector<16xi32>,
      %get3A_182 = vector.shape_cast %get3A_181 : vector<16xi32> to vector<16xi32>
      %swap3A_183 = arith.constant 48 : index
      %swap3A_184 = tpu.vector_load %arg13[%swap3A_183] {strides = array<i32>} : memref<80xi32, #tpu.memory_space<vmem>>, vector<16xi32>,
      %swap3A_185 = vector.shape_cast %swap3A_184 : vector<16xi32> to vector<16xi32>
      %swap3A_186 = vector.shape_cast %get3A_182 : vector<16xi32> to vector<16xi32>
      tpu.vector_store %arg13[%swap3A_183], %swap3A_186 {strides = array<i32>} : memref<80xi32, #tpu.memory_space<vmem>>, vector<16xi32>,
      %get3A_187 = arith.constant 64 : index
      %get3A_188 = tpu.vector_load %arg10[%get3A_187] {strides = array<i32>} : memref<80xi32, #tpu.memory_space<vmem>>, vector<16xi32>,
      %get3A_189 = vector.shape_cast %get3A_188 : vector<16xi32> to vector<16xi32>
      %swap3A_190 = arith.constant 64 : index
      %swap3A_191 = tpu.vector_load %arg13[%swap3A_190] {strides = array<i32>} : memref<80xi32, #tpu.memory_space<vmem>>, vector<16xi32>,
      %swap3A_192 = vector.shape_cast %swap3A_191 : vector<16xi32> to vector<16xi32>
      %swap3A_193 = vector.shape_cast %get3A_189 : vector<16xi32> to vector<16xi32>
      tpu.vector_store %arg13[%swap3A_190], %swap3A_193 {strides = array<i32>} : memref<80xi32, #tpu.memory_space<vmem>>, vector<16xi32>,
      %dma_start3A_194 = arith.constant 0 : i32
      %dma_start3A_195 = arith.constant 0 : i32
      %dma_start3A_196 = tpu.memref_slice %arg18[%dma_start3A_194, %dma_start3A_195] : memref<10112x128xf32, #tpu.memory_space<vmem_shared>> -> memref<10112x128xf32, #tpu.memory_space<vmem_shared>>
      tpu.enqueue_indirect_dma source(%arg16 : memref<80x128xf32, #tpu.memory_space<vmem>>) target(%dma_start3A_196 : memref<10112x128xf32, #tpu.memory_space<vmem_shared>>) offsets(%arg13 : memref<80xi32, #tpu.memory_space<vmem>>) semaphore(%arg28 : memref<!tpu.dma_semaphore, #tpu.memory_space<semaphore_mem>>) {add = true}
      %add3A_197 = arith.constant 2 : i32
      %add3A_198 = arith.addi %add3A_129, %add3A_197 : i32
      %mul3A_199 = arith.constant 80 : i32
      %mul3A_200 = arith.muli %add3A_198, %mul3A_199 : i32
      %add3A_201 = arith.addi %mul3A_4, %mul3A_200 : i32
      %min3A_202 = arith.constant 319920 : i32
      %min3A_203 = arith.minsi %add3A_201, %min3A_202 : i32
      %dma_start3A_204 = tpu.memref_slice %arg2[%min3A_203] : memref<320000xi32, #tpu.memory_space<hbm>> -> memref<80xi32, #tpu.memory_space<hbm>>
      %dma_start3A_205 = tpu.memref_slice %arg2[%min3A_203] : memref<320000xi32, #tpu.memory_space<hbm>> -> memref<80xi32, #tpu.memory_space<hbm>>
      tpu.enqueue_dma source(%dma_start3A_205 : memref<80xi32, #tpu.memory_space<hbm>>) target(%arg10 : memref<80xi32, #tpu.memory_space<vmem>>) target_semaphore(%arg21 : memref<!tpu.dma_semaphore, #tpu.memory_space<semaphore_mem>>)
      %dma_start3A_206 = tpu.memref_slice %arg3[%min3A_203] : memref<320000xi32, #tpu.memory_space<hbm>> -> memref<80xi32, #tpu.memory_space<hbm>>
      %dma_start3A_207 = tpu.memref_slice %arg3[%min3A_203] : memref<320000xi32, #tpu.memory_space<hbm>> -> memref<80xi32, #tpu.memory_space<hbm>>
      tpu.enqueue_dma source(%dma_start3A_207 : memref<80xi32, #tpu.memory_space<hbm>>) target(%arg11 : memref<80xi32, #tpu.memory_space<vmem>>) target_semaphore(%arg22 : memref<!tpu.dma_semaphore, #tpu.memory_space<semaphore_mem>>)
      %mul3A_208 = arith.constant 2 : i32
      %mul3A_209 = arith.muli %mul3A_208, %scan3A_125 : i32
      %add3A_210 = arith.constant 2 : i32
      %add3A_211 = arith.addi %mul3A_209, %add3A_210 : i32
      %dma_wait3A_212 = arith.constant 0 : i32
      %dma_wait3A_213 = tpu.memref_slice %arg2[%dma_wait3A_212] : memref<320000xi32, #tpu.memory_space<hbm>> -> memref<80xi32, #tpu.memory_space<hbm>>
      %dma_wait3A_214 = arith.constant 0 : i32
      %dma_wait3A_215 = tpu.memref_slice %arg2[%dma_wait3A_214] : memref<320000xi32, #tpu.memory_space<hbm>> -> memref<80xi32, #tpu.memory_space<hbm>>
      tpu.wait_dma2 semaphore(%arg21 : memref<!tpu.dma_semaphore, #tpu.memory_space<semaphore_mem>>) src(%dma_wait3A_215 : memref<80xi32, #tpu.memory_space<hbm>>) dst(%arg10 : memref<80xi32, #tpu.memory_space<vmem>>)
      %dma_wait3A_216 = arith.constant 0 : i32
      %dma_wait3A_217 = tpu.memref_slice %arg3[%dma_wait3A_216] : memref<320000xi32, #tpu.memory_space<hbm>> -> memref<80xi32, #tpu.memory_space<hbm>>
      %dma_wait3A_218 = arith.constant 0 : i32
      %dma_wait3A_219 = tpu.memref_slice %arg3[%dma_wait3A_218] : memref<320000xi32, #tpu.memory_space<hbm>> -> memref<80xi32, #tpu.memory_space<hbm>>
      tpu.wait_dma2 semaphore(%arg22 : memref<!tpu.dma_semaphore, #tpu.memory_space<semaphore_mem>>) src(%dma_wait3A_219 : memref<80xi32, #tpu.memory_space<hbm>>) dst(%arg11 : memref<80xi32, #tpu.memory_space<vmem>>)
      %dma_wait3A_220 = arith.constant 0 : i32
      %dma_wait3A_221 = arith.constant 0 : i32
      %dma_wait3A_222 = tpu.memref_slice %arg18[%dma_wait3A_220, %dma_wait3A_221] : memref<10112x128xf32, #tpu.memory_space<vmem_shared>> -> memref<10112x128xf32, #tpu.memory_space<vmem_shared>>
      tpu.wait_indirect_dma semaphore(%arg28 : memref<!tpu.dma_semaphore, #tpu.memory_space<semaphore_mem>>) src(%arg16 : memref<80x128xf32, #tpu.memory_space<vmem>>) dst(%dma_wait3A_222 : memref<10112x128xf32, #tpu.memory_space<vmem_shared>>)
      %dma_start3A_223 = arith.constant 0 : i32
      %dma_start3A_224 = arith.constant 0 : i32
      %dma_start3A_225 = tpu.memref_slice %arg4[%dma_start3A_223, %dma_start3A_224] : memref<10000x128xf32, #tpu.memory_space<hbm>> -> memref<10000x128xf32, #tpu.memory_space<hbm>>
      tpu.enqueue_indirect_dma source(%dma_start3A_225 : memref<10000x128xf32, #tpu.memory_space<hbm>>) target(%arg16 : memref<80x128xf32, #tpu.memory_space<vmem>>) offsets(%arg10 : memref<80xi32, #tpu.memory_space<vmem>>) semaphore(%arg25 : memref<!tpu.dma_semaphore, #tpu.memory_space<semaphore_mem>>)
      %dma_start3A_226 = arith.constant 0 : i32
      %dma_start3A_227 = arith.constant 0 : i32
      %dma_start3A_228 = tpu.memref_slice %arg5[%dma_start3A_226, %dma_start3A_227] : memref<40000x128xf32, #tpu.memory_space<hbm>> -> memref<40000x128xf32, #tpu.memory_space<hbm>>
      tpu.enqueue_indirect_dma source(%dma_start3A_228 : memref<40000x128xf32, #tpu.memory_space<hbm>>) target(%arg17 : memref<80x128xf32, #tpu.memory_space<vmem>>) offsets(%arg11 : memref<80xi32, #tpu.memory_space<vmem>>) semaphore(%arg26 : memref<!tpu.dma_semaphore, #tpu.memory_space<semaphore_mem>>)
      %dma_wait3A_229 = arith.constant 0 : i32
      %dma_wait3A_230 = arith.constant 0 : i32
      %dma_wait3A_231 = tpu.memref_slice %arg4[%dma_wait3A_229, %dma_wait3A_230] : memref<10000x128xf32, #tpu.memory_space<hbm>> -> memref<10000x128xf32, #tpu.memory_space<hbm>>
      tpu.wait_indirect_dma semaphore(%arg23 : memref<!tpu.dma_semaphore, #tpu.memory_space<semaphore_mem>>) src(%dma_wait3A_231 : memref<10000x128xf32, #tpu.memory_space<hbm>>) dst(%arg14 : memref<80x128xf32, #tpu.memory_space<vmem>>)
      %dma_wait3A_232 = arith.constant 0 : i32
      %dma_wait3A_233 = arith.constant 0 : i32
      %dma_wait3A_234 = tpu.memref_slice %arg5[%dma_wait3A_232, %dma_wait3A_233] : memref<40000x128xf32, #tpu.memory_space<hbm>> -> memref<40000x128xf32, #tpu.memory_space<hbm>>
      tpu.wait_indirect_dma semaphore(%arg24 : memref<!tpu.dma_semaphore, #tpu.memory_space<semaphore_mem>>) src(%dma_wait3A_234 : memref<40000x128xf32, #tpu.memory_space<hbm>>) dst(%arg15 : memref<80x128xf32, #tpu.memory_space<vmem>>)
      %scan3A_235 = arith.constant 0 : i32
      %scan3A_236 = arith.constant 0 : i32
      %scan3A_237 = arith.constant 80 : i32
      %scan3A_238 = arith.addi %scan3A_236, %scan3A_237 : i32
      %scan3A_239 = arith.constant 1 : i32
      scf.for %scan3A_290 = %scan3A_236 to %scan3A_238 step %scan3A_239  : i32 {
        %get3A_291 = arith.index_cast %scan3A_290 : i32 to index
        %get3A_292 = arith.constant 0 : index
        %get3A_293 = tpu.vector_load %arg14[%get3A_291, %get3A_292] {strides = array<i32>} : memref<80x128xf32, #tpu.memory_space<vmem>>, vector<1x16xf32>,
        %get3A_294 = vector.shape_cast %get3A_293 : vector<1x16xf32> to vector<16xf32>
        %get3A_295 = arith.index_cast %scan3A_290 : i32 to index
        %get3A_296 = arith.constant 0 : index
        %get3A_297 = tpu.vector_load %arg15[%get3A_295, %get3A_296] {strides = array<i32>} : memref<80x128xf32, #tpu.memory_space<vmem>>, vector<1x16xf32>,
        %get3A_298 = vector.shape_cast %get3A_297 : vector<1x16xf32> to vector<16xf32>
        %add3A_299 = arith.addf %get3A_294, %get3A_298 : vector<16xf32>
        %max3A = arith.constant 0.000000e+00 : f32
        %max3A_300 = vector.broadcast %max3A : f32 to vector<16xf32>
        %max3A_301 = arith.maximumf %add3A_299, %max3A_300 : vector<16xf32>
        %swap3A_302 = arith.index_cast %scan3A_290 : i32 to index
        %swap3A_303 = arith.constant 0 : index
        %swap3A_304 = tpu.vector_load %arg14[%swap3A_302, %swap3A_303] {strides = array<i32>} : memref<80x128xf32, #tpu.memory_space<vmem>>, vector<1x16xf32>,
        %swap3A_305 = vector.shape_cast %swap3A_304 : vector<1x16xf32> to vector<16xf32>
        %swap3A_306 = vector.shape_cast %max3A_301 : vector<16xf32> to vector<1x16xf32>
        tpu.vector_store %arg14[%swap3A_302, %swap3A_303], %swap3A_306 {strides = array<i32>} : memref<80x128xf32, #tpu.memory_space<vmem>>, vector<1x16xf32>,
        %get3A_307 = arith.index_cast %scan3A_290 : i32 to index
        %get3A_308 = arith.constant 16 : index
        %get3A_309 = tpu.vector_load %arg14[%get3A_307, %get3A_308] {strides = array<i32>} : memref<80x128xf32, #tpu.memory_space<vmem>>, vector<1x16xf32>,
        %get3A_310 = vector.shape_cast %get3A_309 : vector<1x16xf32> to vector<16xf32>
        %get3A_311 = arith.index_cast %scan3A_290 : i32 to index
        %get3A_312 = arith.constant 16 : index
        %get3A_313 = tpu.vector_load %arg15[%get3A_311, %get3A_312] {strides = array<i32>} : memref<80x128xf32, #tpu.memory_space<vmem>>, vector<1x16xf32>,
        %get3A_314 = vector.shape_cast %get3A_313 : vector<1x16xf32> to vector<16xf32>
        %add3A_315 = arith.addf %get3A_310, %get3A_314 : vector<16xf32>
        %max3A_316 = arith.constant 0.000000e+00 : f32
        %max3A_317 = vector.broadcast %max3A_316 : f32 to vector<16xf32>
        %max3A_318 = arith.maximumf %add3A_315, %max3A_317 : vector<16xf32>
        %swap3A_319 = arith.index_cast %scan3A_290 : i32 to index
        %swap3A_320 = arith.constant 16 : index
        %swap3A_321 = tpu.vector_load %arg14[%swap3A_319, %swap3A_320] {strides = array<i32>} : memref<80x128xf32, #tpu.memory_space<vmem>>, vector<1x16xf32>,
        %swap3A_322 = vector.shape_cast %swap3A_321 : vector<1x16xf32> to vector<16xf32>
        %swap3A_323 = vector.shape_cast %max3A_318 : vector<16xf32> to vector<1x16xf32>
        tpu.vector_store %arg14[%swap3A_319, %swap3A_320], %swap3A_323 {strides = array<i32>} : memref<80x128xf32, #tpu.memory_space<vmem>>, vector<1x16xf32>,
        %get3A_324 = arith.index_cast %scan3A_290 : i32 to index
        %get3A_325 = arith.constant 32 : index
        %get3A_326 = tpu.vector_load %arg14[%get3A_324, %get3A_325] {strides = array<i32>} : memref<80x128xf32, #tpu.memory_space<vmem>>, vector<1x16xf32>,
        %get3A_327 = vector.shape_cast %get3A_326 : vector<1x16xf32> to vector<16xf32>
        %get3A_328 = arith.index_cast %scan3A_290 : i32 to index
        %get3A_329 = arith.constant 32 : index
        %get3A_330 = tpu.vector_load %arg15[%get3A_328, %get3A_329] {strides = array<i32>} : memref<80x128xf32, #tpu.memory_space<vmem>>, vector<1x16xf32>,
        %get3A_331 = vector.shape_cast %get3A_330 : vector<1x16xf32> to vector<16xf32>
        %add3A_332 = arith.addf %get3A_327, %get3A_331 : vector<16xf32>
        %max3A_333 = arith.constant 0.000000e+00 : f32
        %max3A_334 = vector.broadcast %max3A_333 : f32 to vector<16xf32>
        %max3A_335 = arith.maximumf %add3A_332, %max3A_334 : vector<16xf32>
        %swap3A_336 = arith.index_cast %scan3A_290 : i32 to index
        %swap3A_337 = arith.constant 32 : index
        %swap3A_338 = tpu.vector_load %arg14[%swap3A_336, %swap3A_337] {strides = array<i32>} : memref<80x128xf32, #tpu.memory_space<vmem>>, vector<1x16xf32>,
        %swap3A_339 = vector.shape_cast %swap3A_338 : vector<1x16xf32> to vector<16xf32>
        %swap3A_340 = vector.shape_cast %max3A_335 : vector<16xf32> to vector<1x16xf32>
        tpu.vector_store %arg14[%swap3A_336, %swap3A_337], %swap3A_340 {strides = array<i32>} : memref<80x128xf32, #tpu.memory_space<vmem>>, vector<1x16xf32>,
        %get3A_341 = arith.index_cast %scan3A_290 : i32 to index
        %get3A_342 = arith.constant 48 : index
        %get3A_343 = tpu.vector_load %arg14[%get3A_341, %get3A_342] {strides = array<i32>} : memref<80x128xf32, #tpu.memory_space<vmem>>, vector<1x16xf32>,
        %get3A_344 = vector.shape_cast %get3A_343 : vector<1x16xf32> to vector<16xf32>
        %get3A_345 = arith.index_cast %scan3A_290 : i32 to index
        %get3A_346 = arith.constant 48 : index
        %get3A_347 = tpu.vector_load %arg15[%get3A_345, %get3A_346] {strides = array<i32>} : memref<80x128xf32, #tpu.memory_space<vmem>>, vector<1x16xf32>,
        %get3A_348 = vector.shape_cast %get3A_347 : vector<1x16xf32> to vector<16xf32>
        %add3A_349 = arith.addf %get3A_344, %get3A_348 : vector<16xf32>
        %max3A_350 = arith.constant 0.000000e+00 : f32
        %max3A_351 = vector.broadcast %max3A_350 : f32 to vector<16xf32>
        %max3A_352 = arith.maximumf %add3A_349, %max3A_351 : vector<16xf32>
        %swap3A_353 = arith.index_cast %scan3A_290 : i32 to index
        %swap3A_354 = arith.constant 48 : index
        %swap3A_355 = tpu.vector_load %arg14[%swap3A_353, %swap3A_354] {strides = array<i32>} : memref<80x128xf32, #tpu.memory_space<vmem>>, vector<1x16xf32>,
        %swap3A_356 = vector.shape_cast %swap3A_355 : vector<1x16xf32> to vector<16xf32>
        %swap3A_357 = vector.shape_cast %max3A_352 : vector<16xf32> to vector<1x16xf32>
        tpu.vector_store %arg14[%swap3A_353, %swap3A_354], %swap3A_357 {strides = array<i32>} : memref<80x128xf32, #tpu.memory_space<vmem>>, vector<1x16xf32>,
        %get3A_358 = arith.index_cast %scan3A_290 : i32 to index
        %get3A_359 = arith.constant 64 : index
        %get3A_360 = tpu.vector_load %arg14[%get3A_358, %get3A_359] {strides = array<i32>} : memref<80x128xf32, #tpu.memory_space<vmem>>, vector<1x16xf32>,
        %get3A_361 = vector.shape_cast %get3A_360 : vector<1x16xf32> to vector<16xf32>
        %get3A_362 = arith.index_cast %scan3A_290 : i32 to index
        %get3A_363 = arith.constant 64 : index
        %get3A_364 = tpu.vector_load %arg15[%get3A_362, %get3A_363] {strides = array<i32>} : memref<80x128xf32, #tpu.memory_space<vmem>>, vector<1x16xf32>,
        %get3A_365 = vector.shape_cast %get3A_364 : vector<1x16xf32> to vector<16xf32>
        %add3A_366 = arith.addf %get3A_361, %get3A_365 : vector<16xf32>
        %max3A_367 = arith.constant 0.000000e+00 : f32
        %max3A_368 = vector.broadcast %max3A_367 : f32 to vector<16xf32>
        %max3A_369 = arith.maximumf %add3A_366, %max3A_368 : vector<16xf32>
        %swap3A_370 = arith.index_cast %scan3A_290 : i32 to index
        %swap3A_371 = arith.constant 64 : index
        %swap3A_372 = tpu.vector_load %arg14[%swap3A_370, %swap3A_371] {strides = array<i32>} : memref<80x128xf32, #tpu.memory_space<vmem>>, vector<1x16xf32>,
        %swap3A_373 = vector.shape_cast %swap3A_372 : vector<1x16xf32> to vector<16xf32>
        %swap3A_374 = vector.shape_cast %max3A_369 : vector<16xf32> to vector<1x16xf32>
        tpu.vector_store %arg14[%swap3A_370, %swap3A_371], %swap3A_374 {strides = array<i32>} : memref<80x128xf32, #tpu.memory_space<vmem>>, vector<1x16xf32>,
        %get3A_375 = arith.index_cast %scan3A_290 : i32 to index
        %get3A_376 = arith.constant 80 : index
        %get3A_377 = tpu.vector_load %arg14[%get3A_375, %get3A_376] {strides = array<i32>} : memref<80x128xf32, #tpu.memory_space<vmem>>, vector<1x16xf32>,
        %get3A_378 = vector.shape_cast %get3A_377 : vector<1x16xf32> to vector<16xf32>
        %get3A_379 = arith.index_cast %scan3A_290 : i32 to index
        %get3A_380 = arith.constant 80 : index
        %get3A_381 = tpu.vector_load %arg15[%get3A_379, %get3A_380] {strides = array<i32>} : memref<80x128xf32, #tpu.memory_space<vmem>>, vector<1x16xf32>,
        %get3A_382 = vector.shape_cast %get3A_381 : vector<1x16xf32> to vector<16xf32>
        %add3A_383 = arith.addf %get3A_378, %get3A_382 : vector<16xf32>
        %max3A_384 = arith.constant 0.000000e+00 : f32
        %max3A_385 = vector.broadcast %max3A_384 : f32 to vector<16xf32>
        %max3A_386 = arith.maximumf %add3A_383, %max3A_385 : vector<16xf32>
        %swap3A_387 = arith.index_cast %scan3A_290 : i32 to index
        %swap3A_388 = arith.constant 80 : index
        %swap3A_389 = tpu.vector_load %arg14[%swap3A_387, %swap3A_388] {strides = array<i32>} : memref<80x128xf32, #tpu.memory_space<vmem>>, vector<1x16xf32>,
        %swap3A_390 = vector.shape_cast %swap3A_389 : vector<1x16xf32> to vector<16xf32>
        %swap3A_391 = vector.shape_cast %max3A_386 : vector<16xf32> to vector<1x16xf32>
        tpu.vector_store %arg14[%swap3A_387, %swap3A_388], %swap3A_391 {strides = array<i32>} : memref<80x128xf32, #tpu.memory_space<vmem>>, vector<1x16xf32>,
        %get3A_392 = arith.index_cast %scan3A_290 : i32 to index
        %get3A_393 = arith.constant 96 : index
        %get3A_394 = tpu.vector_load %arg14[%get3A_392, %get3A_393] {strides = array<i32>} : memref<80x128xf32, #tpu.memory_space<vmem>>, vector<1x16xf32>,
        %get3A_395 = vector.shape_cast %get3A_394 : vector<1x16xf32> to vector<16xf32>
        %get3A_396 = arith.index_cast %scan3A_290 : i32 to index
        %get3A_397 = arith.constant 96 : index
        %get3A_398 = tpu.vector_load %arg15[%get3A_396, %get3A_397] {strides = array<i32>} : memref<80x128xf32, #tpu.memory_space<vmem>>, vector<1x16xf32>,
        %get3A_399 = vector.shape_cast %get3A_398 : vector<1x16xf32> to vector<16xf32>
        %add3A_400 = arith.addf %get3A_395, %get3A_399 : vector<16xf32>
        %max3A_401 = arith.constant 0.000000e+00 : f32
        %max3A_402 = vector.broadcast %max3A_401 : f32 to vector<16xf32>
        %max3A_403 = arith.maximumf %add3A_400, %max3A_402 : vector<16xf32>
        %swap3A_404 = arith.index_cast %scan3A_290 : i32 to index
        %swap3A_405 = arith.constant 96 : index
        %swap3A_406 = tpu.vector_load %arg14[%swap3A_404, %swap3A_405] {strides = array<i32>} : memref<80x128xf32, #tpu.memory_space<vmem>>, vector<1x16xf32>,
        %swap3A_407 = vector.shape_cast %swap3A_406 : vector<1x16xf32> to vector<16xf32>
        %swap3A_408 = vector.shape_cast %max3A_403 : vector<16xf32> to vector<1x16xf32>
        tpu.vector_store %arg14[%swap3A_404, %swap3A_405], %swap3A_408 {strides = array<i32>} : memref<80x128xf32, #tpu.memory_space<vmem>>, vector<1x16xf32>,
        %get3A_409 = arith.index_cast %scan3A_290 : i32 to index
        %get3A_410 = arith.constant 112 : index
        %get3A_411 = tpu.vector_load %arg14[%get3A_409, %get3A_410] {strides = array<i32>} : memref<80x128xf32, #tpu.memory_space<vmem>>, vector<1x16xf32>,
        %get3A_412 = vector.shape_cast %get3A_411 : vector<1x16xf32> to vector<16xf32>
        %get3A_413 = arith.index_cast %scan3A_290 : i32 to index
        %get3A_414 = arith.constant 112 : index
        %get3A_415 = tpu.vector_load %arg15[%get3A_413, %get3A_414] {strides = array<i32>} : memref<80x128xf32, #tpu.memory_space<vmem>>, vector<1x16xf32>,
        %get3A_416 = vector.shape_cast %get3A_415 : vector<1x16xf32> to vector<16xf32>
        %add3A_417 = arith.addf %get3A_412, %get3A_416 : vector<16xf32>
        %max3A_418 = arith.constant 0.000000e+00 : f32
        %max3A_419 = vector.broadcast %max3A_418 : f32 to vector<16xf32>
        %max3A_420 = arith.maximumf %add3A_417, %max3A_419 : vector<16xf32>
        %swap3A_421 = arith.index_cast %scan3A_290 : i32 to index
        %swap3A_422 = arith.constant 112 : index
        %swap3A_423 = tpu.vector_load %arg14[%swap3A_421, %swap3A_422] {strides = array<i32>} : memref<80x128xf32, #tpu.memory_space<vmem>>, vector<1x16xf32>,
        %swap3A_424 = vector.shape_cast %swap3A_423 : vector<1x16xf32> to vector<16xf32>
        %swap3A_425 = vector.shape_cast %max3A_420 : vector<16xf32> to vector<1x16xf32>
        tpu.vector_store %arg14[%swap3A_421, %swap3A_422], %swap3A_425 {strides = array<i32>} : memref<80x128xf32, #tpu.memory_space<vmem>>, vector<1x16xf32>,
      }
      %scan3A_240 = arith.constant 80 : i32
      %get3A_241 = arith.constant 0 : index
      %get3A_242 = tpu.vector_load %arg8[%get3A_241] {strides = array<i32>} : memref<80xi32, #tpu.memory_space<vmem>>, vector<16xi32>,
      %get3A_243 = vector.shape_cast %get3A_242 : vector<16xi32> to vector<16xi32>
      %swap3A_244 = arith.constant 0 : index
      %swap3A_245 = tpu.vector_load %arg12[%swap3A_244] {strides = array<i32>} : memref<80xi32, #tpu.memory_space<vmem>>, vector<16xi32>,
      %swap3A_246 = vector.shape_cast %swap3A_245 : vector<16xi32> to vector<16xi32>
      %swap3A_247 = vector.shape_cast %get3A_243 : vector<16xi32> to vector<16xi32>
      tpu.vector_store %arg12[%swap3A_244], %swap3A_247 {strides = array<i32>} : memref<80xi32, #tpu.memory_space<vmem>>, vector<16xi32>,
      %get3A_248 = arith.constant 16 : index
      %get3A_249 = tpu.vector_load %arg8[%get3A_248] {strides = array<i32>} : memref<80xi32, #tpu.memory_space<vmem>>, vector<16xi32>,
      %get3A_250 = vector.shape_cast %get3A_249 : vector<16xi32> to vector<16xi32>
      %swap3A_251 = arith.constant 16 : index
      %swap3A_252 = tpu.vector_load %arg12[%swap3A_251] {strides = array<i32>} : memref<80xi32, #tpu.memory_space<vmem>>, vector<16xi32>,
      %swap3A_253 = vector.shape_cast %swap3A_252 : vector<16xi32> to vector<16xi32>
      %swap3A_254 = vector.shape_cast %get3A_250 : vector<16xi32> to vector<16xi32>
      tpu.vector_store %arg12[%swap3A_251], %swap3A_254 {strides = array<i32>} : memref<80xi32, #tpu.memory_space<vmem>>, vector<16xi32>,
      %get3A_255 = arith.constant 32 : index
      %get3A_256 = tpu.vector_load %arg8[%get3A_255] {strides = array<i32>} : memref<80xi32, #tpu.memory_space<vmem>>, vector<16xi32>,
      %get3A_257 = vector.shape_cast %get3A_256 : vector<16xi32> to vector<16xi32>
      %swap3A_258 = arith.constant 32 : index
      %swap3A_259 = tpu.vector_load %arg12[%swap3A_258] {strides = array<i32>} : memref<80xi32, #tpu.memory_space<vmem>>, vector<16xi32>,
      %swap3A_260 = vector.shape_cast %swap3A_259 : vector<16xi32> to vector<16xi32>
      %swap3A_261 = vector.shape_cast %get3A_257 : vector<16xi32> to vector<16xi32>
      tpu.vector_store %arg12[%swap3A_258], %swap3A_261 {strides = array<i32>} : memref<80xi32, #tpu.memory_space<vmem>>, vector<16xi32>,
      %get3A_262 = arith.constant 48 : index
      %get3A_263 = tpu.vector_load %arg8[%get3A_262] {strides = array<i32>} : memref<80xi32, #tpu.memory_space<vmem>>, vector<16xi32>,
      %get3A_264 = vector.shape_cast %get3A_263 : vector<16xi32> to vector<16xi32>
      %swap3A_265 = arith.constant 48 : index
      %swap3A_266 = tpu.vector_load %arg12[%swap3A_265] {strides = array<i32>} : memref<80xi32, #tpu.memory_space<vmem>>, vector<16xi32>,
      %swap3A_267 = vector.shape_cast %swap3A_266 : vector<16xi32> to vector<16xi32>
      %swap3A_268 = vector.shape_cast %get3A_264 : vector<16xi32> to vector<16xi32>
      tpu.vector_store %arg12[%swap3A_265], %swap3A_268 {strides = array<i32>} : memref<80xi32, #tpu.memory_space<vmem>>, vector<16xi32>,
      %get3A_269 = arith.constant 64 : index
      %get3A_270 = tpu.vector_load %arg8[%get3A_269] {strides = array<i32>} : memref<80xi32, #tpu.memory_space<vmem>>, vector<16xi32>,
      %get3A_271 = vector.shape_cast %get3A_270 : vector<16xi32> to vector<16xi32>
      %swap3A_272 = arith.constant 64 : index
      %swap3A_273 = tpu.vector_load %arg12[%swap3A_272] {strides = array<i32>} : memref<80xi32, #tpu.memory_space<vmem>>, vector<16xi32>,
      %swap3A_274 = vector.shape_cast %swap3A_273 : vector<16xi32> to vector<16xi32>
      %swap3A_275 = vector.shape_cast %get3A_271 : vector<16xi32> to vector<16xi32>
      tpu.vector_store %arg12[%swap3A_272], %swap3A_275 {strides = array<i32>} : memref<80xi32, #tpu.memory_space<vmem>>, vector<16xi32>,
      %dma_start3A_276 = arith.constant 0 : i32
      %dma_start3A_277 = arith.constant 0 : i32
      %dma_start3A_278 = tpu.memref_slice %arg18[%dma_start3A_276, %dma_start3A_277] : memref<10112x128xf32, #tpu.memory_space<vmem_shared>> -> memref<10112x128xf32, #tpu.memory_space<vmem_shared>>
      tpu.enqueue_indirect_dma source(%arg14 : memref<80x128xf32, #tpu.memory_space<vmem>>) target(%dma_start3A_278 : memref<10112x128xf32, #tpu.memory_space<vmem_shared>>) offsets(%arg12 : memref<80xi32, #tpu.memory_space<vmem>>) semaphore(%arg27 : memref<!tpu.dma_semaphore, #tpu.memory_space<semaphore_mem>>) {add = true}
      %add3A_279 = arith.constant 2 : i32
      %add3A_280 = arith.addi %add3A_211, %add3A_279 : i32
      %mul3A_281 = arith.constant 80 : i32
      %mul3A_282 = arith.muli %add3A_280, %mul3A_281 : i32
      %add3A_283 = arith.addi %mul3A_4, %mul3A_282 : i32
      %min3A_284 = arith.constant 319920 : i32
      %min3A_285 = arith.minsi %add3A_283, %min3A_284 : i32
      %dma_start3A_286 = tpu.memref_slice %arg2[%min3A_285] : memref<320000xi32, #tpu.memory_space<hbm>> -> memref<80xi32, #tpu.memory_space<hbm>>
      %dma_start3A_287 = tpu.memref_slice %arg2[%min3A_285] : memref<320000xi32, #tpu.memory_space<hbm>> -> memref<80xi32, #tpu.memory_space<hbm>>
      tpu.enqueue_dma source(%dma_start3A_287 : memref<80xi32, #tpu.memory_space<hbm>>) target(%arg8 : memref<80xi32, #tpu.memory_space<vmem>>) target_semaphore(%arg19 : memref<!tpu.dma_semaphore, #tpu.memory_space<semaphore_mem>>)
      %dma_start3A_288 = tpu.memref_slice %arg3[%min3A_285] : memref<320000xi32, #tpu.memory_space<hbm>> -> memref<80xi32, #tpu.memory_space<hbm>>
      %dma_start3A_289 = tpu.memref_slice %arg3[%min3A_285] : memref<320000xi32, #tpu.memory_space<hbm>> -> memref<80xi32, #tpu.memory_space<hbm>>
      tpu.enqueue_dma source(%dma_start3A_289 : memref<80xi32, #tpu.memory_space<hbm>>) target(%arg9 : memref<80xi32, #tpu.memory_space<vmem>>) target_semaphore(%arg20 : memref<!tpu.dma_semaphore, #tpu.memory_space<semaphore_mem>>)
    }
    %scan3A_106 = arith.constant 62 : i32
    %dma_wait3A_107 = arith.constant 0 : i32
    %dma_wait3A_108 = arith.constant 0 : i32
    %dma_wait3A_109 = tpu.memref_slice %arg18[%dma_wait3A_107, %dma_wait3A_108] : memref<10112x128xf32, #tpu.memory_space<vmem_shared>> -> memref<10112x128xf32, #tpu.memory_space<vmem_shared>>
    tpu.wait_indirect_dma semaphore(%arg27 : memref<!tpu.dma_semaphore, #tpu.memory_space<semaphore_mem>>) src(%arg14 : memref<80x128xf32, #tpu.memory_space<vmem>>) dst(%dma_wait3A_109 : memref<10112x128xf32, #tpu.memory_space<vmem_shared>>)
    %dma_wait3A_110 = arith.constant 0 : i32
    %dma_wait3A_111 = arith.constant 0 : i32
    %dma_wait3A_112 = tpu.memref_slice %arg4[%dma_wait3A_110, %dma_wait3A_111] : memref<10000x128xf32, #tpu.memory_space<hbm>> -> memref<10000x128xf32, #tpu.memory_space<hbm>>
    tpu.wait_indirect_dma semaphore(%arg25 : memref<!tpu.dma_semaphore, #tpu.memory_space<semaphore_mem>>) src(%dma_wait3A_112 : memref<10000x128xf32, #tpu.memory_space<hbm>>) dst(%arg16 : memref<80x128xf32, #tpu.memory_space<vmem>>)
    %dma_wait3A_113 = arith.constant 0 : i32
    %dma_wait3A_114 = arith.constant 0 : i32
    %dma_wait3A_115 = tpu.memref_slice %arg5[%dma_wait3A_113, %dma_wait3A_114] : memref<40000x128xf32, #tpu.memory_space<hbm>> -> memref<40000x128xf32, #tpu.memory_space<hbm>>
    tpu.wait_indirect_dma semaphore(%arg26 : memref<!tpu.dma_semaphore, #tpu.memory_space<semaphore_mem>>) src(%dma_wait3A_115 : memref<40000x128xf32, #tpu.memory_space<hbm>>) dst(%arg17 : memref<80x128xf32, #tpu.memory_space<vmem>>)
    %dma_wait3A_116 = arith.constant 0 : i32
    %dma_wait3A_117 = tpu.memref_slice %arg2[%dma_wait3A_116] : memref<320000xi32, #tpu.memory_space<hbm>> -> memref<80xi32, #tpu.memory_space<hbm>>
    %dma_wait3A_118 = arith.constant 0 : i32
    %dma_wait3A_119 = tpu.memref_slice %arg2[%dma_wait3A_118] : memref<320000xi32, #tpu.memory_space<hbm>> -> memref<80xi32, #tpu.memory_space<hbm>>
    tpu.wait_dma2 semaphore(%arg19 : memref<!tpu.dma_semaphore, #tpu.memory_space<semaphore_mem>>) src(%dma_wait3A_119 : memref<80xi32, #tpu.memory_space<hbm>>) dst(%arg8 : memref<80xi32, #tpu.memory_space<vmem>>)
    %dma_wait3A_120 = arith.constant 0 : i32
    %dma_wait3A_121 = tpu.memref_slice %arg3[%dma_wait3A_120] : memref<320000xi32, #tpu.memory_space<hbm>> -> memref<80xi32, #tpu.memory_space<hbm>>
    %dma_wait3A_122 = arith.constant 0 : i32
    %dma_wait3A_123 = tpu.memref_slice %arg3[%dma_wait3A_122] : memref<320000xi32, #tpu.memory_space<hbm>> -> memref<80xi32, #tpu.memory_space<hbm>>
    tpu.wait_dma2 semaphore(%arg20 : memref<!tpu.dma_semaphore, #tpu.memory_space<semaphore_mem>>) src(%dma_wait3A_123 : memref<80xi32, #tpu.memory_space<hbm>>) dst(%arg9 : memref<80xi32, #tpu.memory_space<vmem>>)
    %barrier3A_124 = arith.constant 0 : index
    tpu.barrier barrier_id(%barrier3A_124)
    "tpu.region"() ({
      %run_scoped3A = tpu.sem_alloc : memref<!tpu.dma_semaphore, #tpu.memory_space<semaphore_mem>>
      %dma_start3A_125 = arith.constant 0 : i32
      %dma_start3A_126 = tpu.memref_slice %arg7[%arg0, %mul3A_2, %dma_start3A_125] : memref<2x10112x128xf32, #tpu.memory_space<hbm>> -> memref<1x632x128xf32, #tpu.memory_space<hbm>>
      %dma_start3A_127 = tpu.memref_squeeze %dma_start3A_126 : memref<1x632x128xf32, #tpu.memory_space<hbm>> -> memref<632x128xf32, #tpu.memory_space<hbm>>
      %dma_start3A_128 = arith.constant 0 : i32
      %dma_start3A_129 = tpu.memref_slice %arg18[%mul3A_2, %dma_start3A_128] : memref<10112x128xf32, #tpu.memory_space<vmem_shared>> -> memref<632x128xf32, #tpu.memory_space<vmem_shared>>
      tpu.enqueue_dma source(%dma_start3A_129 : memref<632x128xf32, #tpu.memory_space<vmem_shared>>) target(%dma_start3A_127 : memref<632x128xf32, #tpu.memory_space<hbm>>) target_semaphore(%run_scoped3A : memref<!tpu.dma_semaphore, #tpu.memory_space<semaphore_mem>>)
      %dma_wait3A_130 = arith.constant 0 : i32
      %dma_wait3A_131 = tpu.memref_slice %arg7[%arg0, %mul3A_2, %dma_wait3A_130] : memref<2x10112x128xf32, #tpu.memory_space<hbm>> -> memref<1x632x128xf32, #tpu.memory_space<hbm>>
      %dma_wait3A_132 = tpu.memref_squeeze %dma_wait3A_131 : memref<1x632x128xf32, #tpu.memory_space<hbm>> -> memref<632x128xf32, #tpu.memory_space<hbm>>
      %dma_wait3A_133 = arith.constant 0 : i32
      %dma_wait3A_134 = tpu.memref_slice %arg18[%mul3A_2, %dma_wait3A_133] : memref<10112x128xf32, #tpu.memory_space<vmem_shared>> -> memref<632x128xf32, #tpu.memory_space<vmem_shared>>
      tpu.wait_dma2 semaphore(%run_scoped3A : memref<!tpu.dma_semaphore, #tpu.memory_space<semaphore_mem>>) src(%dma_wait3A_134 : memref<632x128xf32, #tpu.memory_space<vmem_shared>>) dst(%dma_wait3A_132 : memref<632x128xf32, #tpu.memory_space<hbm>>)
      tpu.yield
    }) : () -> ()
    return
  }
}

#map = affine_map<(d0, d1) -> (0)>
#map1 = affine_map<(d0, d1) -> (0, 0)>
#map2 = affine_map<(d0, d1) -> (0, 0, 0)>
module attributes {stable_mosaic.version = 14 : i64} {
  func.func @sc_body(%arg0: i32, %arg1: i32, %arg2: memref<320000xi32, #tpu.memory_space<hbm>>, %arg3: memref<320000xi32, #tpu.memory_space<hbm>>, %arg4: memref<10000x128xf32, #tpu.memory_space<hbm>>, %arg5: memref<40000x128xf32, #tpu.memory_space<hbm>>, %arg6: memref<10112x128xf32, #tpu.memory_space<hbm>>, %arg7: memref<2x10112x128xf32, #tpu.memory_space<hbm>>, %arg8: memref<80xi32, #tpu.memory_space<vmem>>, %arg9: memref<80xi32, #tpu.memory_space<vmem>>, %arg10: memref<80xi32, #tpu.memory_space<vmem>>, %arg11: memref<80xi32, #tpu.memory_space<vmem>>, %arg12: memref<80xi32, #tpu.memory_space<vmem>>, %arg13: memref<80xi32, #tpu.memory_space<vmem>>, %arg14: memref<80x128xf32, #tpu.memory_space<vmem>>, %arg15: memref<80x128xf32, #tpu.memory_space<vmem>>, %arg16: memref<80x128xf32, #tpu.memory_space<vmem>>, %arg17: memref<80x128xf32, #tpu.memory_space<vmem>>, %arg18: memref<10112x128xf32, #tpu.memory_space<vmem_shared>>, %arg19: memref<!tpu.dma_semaphore, #tpu.memory_space<semaphore_mem>>, %arg20: memref<!tpu.dma_semaphore, #tpu.memory_space<semaphore_mem>>, %arg21: memref<!tpu.dma_semaphore, #tpu.memory_space<semaphore_mem>>, %arg22: memref<!tpu.dma_semaphore, #tpu.memory_space<semaphore_mem>>, %arg23: memref<!tpu.dma_semaphore, #tpu.memory_space<semaphore_mem>>, %arg24: memref<!tpu.dma_semaphore, #tpu.memory_space<semaphore_mem>>, %arg25: memref<!tpu.dma_semaphore, #tpu.memory_space<semaphore_mem>>, %arg26: memref<!tpu.dma_semaphore, #tpu.memory_space<semaphore_mem>>, %arg27: memref<!tpu.dma_semaphore, #tpu.memory_space<semaphore_mem>>, %arg28: memref<!tpu.dma_semaphore, #tpu.memory_space<semaphore_mem>>) attributes {dimension_semantics = [#tpu.dimension_semantics<core_parallel>, #tpu.dimension_semantics<subcore_parallel>], iteration_bounds = array<i64: 2, 16>, scalar_prefetch = 0 : i64, scratch_operands = 21 : i64, tpu.core_type = #tpu.core_type<sc_vector_subcore>, window_params = [{transform_indices = #map}, {transform_indices = #map}, {transform_indices = #map1}, {transform_indices = #map1}, {transform_indices = #map1}, {transform_indices = #map2}]} {
    %mul3A = arith.constant 2 : i32
    %mul3A_0 = arith.muli %arg1, %mul3A : i32
    %add3A = arith.addi %mul3A_0, %arg0 : i32
    %mul3A_1 = arith.constant 632 : i32
    %mul3A_2 = arith.muli %arg1, %mul3A_1 : i32
    "tpu.region"() ({
      %run_scoped3A = tpu.sem_alloc : memref<!tpu.dma_semaphore, #tpu.memory_space<semaphore_mem>>
      %dma_start3A_125 = arith.constant 0 : i32
      %dma_start3A_126 = tpu.memref_slice %arg18[%mul3A_2, %dma_start3A_125] : memref<10112x128xf32, #tpu.memory_space<vmem_shared>> -> memref<632x128xf32, #tpu.memory_space<vmem_shared>>
      %dma_start3A_127 = arith.constant 0 : i32
      %dma_start3A_128 = tpu.memref_slice %arg6[%mul3A_2, %dma_start3A_127] : memref<10112x128xf32, #tpu.memory_space<hbm>> -> memref<632x128xf32, #tpu.memory_space<hbm>>
      tpu.enqueue_dma source(%dma_start3A_128 : memref<632x128xf32, #tpu.memory_space<hbm>>) target(%dma_start3A_126 : memref<632x128xf32, #tpu.memory_space<vmem_shared>>) target_semaphore(%run_scoped3A : memref<!tpu.dma_semaphore, #tpu.memory_space<semaphore_mem>>)
      %dma_wait3A_129 = arith.constant 0 : i32
      %dma_wait3A_130 = tpu.memref_slice %arg18[%mul3A_2, %dma_wait3A_129] : memref<10112x128xf32, #tpu.memory_space<vmem_shared>> -> memref<632x128xf32, #tpu.memory_space<vmem_shared>>
      %dma_wait3A_131 = arith.constant 0 : i32
      %dma_wait3A_132 = tpu.memref_slice %arg6[%mul3A_2, %dma_wait3A_131] : memref<10112x128xf32, #tpu.memory_space<hbm>> -> memref<632x128xf32, #tpu.memory_space<hbm>>
      tpu.wait_dma2 semaphore(%run_scoped3A : memref<!tpu.dma_semaphore, #tpu.memory_space<semaphore_mem>>) src(%dma_wait3A_132 : memref<632x128xf32, #tpu.memory_space<hbm>>) dst(%dma_wait3A_130 : memref<632x128xf32, #tpu.memory_space<vmem_shared>>)
      tpu.yield
    }) : () -> ()
    %barrier3A = arith.constant 0 : index
    tpu.barrier barrier_id(%barrier3A)
    %mul3A_3 = arith.constant 10000 : i32
    %mul3A_4 = arith.muli %add3A, %mul3A_3 : i32
    %add3A_5 = arith.constant 0 : i32
    %add3A_6 = arith.addi %mul3A_4, %add3A_5 : i32
    %min3A = arith.constant 319920 : i32
    %min3A_7 = arith.minsi %add3A_6, %min3A : i32
    %dma_start3A = tpu.memref_slice %arg2[%min3A_7] : memref<320000xi32, #tpu.memory_space<hbm>> -> memref<80xi32, #tpu.memory_space<hbm>>
    %dma_start3A_8 = tpu.memref_slice %arg2[%min3A_7] : memref<320000xi32, #tpu.memory_space<hbm>> -> memref<80xi32, #tpu.memory_space<hbm>>
    tpu.enqueue_dma source(%dma_start3A_8 : memref<80xi32, #tpu.memory_space<hbm>>) target(%arg8 : memref<80xi32, #tpu.memory_space<vmem>>) target_semaphore(%arg19 : memref<!tpu.dma_semaphore, #tpu.memory_space<semaphore_mem>>)
    %dma_start3A_9 = tpu.memref_slice %arg3[%min3A_7] : memref<320000xi32, #tpu.memory_space<hbm>> -> memref<80xi32, #tpu.memory_space<hbm>>
    %dma_start3A_10 = tpu.memref_slice %arg3[%min3A_7] : memref<320000xi32, #tpu.memory_space<hbm>> -> memref<80xi32, #tpu.memory_space<hbm>>
    tpu.enqueue_dma source(%dma_start3A_10 : memref<80xi32, #tpu.memory_space<hbm>>) target(%arg9 : memref<80xi32, #tpu.memory_space<vmem>>) target_semaphore(%arg20 : memref<!tpu.dma_semaphore, #tpu.memory_space<semaphore_mem>>)
    %dma_wait3A = arith.constant 0 : i32
    %dma_wait3A_11 = tpu.memref_slice %arg2[%dma_wait3A] : memref<320000xi32, #tpu.memory_space<hbm>> -> memref<80xi32, #tpu.memory_space<hbm>>
    %dma_wait3A_12 = arith.constant 0 : i32
    %dma_wait3A_13 = tpu.memref_slice %arg2[%dma_wait3A_12] : memref<320000xi32, #tpu.memory_space<hbm>> -> memref<80xi32, #tpu.memory_space<hbm>>
    tpu.wait_dma2 semaphore(%arg19 : memref<!tpu.dma_semaphore, #tpu.memory_space<semaphore_mem>>) src(%dma_wait3A_13 : memref<80xi32, #tpu.memory_space<hbm>>) dst(%arg8 : memref<80xi32, #tpu.memory_space<vmem>>)
    %dma_wait3A_14 = arith.constant 0 : i32
    %dma_wait3A_15 = tpu.memref_slice %arg3[%dma_wait3A_14] : memref<320000xi32, #tpu.memory_space<hbm>> -> memref<80xi32, #tpu.memory_space<hbm>>
    %dma_wait3A_16 = arith.constant 0 : i32
    %dma_wait3A_17 = tpu.memref_slice %arg3[%dma_wait3A_16] : memref<320000xi32, #tpu.memory_space<hbm>> -> memref<80xi32, #tpu.memory_space<hbm>>
    tpu.wait_dma2 semaphore(%arg20 : memref<!tpu.dma_semaphore, #tpu.memory_space<semaphore_mem>>) src(%dma_wait3A_17 : memref<80xi32, #tpu.memory_space<hbm>>) dst(%arg9 : memref<80xi32, #tpu.memory_space<vmem>>)
    %dma_start3A_18 = arith.constant 0 : i32
    %dma_start3A_19 = arith.constant 0 : i32
    %dma_start3A_20 = tpu.memref_slice %arg4[%dma_start3A_18, %dma_start3A_19] : memref<10000x128xf32, #tpu.memory_space<hbm>> -> memref<10000x128xf32, #tpu.memory_space<hbm>>
    tpu.enqueue_indirect_dma source(%dma_start3A_20 : memref<10000x128xf32, #tpu.memory_space<hbm>>) target(%arg14 : memref<80x128xf32, #tpu.memory_space<vmem>>) offsets(%arg8 : memref<80xi32, #tpu.memory_space<vmem>>) semaphore(%arg23 : memref<!tpu.dma_semaphore, #tpu.memory_space<semaphore_mem>>)
    %dma_start3A_21 = arith.constant 0 : i32
    %dma_start3A_22 = arith.constant 0 : i32
    %dma_start3A_23 = tpu.memref_slice %arg5[%dma_start3A_21, %dma_start3A_22] : memref<40000x128xf32, #tpu.memory_space<hbm>> -> memref<40000x128xf32, #tpu.memory_space<hbm>>
    tpu.enqueue_indirect_dma source(%dma_start3A_23 : memref<40000x128xf32, #tpu.memory_space<hbm>>) target(%arg15 : memref<80x128xf32, #tpu.memory_space<vmem>>) offsets(%arg9 : memref<80xi32, #tpu.memory_space<vmem>>) semaphore(%arg24 : memref<!tpu.dma_semaphore, #tpu.memory_space<semaphore_mem>>)
    %add3A_24 = arith.constant 80 : i32
    %add3A_25 = arith.addi %mul3A_4, %add3A_24 : i32
    %min3A_26 = arith.constant 319920 : i32
    %min3A_27 = arith.minsi %add3A_25, %min3A_26 : i32
    %dma_start3A_28 = tpu.memref_slice %arg2[%min3A_27] : memref<320000xi32, #tpu.memory_space<hbm>> -> memref<80xi32, #tpu.memory_space<hbm>>
    %dma_start3A_29 = tpu.memref_slice %arg2[%min3A_27] : memref<320000xi32, #tpu.memory_space<hbm>> -> memref<80xi32, #tpu.memory_space<hbm>>
    tpu.enqueue_dma source(%dma_start3A_29 : memref<80xi32, #tpu.memory_space<hbm>>) target(%arg10 : memref<80xi32, #tpu.memory_space<vmem>>) target_semaphore(%arg21 : memref<!tpu.dma_semaphore, #tpu.memory_space<semaphore_mem>>)
    %dma_start3A_30 = tpu.memref_slice %arg3[%min3A_27] : memref<320000xi32, #tpu.memory_space<hbm>> -> memref<80xi32, #tpu.memory_space<hbm>>
    %dma_start3A_31 = tpu.memref_slice %arg3[%min3A_27] : memref<320000xi32, #tpu.memory_space<hbm>> -> memref<80xi32, #tpu.memory_space<hbm>>
    tpu.enqueue_dma source(%dma_start3A_31 : memref<80xi32, #tpu.memory_space<hbm>>) target(%arg11 : memref<80xi32, #tpu.memory_space<vmem>>) target_semaphore(%arg22 : memref<!tpu.dma_semaphore, #tpu.memory_space<semaphore_mem>>)
    %dma_wait3A_32 = arith.constant 0 : i32
    %dma_wait3A_33 = tpu.memref_slice %arg2[%dma_wait3A_32] : memref<320000xi32, #tpu.memory_space<hbm>> -> memref<80xi32, #tpu.memory_space<hbm>>
    %dma_wait3A_34 = arith.constant 0 : i32
    %dma_wait3A_35 = tpu.memref_slice %arg2[%dma_wait3A_34] : memref<320000xi32, #tpu.memory_space<hbm>> -> memref<80xi32, #tpu.memory_space<hbm>>
    tpu.wait_dma2 semaphore(%arg21 : memref<!tpu.dma_semaphore, #tpu.memory_space<semaphore_mem>>) src(%dma_wait3A_35 : memref<80xi32, #tpu.memory_space<hbm>>) dst(%arg10 : memref<80xi32, #tpu.memory_space<vmem>>)
    %dma_wait3A_36 = arith.constant 0 : i32
    %dma_wait3A_37 = tpu.memref_slice %arg3[%dma_wait3A_36] : memref<320000xi32, #tpu.memory_space<hbm>> -> memref<80xi32, #tpu.memory_space<hbm>>
    %dma_wait3A_38 = arith.constant 0 : i32
    %dma_wait3A_39 = tpu.memref_slice %arg3[%dma_wait3A_38] : memref<320000xi32, #tpu.memory_space<hbm>> -> memref<80xi32, #tpu.memory_space<hbm>>
    tpu.wait_dma2 semaphore(%arg22 : memref<!tpu.dma_semaphore, #tpu.memory_space<semaphore_mem>>) src(%dma_wait3A_39 : memref<80xi32, #tpu.memory_space<hbm>>) dst(%arg11 : memref<80xi32, #tpu.memory_space<vmem>>)
    %dma_start3A_40 = arith.constant 0 : i32
    %dma_start3A_41 = arith.constant 0 : i32
    %dma_start3A_42 = tpu.memref_slice %arg4[%dma_start3A_40, %dma_start3A_41] : memref<10000x128xf32, #tpu.memory_space<hbm>> -> memref<10000x128xf32, #tpu.memory_space<hbm>>
    tpu.enqueue_indirect_dma source(%dma_start3A_42 : memref<10000x128xf32, #tpu.memory_space<hbm>>) target(%arg16 : memref<80x128xf32, #tpu.memory_space<vmem>>) offsets(%arg10 : memref<80xi32, #tpu.memory_space<vmem>>) semaphore(%arg25 : memref<!tpu.dma_semaphore, #tpu.memory_space<semaphore_mem>>)
    %dma_start3A_43 = arith.constant 0 : i32
    %dma_start3A_44 = arith.constant 0 : i32
    %dma_start3A_45 = tpu.memref_slice %arg5[%dma_start3A_43, %dma_start3A_44] : memref<40000x128xf32, #tpu.memory_space<hbm>> -> memref<40000x128xf32, #tpu.memory_space<hbm>>
    tpu.enqueue_indirect_dma source(%dma_start3A_45 : memref<40000x128xf32, #tpu.memory_space<hbm>>) target(%arg17 : memref<80x128xf32, #tpu.memory_space<vmem>>) offsets(%arg11 : memref<80xi32, #tpu.memory_space<vmem>>) semaphore(%arg26 : memref<!tpu.dma_semaphore, #tpu.memory_space<semaphore_mem>>)
    %dma_wait3A_46 = arith.constant 0 : i32
    %dma_wait3A_47 = arith.constant 0 : i32
    %dma_wait3A_48 = tpu.memref_slice %arg4[%dma_wait3A_46, %dma_wait3A_47] : memref<10000x128xf32, #tpu.memory_space<hbm>> -> memref<10000x128xf32, #tpu.memory_space<hbm>>
    tpu.wait_indirect_dma semaphore(%arg23 : memref<!tpu.dma_semaphore, #tpu.memory_space<semaphore_mem>>) src(%dma_wait3A_48 : memref<10000x128xf32, #tpu.memory_space<hbm>>) dst(%arg14 : memref<80x128xf32, #tpu.memory_space<vmem>>)
    %dma_wait3A_49 = arith.constant 0 : i32
    %dma_wait3A_50 = arith.constant 0 : i32
    %dma_wait3A_51 = tpu.memref_slice %arg5[%dma_wait3A_49, %dma_wait3A_50] : memref<40000x128xf32, #tpu.memory_space<hbm>> -> memref<40000x128xf32, #tpu.memory_space<hbm>>
    tpu.wait_indirect_dma semaphore(%arg24 : memref<!tpu.dma_semaphore, #tpu.memory_space<semaphore_mem>>) src(%dma_wait3A_51 : memref<40000x128xf32, #tpu.memory_space<hbm>>) dst(%arg15 : memref<80x128xf32, #tpu.memory_space<vmem>>)
    %scan3A = arith.constant 0 : i32
    %scan3A_52 = arith.constant 0 : i32
    %scan3A_53 = arith.constant 80 : i32
    %scan3A_54 = arith.addi %scan3A_52, %scan3A_53 : i32
    %scan3A_55 = arith.constant 1 : i32
    scf.for %scan3A_125 = %scan3A_52 to %scan3A_54 step %scan3A_55  : i32 {
      %get3A_126 = arith.index_cast %scan3A_125 : i32 to index
      %get3A_127 = arith.constant 0 : index
      %get3A_128 = tpu.vector_load %arg14[%get3A_126, %get3A_127] {strides = array<i32>} : memref<80x128xf32, #tpu.memory_space<vmem>>, vector<1x16xf32>,
      %get3A_129 = vector.shape_cast %get3A_128 : vector<1x16xf32> to vector<16xf32>
      %get3A_130 = arith.index_cast %scan3A_125 : i32 to index
      %get3A_131 = arith.constant 0 : index
      %get3A_132 = tpu.vector_load %arg15[%get3A_130, %get3A_131] {strides = array<i32>} : memref<80x128xf32, #tpu.memory_space<vmem>>, vector<1x16xf32>,
      %get3A_133 = vector.shape_cast %get3A_132 : vector<1x16xf32> to vector<16xf32>
      %add3A_134 = arith.addf %get3A_129, %get3A_133 : vector<16xf32>
      %max3A = arith.constant 0.000000e+00 : f32
      %max3A_135 = vector.broadcast %max3A : f32 to vector<16xf32>
      %max3A_136 = arith.maximumf %add3A_134, %max3A_135 : vector<16xf32>
      %swap3A_137 = arith.index_cast %scan3A_125 : i32 to index
      %swap3A_138 = arith.constant 0 : index
      %swap3A_139 = tpu.vector_load %arg14[%swap3A_137, %swap3A_138] {strides = array<i32>} : memref<80x128xf32, #tpu.memory_space<vmem>>, vector<1x16xf32>,
      %swap3A_140 = vector.shape_cast %swap3A_139 : vector<1x16xf32> to vector<16xf32>
      %swap3A_141 = vector.shape_cast %max3A_136 : vector<16xf32> to vector<1x16xf32>
      tpu.vector_store %arg14[%swap3A_137, %swap3A_138], %swap3A_141 {strides = array<i32>} : memref<80x128xf32, #tpu.memory_space<vmem>>, vector<1x16xf32>,
      %get3A_142 = arith.index_cast %scan3A_125 : i32 to index
      %get3A_143 = arith.constant 16 : index
      %get3A_144 = tpu.vector_load %arg14[%get3A_142, %get3A_143] {strides = array<i32>} : memref<80x128xf32, #tpu.memory_space<vmem>>, vector<1x16xf32>,
      %get3A_145 = vector.shape_cast %get3A_144 : vector<1x16xf32> to vector<16xf32>
      %get3A_146 = arith.index_cast %scan3A_125 : i32 to index
      %get3A_147 = arith.constant 16 : index
      %get3A_148 = tpu.vector_load %arg15[%get3A_146, %get3A_147] {strides = array<i32>} : memref<80x128xf32, #tpu.memory_space<vmem>>, vector<1x16xf32>,
      %get3A_149 = vector.shape_cast %get3A_148 : vector<1x16xf32> to vector<16xf32>
      %add3A_150 = arith.addf %get3A_145, %get3A_149 : vector<16xf32>
      %max3A_151 = arith.constant 0.000000e+00 : f32
      %max3A_152 = vector.broadcast %max3A_151 : f32 to vector<16xf32>
      %max3A_153 = arith.maximumf %add3A_150, %max3A_152 : vector<16xf32>
      %swap3A_154 = arith.index_cast %scan3A_125 : i32 to index
      %swap3A_155 = arith.constant 16 : index
      %swap3A_156 = tpu.vector_load %arg14[%swap3A_154, %swap3A_155] {strides = array<i32>} : memref<80x128xf32, #tpu.memory_space<vmem>>, vector<1x16xf32>,
      %swap3A_157 = vector.shape_cast %swap3A_156 : vector<1x16xf32> to vector<16xf32>
      %swap3A_158 = vector.shape_cast %max3A_153 : vector<16xf32> to vector<1x16xf32>
      tpu.vector_store %arg14[%swap3A_154, %swap3A_155], %swap3A_158 {strides = array<i32>} : memref<80x128xf32, #tpu.memory_space<vmem>>, vector<1x16xf32>,
      %get3A_159 = arith.index_cast %scan3A_125 : i32 to index
      %get3A_160 = arith.constant 32 : index
      %get3A_161 = tpu.vector_load %arg14[%get3A_159, %get3A_160] {strides = array<i32>} : memref<80x128xf32, #tpu.memory_space<vmem>>, vector<1x16xf32>,
      %get3A_162 = vector.shape_cast %get3A_161 : vector<1x16xf32> to vector<16xf32>
      %get3A_163 = arith.index_cast %scan3A_125 : i32 to index
      %get3A_164 = arith.constant 32 : index
      %get3A_165 = tpu.vector_load %arg15[%get3A_163, %get3A_164] {strides = array<i32>} : memref<80x128xf32, #tpu.memory_space<vmem>>, vector<1x16xf32>,
      %get3A_166 = vector.shape_cast %get3A_165 : vector<1x16xf32> to vector<16xf32>
      %add3A_167 = arith.addf %get3A_162, %get3A_166 : vector<16xf32>
      %max3A_168 = arith.constant 0.000000e+00 : f32
      %max3A_169 = vector.broadcast %max3A_168 : f32 to vector<16xf32>
      %max3A_170 = arith.maximumf %add3A_167, %max3A_169 : vector<16xf32>
      %swap3A_171 = arith.index_cast %scan3A_125 : i32 to index
      %swap3A_172 = arith.constant 32 : index
      %swap3A_173 = tpu.vector_load %arg14[%swap3A_171, %swap3A_172] {strides = array<i32>} : memref<80x128xf32, #tpu.memory_space<vmem>>, vector<1x16xf32>,
      %swap3A_174 = vector.shape_cast %swap3A_173 : vector<1x16xf32> to vector<16xf32>
      %swap3A_175 = vector.shape_cast %max3A_170 : vector<16xf32> to vector<1x16xf32>
      tpu.vector_store %arg14[%swap3A_171, %swap3A_172], %swap3A_175 {strides = array<i32>} : memref<80x128xf32, #tpu.memory_space<vmem>>, vector<1x16xf32>,
      %get3A_176 = arith.index_cast %scan3A_125 : i32 to index
      %get3A_177 = arith.constant 48 : index
      %get3A_178 = tpu.vector_load %arg14[%get3A_176, %get3A_177] {strides = array<i32>} : memref<80x128xf32, #tpu.memory_space<vmem>>, vector<1x16xf32>,
      %get3A_179 = vector.shape_cast %get3A_178 : vector<1x16xf32> to vector<16xf32>
      %get3A_180 = arith.index_cast %scan3A_125 : i32 to index
      %get3A_181 = arith.constant 48 : index
      %get3A_182 = tpu.vector_load %arg15[%get3A_180, %get3A_181] {strides = array<i32>} : memref<80x128xf32, #tpu.memory_space<vmem>>, vector<1x16xf32>,
      %get3A_183 = vector.shape_cast %get3A_182 : vector<1x16xf32> to vector<16xf32>
      %add3A_184 = arith.addf %get3A_179, %get3A_183 : vector<16xf32>
      %max3A_185 = arith.constant 0.000000e+00 : f32
      %max3A_186 = vector.broadcast %max3A_185 : f32 to vector<16xf32>
      %max3A_187 = arith.maximumf %add3A_184, %max3A_186 : vector<16xf32>
      %swap3A_188 = arith.index_cast %scan3A_125 : i32 to index
      %swap3A_189 = arith.constant 48 : index
      %swap3A_190 = tpu.vector_load %arg14[%swap3A_188, %swap3A_189] {strides = array<i32>} : memref<80x128xf32, #tpu.memory_space<vmem>>, vector<1x16xf32>,
      %swap3A_191 = vector.shape_cast %swap3A_190 : vector<1x16xf32> to vector<16xf32>
      %swap3A_192 = vector.shape_cast %max3A_187 : vector<16xf32> to vector<1x16xf32>
      tpu.vector_store %arg14[%swap3A_188, %swap3A_189], %swap3A_192 {strides = array<i32>} : memref<80x128xf32, #tpu.memory_space<vmem>>, vector<1x16xf32>,
      %get3A_193 = arith.index_cast %scan3A_125 : i32 to index
      %get3A_194 = arith.constant 64 : index
      %get3A_195 = tpu.vector_load %arg14[%get3A_193, %get3A_194] {strides = array<i32>} : memref<80x128xf32, #tpu.memory_space<vmem>>, vector<1x16xf32>,
      %get3A_196 = vector.shape_cast %get3A_195 : vector<1x16xf32> to vector<16xf32>
      %get3A_197 = arith.index_cast %scan3A_125 : i32 to index
      %get3A_198 = arith.constant 64 : index
      %get3A_199 = tpu.vector_load %arg15[%get3A_197, %get3A_198] {strides = array<i32>} : memref<80x128xf32, #tpu.memory_space<vmem>>, vector<1x16xf32>,
      %get3A_200 = vector.shape_cast %get3A_199 : vector<1x16xf32> to vector<16xf32>
      %add3A_201 = arith.addf %get3A_196, %get3A_200 : vector<16xf32>
      %max3A_202 = arith.constant 0.000000e+00 : f32
      %max3A_203 = vector.broadcast %max3A_202 : f32 to vector<16xf32>
      %max3A_204 = arith.maximumf %add3A_201, %max3A_203 : vector<16xf32>
      %swap3A_205 = arith.index_cast %scan3A_125 : i32 to index
      %swap3A_206 = arith.constant 64 : index
      %swap3A_207 = tpu.vector_load %arg14[%swap3A_205, %swap3A_206] {strides = array<i32>} : memref<80x128xf32, #tpu.memory_space<vmem>>, vector<1x16xf32>,
      %swap3A_208 = vector.shape_cast %swap3A_207 : vector<1x16xf32> to vector<16xf32>
      %swap3A_209 = vector.shape_cast %max3A_204 : vector<16xf32> to vector<1x16xf32>
      tpu.vector_store %arg14[%swap3A_205, %swap3A_206], %swap3A_209 {strides = array<i32>} : memref<80x128xf32, #tpu.memory_space<vmem>>, vector<1x16xf32>,
      %get3A_210 = arith.index_cast %scan3A_125 : i32 to index
      %get3A_211 = arith.constant 80 : index
      %get3A_212 = tpu.vector_load %arg14[%get3A_210, %get3A_211] {strides = array<i32>} : memref<80x128xf32, #tpu.memory_space<vmem>>, vector<1x16xf32>,
      %get3A_213 = vector.shape_cast %get3A_212 : vector<1x16xf32> to vector<16xf32>
      %get3A_214 = arith.index_cast %scan3A_125 : i32 to index
      %get3A_215 = arith.constant 80 : index
      %get3A_216 = tpu.vector_load %arg15[%get3A_214, %get3A_215] {strides = array<i32>} : memref<80x128xf32, #tpu.memory_space<vmem>>, vector<1x16xf32>,
      %get3A_217 = vector.shape_cast %get3A_216 : vector<1x16xf32> to vector<16xf32>
      %add3A_218 = arith.addf %get3A_213, %get3A_217 : vector<16xf32>
      %max3A_219 = arith.constant 0.000000e+00 : f32
      %max3A_220 = vector.broadcast %max3A_219 : f32 to vector<16xf32>
      %max3A_221 = arith.maximumf %add3A_218, %max3A_220 : vector<16xf32>
      %swap3A_222 = arith.index_cast %scan3A_125 : i32 to index
      %swap3A_223 = arith.constant 80 : index
      %swap3A_224 = tpu.vector_load %arg14[%swap3A_222, %swap3A_223] {strides = array<i32>} : memref<80x128xf32, #tpu.memory_space<vmem>>, vector<1x16xf32>,
      %swap3A_225 = vector.shape_cast %swap3A_224 : vector<1x16xf32> to vector<16xf32>
      %swap3A_226 = vector.shape_cast %max3A_221 : vector<16xf32> to vector<1x16xf32>
      tpu.vector_store %arg14[%swap3A_222, %swap3A_223], %swap3A_226 {strides = array<i32>} : memref<80x128xf32, #tpu.memory_space<vmem>>, vector<1x16xf32>,
      %get3A_227 = arith.index_cast %scan3A_125 : i32 to index
      %get3A_228 = arith.constant 96 : index
      %get3A_229 = tpu.vector_load %arg14[%get3A_227, %get3A_228] {strides = array<i32>} : memref<80x128xf32, #tpu.memory_space<vmem>>, vector<1x16xf32>,
      %get3A_230 = vector.shape_cast %get3A_229 : vector<1x16xf32> to vector<16xf32>
      %get3A_231 = arith.index_cast %scan3A_125 : i32 to index
      %get3A_232 = arith.constant 96 : index
      %get3A_233 = tpu.vector_load %arg15[%get3A_231, %get3A_232] {strides = array<i32>} : memref<80x128xf32, #tpu.memory_space<vmem>>, vector<1x16xf32>,
      %get3A_234 = vector.shape_cast %get3A_233 : vector<1x16xf32> to vector<16xf32>
      %add3A_235 = arith.addf %get3A_230, %get3A_234 : vector<16xf32>
      %max3A_236 = arith.constant 0.000000e+00 : f32
      %max3A_237 = vector.broadcast %max3A_236 : f32 to vector<16xf32>
      %max3A_238 = arith.maximumf %add3A_235, %max3A_237 : vector<16xf32>
      %swap3A_239 = arith.index_cast %scan3A_125 : i32 to index
      %swap3A_240 = arith.constant 96 : index
      %swap3A_241 = tpu.vector_load %arg14[%swap3A_239, %swap3A_240] {strides = array<i32>} : memref<80x128xf32, #tpu.memory_space<vmem>>, vector<1x16xf32>,
      %swap3A_242 = vector.shape_cast %swap3A_241 : vector<1x16xf32> to vector<16xf32>
      %swap3A_243 = vector.shape_cast %max3A_238 : vector<16xf32> to vector<1x16xf32>
      tpu.vector_store %arg14[%swap3A_239, %swap3A_240], %swap3A_243 {strides = array<i32>} : memref<80x128xf32, #tpu.memory_space<vmem>>, vector<1x16xf32>,
      %get3A_244 = arith.index_cast %scan3A_125 : i32 to index
      %get3A_245 = arith.constant 112 : index
      %get3A_246 = tpu.vector_load %arg14[%get3A_244, %get3A_245] {strides = array<i32>} : memref<80x128xf32, #tpu.memory_space<vmem>>, vector<1x16xf32>,
      %get3A_247 = vector.shape_cast %get3A_246 : vector<1x16xf32> to vector<16xf32>
      %get3A_248 = arith.index_cast %scan3A_125 : i32 to index
      %get3A_249 = arith.constant 112 : index
      %get3A_250 = tpu.vector_load %arg15[%get3A_248, %get3A_249] {strides = array<i32>} : memref<80x128xf32, #tpu.memory_space<vmem>>, vector<1x16xf32>,
      %get3A_251 = vector.shape_cast %get3A_250 : vector<1x16xf32> to vector<16xf32>
      %add3A_252 = arith.addf %get3A_247, %get3A_251 : vector<16xf32>
      %max3A_253 = arith.constant 0.000000e+00 : f32
      %max3A_254 = vector.broadcast %max3A_253 : f32 to vector<16xf32>
      %max3A_255 = arith.maximumf %add3A_252, %max3A_254 : vector<16xf32>
      %swap3A_256 = arith.index_cast %scan3A_125 : i32 to index
      %swap3A_257 = arith.constant 112 : index
      %swap3A_258 = tpu.vector_load %arg14[%swap3A_256, %swap3A_257] {strides = array<i32>} : memref<80x128xf32, #tpu.memory_space<vmem>>, vector<1x16xf32>,
      %swap3A_259 = vector.shape_cast %swap3A_258 : vector<1x16xf32> to vector<16xf32>
      %swap3A_260 = vector.shape_cast %max3A_255 : vector<16xf32> to vector<1x16xf32>
      tpu.vector_store %arg14[%swap3A_256, %swap3A_257], %swap3A_260 {strides = array<i32>} : memref<80x128xf32, #tpu.memory_space<vmem>>, vector<1x16xf32>,
    }
    %scan3A_56 = arith.constant 80 : i32
    %get3A = arith.constant 0 : index
    %get3A_57 = tpu.vector_load %arg8[%get3A] {strides = array<i32>} : memref<80xi32, #tpu.memory_space<vmem>>, vector<16xi32>,
    %get3A_58 = vector.shape_cast %get3A_57 : vector<16xi32> to vector<16xi32>
    %swap3A = arith.constant 0 : index
    %swap3A_59 = tpu.vector_load %arg12[%swap3A] {strides = array<i32>} : memref<80xi32, #tpu.memory_space<vmem>>, vector<16xi32>,
    %swap3A_60 = vector.shape_cast %swap3A_59 : vector<16xi32> to vector<16xi32>
    %swap3A_61 = vector.shape_cast %get3A_58 : vector<16xi32> to vector<16xi32>
    tpu.vector_store %arg12[%swap3A], %swap3A_61 {strides = array<i32>} : memref<80xi32, #tpu.memory_space<vmem>>, vector<16xi32>,
    %get3A_62 = arith.constant 16 : index
    %get3A_63 = tpu.vector_load %arg8[%get3A_62] {strides = array<i32>} : memref<80xi32, #tpu.memory_space<vmem>>, vector<16xi32>,
    %get3A_64 = vector.shape_cast %get3A_63 : vector<16xi32> to vector<16xi32>
    %swap3A_65 = arith.constant 16 : index
    %swap3A_66 = tpu.vector_load %arg12[%swap3A_65] {strides = array<i32>} : memref<80xi32, #tpu.memory_space<vmem>>, vector<16xi32>,
    %swap3A_67 = vector.shape_cast %swap3A_66 : vector<16xi32> to vector<16xi32>
    %swap3A_68 = vector.shape_cast %get3A_64 : vector<16xi32> to vector<16xi32>
    tpu.vector_store %arg12[%swap3A_65], %swap3A_68 {strides = array<i32>} : memref<80xi32, #tpu.memory_space<vmem>>, vector<16xi32>,
    %get3A_69 = arith.constant 32 : index
    %get3A_70 = tpu.vector_load %arg8[%get3A_69] {strides = array<i32>} : memref<80xi32, #tpu.memory_space<vmem>>, vector<16xi32>,
    %get3A_71 = vector.shape_cast %get3A_70 : vector<16xi32> to vector<16xi32>
    %swap3A_72 = arith.constant 32 : index
    %swap3A_73 = tpu.vector_load %arg12[%swap3A_72] {strides = array<i32>} : memref<80xi32, #tpu.memory_space<vmem>>, vector<16xi32>,
    %swap3A_74 = vector.shape_cast %swap3A_73 : vector<16xi32> to vector<16xi32>
    %swap3A_75 = vector.shape_cast %get3A_71 : vector<16xi32> to vector<16xi32>
    tpu.vector_store %arg12[%swap3A_72], %swap3A_75 {strides = array<i32>} : memref<80xi32, #tpu.memory_space<vmem>>, vector<16xi32>,
    %get3A_76 = arith.constant 48 : index
    %get3A_77 = tpu.vector_load %arg8[%get3A_76] {strides = array<i32>} : memref<80xi32, #tpu.memory_space<vmem>>, vector<16xi32>,
    %get3A_78 = vector.shape_cast %get3A_77 : vector<16xi32> to vector<16xi32>
    %swap3A_79 = arith.constant 48 : index
    %swap3A_80 = tpu.vector_load %arg12[%swap3A_79] {strides = array<i32>} : memref<80xi32, #tpu.memory_space<vmem>>, vector<16xi32>,
    %swap3A_81 = vector.shape_cast %swap3A_80 : vector<16xi32> to vector<16xi32>
    %swap3A_82 = vector.shape_cast %get3A_78 : vector<16xi32> to vector<16xi32>
    tpu.vector_store %arg12[%swap3A_79], %swap3A_82 {strides = array<i32>} : memref<80xi32, #tpu.memory_space<vmem>>, vector<16xi32>,
    %get3A_83 = arith.constant 64 : index
    %get3A_84 = tpu.vector_load %arg8[%get3A_83] {strides = array<i32>} : memref<80xi32, #tpu.memory_space<vmem>>, vector<16xi32>,
    %get3A_85 = vector.shape_cast %get3A_84 : vector<16xi32> to vector<16xi32>
    %swap3A_86 = arith.constant 64 : index
    %swap3A_87 = tpu.vector_load %arg12[%swap3A_86] {strides = array<i32>} : memref<80xi32, #tpu.memory_space<vmem>>, vector<16xi32>,
    %swap3A_88 = vector.shape_cast %swap3A_87 : vector<16xi32> to vector<16xi32>
    %swap3A_89 = vector.shape_cast %get3A_85 : vector<16xi32> to vector<16xi32>
    tpu.vector_store %arg12[%swap3A_86], %swap3A_89 {strides = array<i32>} : memref<80xi32, #tpu.memory_space<vmem>>, vector<16xi32>,
    %dma_start3A_90 = arith.constant 0 : i32
    %dma_start3A_91 = arith.constant 0 : i32
    %dma_start3A_92 = tpu.memref_slice %arg18[%dma_start3A_90, %dma_start3A_91] : memref<10112x128xf32, #tpu.memory_space<vmem_shared>> -> memref<10112x128xf32, #tpu.memory_space<vmem_shared>>
    tpu.enqueue_indirect_dma source(%arg14 : memref<80x128xf32, #tpu.memory_space<vmem>>) target(%dma_start3A_92 : memref<10112x128xf32, #tpu.memory_space<vmem_shared>>) offsets(%arg12 : memref<80xi32, #tpu.memory_space<vmem>>) semaphore(%arg27 : memref<!tpu.dma_semaphore, #tpu.memory_space<semaphore_mem>>) {add = true}
    %add3A_93 = arith.constant 160 : i32
    %add3A_94 = arith.addi %mul3A_4, %add3A_93 : i32
    %min3A_95 = arith.constant 319920 : i32
    %min3A_96 = arith.minsi %add3A_94, %min3A_95 : i32
    %dma_start3A_97 = tpu.memref_slice %arg2[%min3A_96] : memref<320000xi32, #tpu.memory_space<hbm>> -> memref<80xi32, #tpu.memory_space<hbm>>
    %dma_start3A_98 = tpu.memref_slice %arg2[%min3A_96] : memref<320000xi32, #tpu.memory_space<hbm>> -> memref<80xi32, #tpu.memory_space<hbm>>
    tpu.enqueue_dma source(%dma_start3A_98 : memref<80xi32, #tpu.memory_space<hbm>>) target(%arg8 : memref<80xi32, #tpu.memory_space<vmem>>) target_semaphore(%arg19 : memref<!tpu.dma_semaphore, #tpu.memory_space<semaphore_mem>>)
    %dma_start3A_99 = tpu.memref_slice %arg3[%min3A_96] : memref<320000xi32, #tpu.memory_space<hbm>> -> memref<80xi32, #tpu.memory_space<hbm>>
    %dma_start3A_100 = tpu.memref_slice %arg3[%min3A_96] : memref<320000xi32, #tpu.memory_space<hbm>> -> memref<80xi32, #tpu.memory_space<hbm>>
    tpu.enqueue_dma source(%dma_start3A_100 : memref<80xi32, #tpu.memory_space<hbm>>) target(%arg9 : memref<80xi32, #tpu.memory_space<vmem>>) target_semaphore(%arg20 : memref<!tpu.dma_semaphore, #tpu.memory_space<semaphore_mem>>)
    %scan3A_101 = arith.constant 0 : i32
    %scan3A_102 = arith.constant 0 : i32
    %scan3A_103 = arith.constant 62 : i32
    %scan3A_104 = arith.addi %scan3A_102, %scan3A_103 : i32
    %scan3A_105 = arith.constant 1 : i32
    scf.for %scan3A_125 = %scan3A_102 to %scan3A_104 step %scan3A_105  : i32 {
      %mul3A_126 = arith.constant 2 : i32
      %mul3A_127 = arith.muli %mul3A_126, %scan3A_125 : i32
      %add3A_128 = arith.constant 1 : i32
      %add3A_129 = arith.addi %mul3A_127, %add3A_128 : i32
      %dma_wait3A_130 = arith.constant 0 : i32
      %dma_wait3A_131 = tpu.memref_slice %arg2[%dma_wait3A_130] : memref<320000xi32, #tpu.memory_space<hbm>> -> memref<80xi32, #tpu.memory_space<hbm>>
      %dma_wait3A_132 = arith.constant 0 : i32
      %dma_wait3A_133 = tpu.memref_slice %arg2[%dma_wait3A_132] : memref<320000xi32, #tpu.memory_space<hbm>> -> memref<80xi32, #tpu.memory_space<hbm>>
      tpu.wait_dma2 semaphore(%arg19 : memref<!tpu.dma_semaphore, #tpu.memory_space<semaphore_mem>>) src(%dma_wait3A_133 : memref<80xi32, #tpu.memory_space<hbm>>) dst(%arg8 : memref<80xi32, #tpu.memory_space<vmem>>)
      %dma_wait3A_134 = arith.constant 0 : i32
      %dma_wait3A_135 = tpu.memref_slice %arg3[%dma_wait3A_134] : memref<320000xi32, #tpu.memory_space<hbm>> -> memref<80xi32, #tpu.memory_space<hbm>>
      %dma_wait3A_136 = arith.constant 0 : i32
      %dma_wait3A_137 = tpu.memref_slice %arg3[%dma_wait3A_136] : memref<320000xi32, #tpu.memory_space<hbm>> -> memref<80xi32, #tpu.memory_space<hbm>>
      tpu.wait_dma2 semaphore(%arg20 : memref<!tpu.dma_semaphore, #tpu.memory_space<semaphore_mem>>) src(%dma_wait3A_137 : memref<80xi32, #tpu.memory_space<hbm>>) dst(%arg9 : memref<80xi32, #tpu.memory_space<vmem>>)
      %dma_wait3A_138 = arith.constant 0 : i32
      %dma_wait3A_139 = arith.constant 0 : i32
      %dma_wait3A_140 = tpu.memref_slice %arg18[%dma_wait3A_138, %dma_wait3A_139] : memref<10112x128xf32, #tpu.memory_space<vmem_shared>> -> memref<10112x128xf32, #tpu.memory_space<vmem_shared>>
      tpu.wait_indirect_dma semaphore(%arg27 : memref<!tpu.dma_semaphore, #tpu.memory_space<semaphore_mem>>) src(%arg14 : memref<80x128xf32, #tpu.memory_space<vmem>>) dst(%dma_wait3A_140 : memref<10112x128xf32, #tpu.memory_space<vmem_shared>>)
      %dma_start3A_141 = arith.constant 0 : i32
      %dma_start3A_142 = arith.constant 0 : i32
      %dma_start3A_143 = tpu.memref_slice %arg4[%dma_start3A_141, %dma_start3A_142] : memref<10000x128xf32, #tpu.memory_space<hbm>> -> memref<10000x128xf32, #tpu.memory_space<hbm>>
      tpu.enqueue_indirect_dma source(%dma_start3A_143 : memref<10000x128xf32, #tpu.memory_space<hbm>>) target(%arg14 : memref<80x128xf32, #tpu.memory_space<vmem>>) offsets(%arg8 : memref<80xi32, #tpu.memory_space<vmem>>) semaphore(%arg23 : memref<!tpu.dma_semaphore, #tpu.memory_space<semaphore_mem>>)
      %dma_start3A_144 = arith.constant 0 : i32
      %dma_start3A_145 = arith.constant 0 : i32
      %dma_start3A_146 = tpu.memref_slice %arg5[%dma_start3A_144, %dma_start3A_145] : memref<40000x128xf32, #tpu.memory_space<hbm>> -> memref<40000x128xf32, #tpu.memory_space<hbm>>
      tpu.enqueue_indirect_dma source(%dma_start3A_146 : memref<40000x128xf32, #tpu.memory_space<hbm>>) target(%arg15 : memref<80x128xf32, #tpu.memory_space<vmem>>) offsets(%arg9 : memref<80xi32, #tpu.memory_space<vmem>>) semaphore(%arg24 : memref<!tpu.dma_semaphore, #tpu.memory_space<semaphore_mem>>)
      %dma_wait3A_147 = arith.constant 0 : i32
      %dma_wait3A_148 = arith.constant 0 : i32
      %dma_wait3A_149 = tpu.memref_slice %arg4[%dma_wait3A_147, %dma_wait3A_148] : memref<10000x128xf32, #tpu.memory_space<hbm>> -> memref<10000x128xf32, #tpu.memory_space<hbm>>
      tpu.wait_indirect_dma semaphore(%arg25 : memref<!tpu.dma_semaphore, #tpu.memory_space<semaphore_mem>>) src(%dma_wait3A_149 : memref<10000x128xf32, #tpu.memory_space<hbm>>) dst(%arg16 : memref<80x128xf32, #tpu.memory_space<vmem>>)
      %dma_wait3A_150 = arith.constant 0 : i32
      %dma_wait3A_151 = arith.constant 0 : i32
      %dma_wait3A_152 = tpu.memref_slice %arg5[%dma_wait3A_150, %dma_wait3A_151] : memref<40000x128xf32, #tpu.memory_space<hbm>> -> memref<40000x128xf32, #tpu.memory_space<hbm>>
      tpu.wait_indirect_dma semaphore(%arg26 : memref<!tpu.dma_semaphore, #tpu.memory_space<semaphore_mem>>) src(%dma_wait3A_152 : memref<40000x128xf32, #tpu.memory_space<hbm>>) dst(%arg17 : memref<80x128xf32, #tpu.memory_space<vmem>>)
      %scan3A_153 = arith.constant 0 : i32
      %scan3A_154 = arith.constant 0 : i32
      %scan3A_155 = arith.constant 80 : i32
      %scan3A_156 = arith.addi %scan3A_154, %scan3A_155 : i32
      %scan3A_157 = arith.constant 1 : i32
      scf.for %scan3A_290 = %scan3A_154 to %scan3A_156 step %scan3A_157  : i32 {
        %get3A_291 = arith.index_cast %scan3A_290 : i32 to index
        %get3A_292 = arith.constant 0 : index
        %get3A_293 = tpu.vector_load %arg16[%get3A_291, %get3A_292] {strides = array<i32>} : memref<80x128xf32, #tpu.memory_space<vmem>>, vector<1x16xf32>,
        %get3A_294 = vector.shape_cast %get3A_293 : vector<1x16xf32> to vector<16xf32>
        %get3A_295 = arith.index_cast %scan3A_290 : i32 to index
        %get3A_296 = arith.constant 0 : index
        %get3A_297 = tpu.vector_load %arg17[%get3A_295, %get3A_296] {strides = array<i32>} : memref<80x128xf32, #tpu.memory_space<vmem>>, vector<1x16xf32>,
        %get3A_298 = vector.shape_cast %get3A_297 : vector<1x16xf32> to vector<16xf32>
        %add3A_299 = arith.addf %get3A_294, %get3A_298 : vector<16xf32>
        %max3A = arith.constant 0.000000e+00 : f32
        %max3A_300 = vector.broadcast %max3A : f32 to vector<16xf32>
        %max3A_301 = arith.maximumf %add3A_299, %max3A_300 : vector<16xf32>
        %swap3A_302 = arith.index_cast %scan3A_290 : i32 to index
        %swap3A_303 = arith.constant 0 : index
        %swap3A_304 = tpu.vector_load %arg16[%swap3A_302, %swap3A_303] {strides = array<i32>} : memref<80x128xf32, #tpu.memory_space<vmem>>, vector<1x16xf32>,
        %swap3A_305 = vector.shape_cast %swap3A_304 : vector<1x16xf32> to vector<16xf32>
        %swap3A_306 = vector.shape_cast %max3A_301 : vector<16xf32> to vector<1x16xf32>
        tpu.vector_store %arg16[%swap3A_302, %swap3A_303], %swap3A_306 {strides = array<i32>} : memref<80x128xf32, #tpu.memory_space<vmem>>, vector<1x16xf32>,
        %get3A_307 = arith.index_cast %scan3A_290 : i32 to index
        %get3A_308 = arith.constant 16 : index
        %get3A_309 = tpu.vector_load %arg16[%get3A_307, %get3A_308] {strides = array<i32>} : memref<80x128xf32, #tpu.memory_space<vmem>>, vector<1x16xf32>,
        %get3A_310 = vector.shape_cast %get3A_309 : vector<1x16xf32> to vector<16xf32>
        %get3A_311 = arith.index_cast %scan3A_290 : i32 to index
        %get3A_312 = arith.constant 16 : index
        %get3A_313 = tpu.vector_load %arg17[%get3A_311, %get3A_312] {strides = array<i32>} : memref<80x128xf32, #tpu.memory_space<vmem>>, vector<1x16xf32>,
        %get3A_314 = vector.shape_cast %get3A_313 : vector<1x16xf32> to vector<16xf32>
        %add3A_315 = arith.addf %get3A_310, %get3A_314 : vector<16xf32>
        %max3A_316 = arith.constant 0.000000e+00 : f32
        %max3A_317 = vector.broadcast %max3A_316 : f32 to vector<16xf32>
        %max3A_318 = arith.maximumf %add3A_315, %max3A_317 : vector<16xf32>
        %swap3A_319 = arith.index_cast %scan3A_290 : i32 to index
        %swap3A_320 = arith.constant 16 : index
        %swap3A_321 = tpu.vector_load %arg16[%swap3A_319, %swap3A_320] {strides = array<i32>} : memref<80x128xf32, #tpu.memory_space<vmem>>, vector<1x16xf32>,
        %swap3A_322 = vector.shape_cast %swap3A_321 : vector<1x16xf32> to vector<16xf32>
        %swap3A_323 = vector.shape_cast %max3A_318 : vector<16xf32> to vector<1x16xf32>
        tpu.vector_store %arg16[%swap3A_319, %swap3A_320], %swap3A_323 {strides = array<i32>} : memref<80x128xf32, #tpu.memory_space<vmem>>, vector<1x16xf32>,
        %get3A_324 = arith.index_cast %scan3A_290 : i32 to index
        %get3A_325 = arith.constant 32 : index
        %get3A_326 = tpu.vector_load %arg16[%get3A_324, %get3A_325] {strides = array<i32>} : memref<80x128xf32, #tpu.memory_space<vmem>>, vector<1x16xf32>,
        %get3A_327 = vector.shape_cast %get3A_326 : vector<1x16xf32> to vector<16xf32>
        %get3A_328 = arith.index_cast %scan3A_290 : i32 to index
        %get3A_329 = arith.constant 32 : index
        %get3A_330 = tpu.vector_load %arg17[%get3A_328, %get3A_329] {strides = array<i32>} : memref<80x128xf32, #tpu.memory_space<vmem>>, vector<1x16xf32>,
        %get3A_331 = vector.shape_cast %get3A_330 : vector<1x16xf32> to vector<16xf32>
        %add3A_332 = arith.addf %get3A_327, %get3A_331 : vector<16xf32>
        %max3A_333 = arith.constant 0.000000e+00 : f32
        %max3A_334 = vector.broadcast %max3A_333 : f32 to vector<16xf32>
        %max3A_335 = arith.maximumf %add3A_332, %max3A_334 : vector<16xf32>
        %swap3A_336 = arith.index_cast %scan3A_290 : i32 to index
        %swap3A_337 = arith.constant 32 : index
        %swap3A_338 = tpu.vector_load %arg16[%swap3A_336, %swap3A_337] {strides = array<i32>} : memref<80x128xf32, #tpu.memory_space<vmem>>, vector<1x16xf32>,
        %swap3A_339 = vector.shape_cast %swap3A_338 : vector<1x16xf32> to vector<16xf32>
        %swap3A_340 = vector.shape_cast %max3A_335 : vector<16xf32> to vector<1x16xf32>
        tpu.vector_store %arg16[%swap3A_336, %swap3A_337], %swap3A_340 {strides = array<i32>} : memref<80x128xf32, #tpu.memory_space<vmem>>, vector<1x16xf32>,
        %get3A_341 = arith.index_cast %scan3A_290 : i32 to index
        %get3A_342 = arith.constant 48 : index
        %get3A_343 = tpu.vector_load %arg16[%get3A_341, %get3A_342] {strides = array<i32>} : memref<80x128xf32, #tpu.memory_space<vmem>>, vector<1x16xf32>,
        %get3A_344 = vector.shape_cast %get3A_343 : vector<1x16xf32> to vector<16xf32>
        %get3A_345 = arith.index_cast %scan3A_290 : i32 to index
        %get3A_346 = arith.constant 48 : index
        %get3A_347 = tpu.vector_load %arg17[%get3A_345, %get3A_346] {strides = array<i32>} : memref<80x128xf32, #tpu.memory_space<vmem>>, vector<1x16xf32>,
        %get3A_348 = vector.shape_cast %get3A_347 : vector<1x16xf32> to vector<16xf32>
        %add3A_349 = arith.addf %get3A_344, %get3A_348 : vector<16xf32>
        %max3A_350 = arith.constant 0.000000e+00 : f32
        %max3A_351 = vector.broadcast %max3A_350 : f32 to vector<16xf32>
        %max3A_352 = arith.maximumf %add3A_349, %max3A_351 : vector<16xf32>
        %swap3A_353 = arith.index_cast %scan3A_290 : i32 to index
        %swap3A_354 = arith.constant 48 : index
        %swap3A_355 = tpu.vector_load %arg16[%swap3A_353, %swap3A_354] {strides = array<i32>} : memref<80x128xf32, #tpu.memory_space<vmem>>, vector<1x16xf32>,
        %swap3A_356 = vector.shape_cast %swap3A_355 : vector<1x16xf32> to vector<16xf32>
        %swap3A_357 = vector.shape_cast %max3A_352 : vector<16xf32> to vector<1x16xf32>
        tpu.vector_store %arg16[%swap3A_353, %swap3A_354], %swap3A_357 {strides = array<i32>} : memref<80x128xf32, #tpu.memory_space<vmem>>, vector<1x16xf32>,
        %get3A_358 = arith.index_cast %scan3A_290 : i32 to index
        %get3A_359 = arith.constant 64 : index
        %get3A_360 = tpu.vector_load %arg16[%get3A_358, %get3A_359] {strides = array<i32>} : memref<80x128xf32, #tpu.memory_space<vmem>>, vector<1x16xf32>,
        %get3A_361 = vector.shape_cast %get3A_360 : vector<1x16xf32> to vector<16xf32>
        %get3A_362 = arith.index_cast %scan3A_290 : i32 to index
        %get3A_363 = arith.constant 64 : index
        %get3A_364 = tpu.vector_load %arg17[%get3A_362, %get3A_363] {strides = array<i32>} : memref<80x128xf32, #tpu.memory_space<vmem>>, vector<1x16xf32>,
        %get3A_365 = vector.shape_cast %get3A_364 : vector<1x16xf32> to vector<16xf32>
        %add3A_366 = arith.addf %get3A_361, %get3A_365 : vector<16xf32>
        %max3A_367 = arith.constant 0.000000e+00 : f32
        %max3A_368 = vector.broadcast %max3A_367 : f32 to vector<16xf32>
        %max3A_369 = arith.maximumf %add3A_366, %max3A_368 : vector<16xf32>
        %swap3A_370 = arith.index_cast %scan3A_290 : i32 to index
        %swap3A_371 = arith.constant 64 : index
        %swap3A_372 = tpu.vector_load %arg16[%swap3A_370, %swap3A_371] {strides = array<i32>} : memref<80x128xf32, #tpu.memory_space<vmem>>, vector<1x16xf32>,
        %swap3A_373 = vector.shape_cast %swap3A_372 : vector<1x16xf32> to vector<16xf32>
        %swap3A_374 = vector.shape_cast %max3A_369 : vector<16xf32> to vector<1x16xf32>
        tpu.vector_store %arg16[%swap3A_370, %swap3A_371], %swap3A_374 {strides = array<i32>} : memref<80x128xf32, #tpu.memory_space<vmem>>, vector<1x16xf32>,
        %get3A_375 = arith.index_cast %scan3A_290 : i32 to index
        %get3A_376 = arith.constant 80 : index
        %get3A_377 = tpu.vector_load %arg16[%get3A_375, %get3A_376] {strides = array<i32>} : memref<80x128xf32, #tpu.memory_space<vmem>>, vector<1x16xf32>,
        %get3A_378 = vector.shape_cast %get3A_377 : vector<1x16xf32> to vector<16xf32>
        %get3A_379 = arith.index_cast %scan3A_290 : i32 to index
        %get3A_380 = arith.constant 80 : index
        %get3A_381 = tpu.vector_load %arg17[%get3A_379, %get3A_380] {strides = array<i32>} : memref<80x128xf32, #tpu.memory_space<vmem>>, vector<1x16xf32>,
        %get3A_382 = vector.shape_cast %get3A_381 : vector<1x16xf32> to vector<16xf32>
        %add3A_383 = arith.addf %get3A_378, %get3A_382 : vector<16xf32>
        %max3A_384 = arith.constant 0.000000e+00 : f32
        %max3A_385 = vector.broadcast %max3A_384 : f32 to vector<16xf32>
        %max3A_386 = arith.maximumf %add3A_383, %max3A_385 : vector<16xf32>
        %swap3A_387 = arith.index_cast %scan3A_290 : i32 to index
        %swap3A_388 = arith.constant 80 : index
        %swap3A_389 = tpu.vector_load %arg16[%swap3A_387, %swap3A_388] {strides = array<i32>} : memref<80x128xf32, #tpu.memory_space<vmem>>, vector<1x16xf32>,
        %swap3A_390 = vector.shape_cast %swap3A_389 : vector<1x16xf32> to vector<16xf32>
        %swap3A_391 = vector.shape_cast %max3A_386 : vector<16xf32> to vector<1x16xf32>
        tpu.vector_store %arg16[%swap3A_387, %swap3A_388], %swap3A_391 {strides = array<i32>} : memref<80x128xf32, #tpu.memory_space<vmem>>, vector<1x16xf32>,
        %get3A_392 = arith.index_cast %scan3A_290 : i32 to index
        %get3A_393 = arith.constant 96 : index
        %get3A_394 = tpu.vector_load %arg16[%get3A_392, %get3A_393] {strides = array<i32>} : memref<80x128xf32, #tpu.memory_space<vmem>>, vector<1x16xf32>,
        %get3A_395 = vector.shape_cast %get3A_394 : vector<1x16xf32> to vector<16xf32>
        %get3A_396 = arith.index_cast %scan3A_290 : i32 to index
        %get3A_397 = arith.constant 96 : index
        %get3A_398 = tpu.vector_load %arg17[%get3A_396, %get3A_397] {strides = array<i32>} : memref<80x128xf32, #tpu.memory_space<vmem>>, vector<1x16xf32>,
        %get3A_399 = vector.shape_cast %get3A_398 : vector<1x16xf32> to vector<16xf32>
        %add3A_400 = arith.addf %get3A_395, %get3A_399 : vector<16xf32>
        %max3A_401 = arith.constant 0.000000e+00 : f32
        %max3A_402 = vector.broadcast %max3A_401 : f32 to vector<16xf32>
        %max3A_403 = arith.maximumf %add3A_400, %max3A_402 : vector<16xf32>
        %swap3A_404 = arith.index_cast %scan3A_290 : i32 to index
        %swap3A_405 = arith.constant 96 : index
        %swap3A_406 = tpu.vector_load %arg16[%swap3A_404, %swap3A_405] {strides = array<i32>} : memref<80x128xf32, #tpu.memory_space<vmem>>, vector<1x16xf32>,
        %swap3A_407 = vector.shape_cast %swap3A_406 : vector<1x16xf32> to vector<16xf32>
        %swap3A_408 = vector.shape_cast %max3A_403 : vector<16xf32> to vector<1x16xf32>
        tpu.vector_store %arg16[%swap3A_404, %swap3A_405], %swap3A_408 {strides = array<i32>} : memref<80x128xf32, #tpu.memory_space<vmem>>, vector<1x16xf32>,
        %get3A_409 = arith.index_cast %scan3A_290 : i32 to index
        %get3A_410 = arith.constant 112 : index
        %get3A_411 = tpu.vector_load %arg16[%get3A_409, %get3A_410] {strides = array<i32>} : memref<80x128xf32, #tpu.memory_space<vmem>>, vector<1x16xf32>,
        %get3A_412 = vector.shape_cast %get3A_411 : vector<1x16xf32> to vector<16xf32>
        %get3A_413 = arith.index_cast %scan3A_290 : i32 to index
        %get3A_414 = arith.constant 112 : index
        %get3A_415 = tpu.vector_load %arg17[%get3A_413, %get3A_414] {strides = array<i32>} : memref<80x128xf32, #tpu.memory_space<vmem>>, vector<1x16xf32>,
        %get3A_416 = vector.shape_cast %get3A_415 : vector<1x16xf32> to vector<16xf32>
        %add3A_417 = arith.addf %get3A_412, %get3A_416 : vector<16xf32>
        %max3A_418 = arith.constant 0.000000e+00 : f32
        %max3A_419 = vector.broadcast %max3A_418 : f32 to vector<16xf32>
        %max3A_420 = arith.maximumf %add3A_417, %max3A_419 : vector<16xf32>
        %swap3A_421 = arith.index_cast %scan3A_290 : i32 to index
        %swap3A_422 = arith.constant 112 : index
        %swap3A_423 = tpu.vector_load %arg16[%swap3A_421, %swap3A_422] {strides = array<i32>} : memref<80x128xf32, #tpu.memory_space<vmem>>, vector<1x16xf32>,
        %swap3A_424 = vector.shape_cast %swap3A_423 : vector<1x16xf32> to vector<16xf32>
        %swap3A_425 = vector.shape_cast %max3A_420 : vector<16xf32> to vector<1x16xf32>
        tpu.vector_store %arg16[%swap3A_421, %swap3A_422], %swap3A_425 {strides = array<i32>} : memref<80x128xf32, #tpu.memory_space<vmem>>, vector<1x16xf32>,
      }
      %scan3A_158 = arith.constant 80 : i32
      %get3A_159 = arith.constant 0 : index
      %get3A_160 = tpu.vector_load %arg10[%get3A_159] {strides = array<i32>} : memref<80xi32, #tpu.memory_space<vmem>>, vector<16xi32>,
      %get3A_161 = vector.shape_cast %get3A_160 : vector<16xi32> to vector<16xi32>
      %swap3A_162 = arith.constant 0 : index
      %swap3A_163 = tpu.vector_load %arg13[%swap3A_162] {strides = array<i32>} : memref<80xi32, #tpu.memory_space<vmem>>, vector<16xi32>,
      %swap3A_164 = vector.shape_cast %swap3A_163 : vector<16xi32> to vector<16xi32>
      %swap3A_165 = vector.shape_cast %get3A_161 : vector<16xi32> to vector<16xi32>
      tpu.vector_store %arg13[%swap3A_162], %swap3A_165 {strides = array<i32>} : memref<80xi32, #tpu.memory_space<vmem>>, vector<16xi32>,
      %get3A_166 = arith.constant 16 : index
      %get3A_167 = tpu.vector_load %arg10[%get3A_166] {strides = array<i32>} : memref<80xi32, #tpu.memory_space<vmem>>, vector<16xi32>,
      %get3A_168 = vector.shape_cast %get3A_167 : vector<16xi32> to vector<16xi32>
      %swap3A_169 = arith.constant 16 : index
      %swap3A_170 = tpu.vector_load %arg13[%swap3A_169] {strides = array<i32>} : memref<80xi32, #tpu.memory_space<vmem>>, vector<16xi32>,
      %swap3A_171 = vector.shape_cast %swap3A_170 : vector<16xi32> to vector<16xi32>
      %swap3A_172 = vector.shape_cast %get3A_168 : vector<16xi32> to vector<16xi32>
      tpu.vector_store %arg13[%swap3A_169], %swap3A_172 {strides = array<i32>} : memref<80xi32, #tpu.memory_space<vmem>>, vector<16xi32>,
      %get3A_173 = arith.constant 32 : index
      %get3A_174 = tpu.vector_load %arg10[%get3A_173] {strides = array<i32>} : memref<80xi32, #tpu.memory_space<vmem>>, vector<16xi32>,
      %get3A_175 = vector.shape_cast %get3A_174 : vector<16xi32> to vector<16xi32>
      %swap3A_176 = arith.constant 32 : index
      %swap3A_177 = tpu.vector_load %arg13[%swap3A_176] {strides = array<i32>} : memref<80xi32, #tpu.memory_space<vmem>>, vector<16xi32>,
      %swap3A_178 = vector.shape_cast %swap3A_177 : vector<16xi32> to vector<16xi32>
      %swap3A_179 = vector.shape_cast %get3A_175 : vector<16xi32> to vector<16xi32>
      tpu.vector_store %arg13[%swap3A_176], %swap3A_179 {strides = array<i32>} : memref<80xi32, #tpu.memory_space<vmem>>, vector<16xi32>,
      %get3A_180 = arith.constant 48 : index
      %get3A_181 = tpu.vector_load %arg10[%get3A_180] {strides = array<i32>} : memref<80xi32, #tpu.memory_space<vmem>>, vector<16xi32>,
      %get3A_182 = vector.shape_cast %get3A_181 : vector<16xi32> to vector<16xi32>
      %swap3A_183 = arith.constant 48 : index
      %swap3A_184 = tpu.vector_load %arg13[%swap3A_183] {strides = array<i32>} : memref<80xi32, #tpu.memory_space<vmem>>, vector<16xi32>,
      %swap3A_185 = vector.shape_cast %swap3A_184 : vector<16xi32> to vector<16xi32>
      %swap3A_186 = vector.shape_cast %get3A_182 : vector<16xi32> to vector<16xi32>
      tpu.vector_store %arg13[%swap3A_183], %swap3A_186 {strides = array<i32>} : memref<80xi32, #tpu.memory_space<vmem>>, vector<16xi32>,
      %get3A_187 = arith.constant 64 : index
      %get3A_188 = tpu.vector_load %arg10[%get3A_187] {strides = array<i32>} : memref<80xi32, #tpu.memory_space<vmem>>, vector<16xi32>,
      %get3A_189 = vector.shape_cast %get3A_188 : vector<16xi32> to vector<16xi32>
      %swap3A_190 = arith.constant 64 : index
      %swap3A_191 = tpu.vector_load %arg13[%swap3A_190] {strides = array<i32>} : memref<80xi32, #tpu.memory_space<vmem>>, vector<16xi32>,
      %swap3A_192 = vector.shape_cast %swap3A_191 : vector<16xi32> to vector<16xi32>
      %swap3A_193 = vector.shape_cast %get3A_189 : vector<16xi32> to vector<16xi32>
      tpu.vector_store %arg13[%swap3A_190], %swap3A_193 {strides = array<i32>} : memref<80xi32, #tpu.memory_space<vmem>>, vector<16xi32>,
      %dma_start3A_194 = arith.constant 0 : i32
      %dma_start3A_195 = arith.constant 0 : i32
      %dma_start3A_196 = tpu.memref_slice %arg18[%dma_start3A_194, %dma_start3A_195] : memref<10112x128xf32, #tpu.memory_space<vmem_shared>> -> memref<10112x128xf32, #tpu.memory_space<vmem_shared>>
      tpu.enqueue_indirect_dma source(%arg16 : memref<80x128xf32, #tpu.memory_space<vmem>>) target(%dma_start3A_196 : memref<10112x128xf32, #tpu.memory_space<vmem_shared>>) offsets(%arg13 : memref<80xi32, #tpu.memory_space<vmem>>) semaphore(%arg28 : memref<!tpu.dma_semaphore, #tpu.memory_space<semaphore_mem>>) {add = true}
      %add3A_197 = arith.constant 2 : i32
      %add3A_198 = arith.addi %add3A_129, %add3A_197 : i32
      %mul3A_199 = arith.constant 80 : i32
      %mul3A_200 = arith.muli %add3A_198, %mul3A_199 : i32
      %add3A_201 = arith.addi %mul3A_4, %mul3A_200 : i32
      %min3A_202 = arith.constant 319920 : i32
      %min3A_203 = arith.minsi %add3A_201, %min3A_202 : i32
      %dma_start3A_204 = tpu.memref_slice %arg2[%min3A_203] : memref<320000xi32, #tpu.memory_space<hbm>> -> memref<80xi32, #tpu.memory_space<hbm>>
      %dma_start3A_205 = tpu.memref_slice %arg2[%min3A_203] : memref<320000xi32, #tpu.memory_space<hbm>> -> memref<80xi32, #tpu.memory_space<hbm>>
      tpu.enqueue_dma source(%dma_start3A_205 : memref<80xi32, #tpu.memory_space<hbm>>) target(%arg10 : memref<80xi32, #tpu.memory_space<vmem>>) target_semaphore(%arg21 : memref<!tpu.dma_semaphore, #tpu.memory_space<semaphore_mem>>)
      %dma_start3A_206 = tpu.memref_slice %arg3[%min3A_203] : memref<320000xi32, #tpu.memory_space<hbm>> -> memref<80xi32, #tpu.memory_space<hbm>>
      %dma_start3A_207 = tpu.memref_slice %arg3[%min3A_203] : memref<320000xi32, #tpu.memory_space<hbm>> -> memref<80xi32, #tpu.memory_space<hbm>>
      tpu.enqueue_dma source(%dma_start3A_207 : memref<80xi32, #tpu.memory_space<hbm>>) target(%arg11 : memref<80xi32, #tpu.memory_space<vmem>>) target_semaphore(%arg22 : memref<!tpu.dma_semaphore, #tpu.memory_space<semaphore_mem>>)
      %mul3A_208 = arith.constant 2 : i32
      %mul3A_209 = arith.muli %mul3A_208, %scan3A_125 : i32
      %add3A_210 = arith.constant 2 : i32
      %add3A_211 = arith.addi %mul3A_209, %add3A_210 : i32
      %dma_wait3A_212 = arith.constant 0 : i32
      %dma_wait3A_213 = tpu.memref_slice %arg2[%dma_wait3A_212] : memref<320000xi32, #tpu.memory_space<hbm>> -> memref<80xi32, #tpu.memory_space<hbm>>
      %dma_wait3A_214 = arith.constant 0 : i32
      %dma_wait3A_215 = tpu.memref_slice %arg2[%dma_wait3A_214] : memref<320000xi32, #tpu.memory_space<hbm>> -> memref<80xi32, #tpu.memory_space<hbm>>
      tpu.wait_dma2 semaphore(%arg21 : memref<!tpu.dma_semaphore, #tpu.memory_space<semaphore_mem>>) src(%dma_wait3A_215 : memref<80xi32, #tpu.memory_space<hbm>>) dst(%arg10 : memref<80xi32, #tpu.memory_space<vmem>>)
      %dma_wait3A_216 = arith.constant 0 : i32
      %dma_wait3A_217 = tpu.memref_slice %arg3[%dma_wait3A_216] : memref<320000xi32, #tpu.memory_space<hbm>> -> memref<80xi32, #tpu.memory_space<hbm>>
      %dma_wait3A_218 = arith.constant 0 : i32
      %dma_wait3A_219 = tpu.memref_slice %arg3[%dma_wait3A_218] : memref<320000xi32, #tpu.memory_space<hbm>> -> memref<80xi32, #tpu.memory_space<hbm>>
      tpu.wait_dma2 semaphore(%arg22 : memref<!tpu.dma_semaphore, #tpu.memory_space<semaphore_mem>>) src(%dma_wait3A_219 : memref<80xi32, #tpu.memory_space<hbm>>) dst(%arg11 : memref<80xi32, #tpu.memory_space<vmem>>)
      %dma_wait3A_220 = arith.constant 0 : i32
      %dma_wait3A_221 = arith.constant 0 : i32
      %dma_wait3A_222 = tpu.memref_slice %arg18[%dma_wait3A_220, %dma_wait3A_221] : memref<10112x128xf32, #tpu.memory_space<vmem_shared>> -> memref<10112x128xf32, #tpu.memory_space<vmem_shared>>
      tpu.wait_indirect_dma semaphore(%arg28 : memref<!tpu.dma_semaphore, #tpu.memory_space<semaphore_mem>>) src(%arg16 : memref<80x128xf32, #tpu.memory_space<vmem>>) dst(%dma_wait3A_222 : memref<10112x128xf32, #tpu.memory_space<vmem_shared>>)
      %dma_start3A_223 = arith.constant 0 : i32
      %dma_start3A_224 = arith.constant 0 : i32
      %dma_start3A_225 = tpu.memref_slice %arg4[%dma_start3A_223, %dma_start3A_224] : memref<10000x128xf32, #tpu.memory_space<hbm>> -> memref<10000x128xf32, #tpu.memory_space<hbm>>
      tpu.enqueue_indirect_dma source(%dma_start3A_225 : memref<10000x128xf32, #tpu.memory_space<hbm>>) target(%arg16 : memref<80x128xf32, #tpu.memory_space<vmem>>) offsets(%arg10 : memref<80xi32, #tpu.memory_space<vmem>>) semaphore(%arg25 : memref<!tpu.dma_semaphore, #tpu.memory_space<semaphore_mem>>)
      %dma_start3A_226 = arith.constant 0 : i32
      %dma_start3A_227 = arith.constant 0 : i32
      %dma_start3A_228 = tpu.memref_slice %arg5[%dma_start3A_226, %dma_start3A_227] : memref<40000x128xf32, #tpu.memory_space<hbm>> -> memref<40000x128xf32, #tpu.memory_space<hbm>>
      tpu.enqueue_indirect_dma source(%dma_start3A_228 : memref<40000x128xf32, #tpu.memory_space<hbm>>) target(%arg17 : memref<80x128xf32, #tpu.memory_space<vmem>>) offsets(%arg11 : memref<80xi32, #tpu.memory_space<vmem>>) semaphore(%arg26 : memref<!tpu.dma_semaphore, #tpu.memory_space<semaphore_mem>>)
      %dma_wait3A_229 = arith.constant 0 : i32
      %dma_wait3A_230 = arith.constant 0 : i32
      %dma_wait3A_231 = tpu.memref_slice %arg4[%dma_wait3A_229, %dma_wait3A_230] : memref<10000x128xf32, #tpu.memory_space<hbm>> -> memref<10000x128xf32, #tpu.memory_space<hbm>>
      tpu.wait_indirect_dma semaphore(%arg23 : memref<!tpu.dma_semaphore, #tpu.memory_space<semaphore_mem>>) src(%dma_wait3A_231 : memref<10000x128xf32, #tpu.memory_space<hbm>>) dst(%arg14 : memref<80x128xf32, #tpu.memory_space<vmem>>)
      %dma_wait3A_232 = arith.constant 0 : i32
      %dma_wait3A_233 = arith.constant 0 : i32
      %dma_wait3A_234 = tpu.memref_slice %arg5[%dma_wait3A_232, %dma_wait3A_233] : memref<40000x128xf32, #tpu.memory_space<hbm>> -> memref<40000x128xf32, #tpu.memory_space<hbm>>
      tpu.wait_indirect_dma semaphore(%arg24 : memref<!tpu.dma_semaphore, #tpu.memory_space<semaphore_mem>>) src(%dma_wait3A_234 : memref<40000x128xf32, #tpu.memory_space<hbm>>) dst(%arg15 : memref<80x128xf32, #tpu.memory_space<vmem>>)
      %scan3A_235 = arith.constant 0 : i32
      %scan3A_236 = arith.constant 0 : i32
      %scan3A_237 = arith.constant 80 : i32
      %scan3A_238 = arith.addi %scan3A_236, %scan3A_237 : i32
      %scan3A_239 = arith.constant 1 : i32
      scf.for %scan3A_290 = %scan3A_236 to %scan3A_238 step %scan3A_239  : i32 {
        %get3A_291 = arith.index_cast %scan3A_290 : i32 to index
        %get3A_292 = arith.constant 0 : index
        %get3A_293 = tpu.vector_load %arg14[%get3A_291, %get3A_292] {strides = array<i32>} : memref<80x128xf32, #tpu.memory_space<vmem>>, vector<1x16xf32>,
        %get3A_294 = vector.shape_cast %get3A_293 : vector<1x16xf32> to vector<16xf32>
        %get3A_295 = arith.index_cast %scan3A_290 : i32 to index
        %get3A_296 = arith.constant 0 : index
        %get3A_297 = tpu.vector_load %arg15[%get3A_295, %get3A_296] {strides = array<i32>} : memref<80x128xf32, #tpu.memory_space<vmem>>, vector<1x16xf32>,
        %get3A_298 = vector.shape_cast %get3A_297 : vector<1x16xf32> to vector<16xf32>
        %add3A_299 = arith.addf %get3A_294, %get3A_298 : vector<16xf32>
        %max3A = arith.constant 0.000000e+00 : f32
        %max3A_300 = vector.broadcast %max3A : f32 to vector<16xf32>
        %max3A_301 = arith.maximumf %add3A_299, %max3A_300 : vector<16xf32>
        %swap3A_302 = arith.index_cast %scan3A_290 : i32 to index
        %swap3A_303 = arith.constant 0 : index
        %swap3A_304 = tpu.vector_load %arg14[%swap3A_302, %swap3A_303] {strides = array<i32>} : memref<80x128xf32, #tpu.memory_space<vmem>>, vector<1x16xf32>,
        %swap3A_305 = vector.shape_cast %swap3A_304 : vector<1x16xf32> to vector<16xf32>
        %swap3A_306 = vector.shape_cast %max3A_301 : vector<16xf32> to vector<1x16xf32>
        tpu.vector_store %arg14[%swap3A_302, %swap3A_303], %swap3A_306 {strides = array<i32>} : memref<80x128xf32, #tpu.memory_space<vmem>>, vector<1x16xf32>,
        %get3A_307 = arith.index_cast %scan3A_290 : i32 to index
        %get3A_308 = arith.constant 16 : index
        %get3A_309 = tpu.vector_load %arg14[%get3A_307, %get3A_308] {strides = array<i32>} : memref<80x128xf32, #tpu.memory_space<vmem>>, vector<1x16xf32>,
        %get3A_310 = vector.shape_cast %get3A_309 : vector<1x16xf32> to vector<16xf32>
        %get3A_311 = arith.index_cast %scan3A_290 : i32 to index
        %get3A_312 = arith.constant 16 : index
        %get3A_313 = tpu.vector_load %arg15[%get3A_311, %get3A_312] {strides = array<i32>} : memref<80x128xf32, #tpu.memory_space<vmem>>, vector<1x16xf32>,
        %get3A_314 = vector.shape_cast %get3A_313 : vector<1x16xf32> to vector<16xf32>
        %add3A_315 = arith.addf %get3A_310, %get3A_314 : vector<16xf32>
        %max3A_316 = arith.constant 0.000000e+00 : f32
        %max3A_317 = vector.broadcast %max3A_316 : f32 to vector<16xf32>
        %max3A_318 = arith.maximumf %add3A_315, %max3A_317 : vector<16xf32>
        %swap3A_319 = arith.index_cast %scan3A_290 : i32 to index
        %swap3A_320 = arith.constant 16 : index
        %swap3A_321 = tpu.vector_load %arg14[%swap3A_319, %swap3A_320] {strides = array<i32>} : memref<80x128xf32, #tpu.memory_space<vmem>>, vector<1x16xf32>,
        %swap3A_322 = vector.shape_cast %swap3A_321 : vector<1x16xf32> to vector<16xf32>
        %swap3A_323 = vector.shape_cast %max3A_318 : vector<16xf32> to vector<1x16xf32>
        tpu.vector_store %arg14[%swap3A_319, %swap3A_320], %swap3A_323 {strides = array<i32>} : memref<80x128xf32, #tpu.memory_space<vmem>>, vector<1x16xf32>,
        %get3A_324 = arith.index_cast %scan3A_290 : i32 to index
        %get3A_325 = arith.constant 32 : index
        %get3A_326 = tpu.vector_load %arg14[%get3A_324, %get3A_325] {strides = array<i32>} : memref<80x128xf32, #tpu.memory_space<vmem>>, vector<1x16xf32>,
        %get3A_327 = vector.shape_cast %get3A_326 : vector<1x16xf32> to vector<16xf32>
        %get3A_328 = arith.index_cast %scan3A_290 : i32 to index
        %get3A_329 = arith.constant 32 : index
        %get3A_330 = tpu.vector_load %arg15[%get3A_328, %get3A_329] {strides = array<i32>} : memref<80x128xf32, #tpu.memory_space<vmem>>, vector<1x16xf32>,
        %get3A_331 = vector.shape_cast %get3A_330 : vector<1x16xf32> to vector<16xf32>
        %add3A_332 = arith.addf %get3A_327, %get3A_331 : vector<16xf32>
        %max3A_333 = arith.constant 0.000000e+00 : f32
        %max3A_334 = vector.broadcast %max3A_333 : f32 to vector<16xf32>
        %max3A_335 = arith.maximumf %add3A_332, %max3A_334 : vector<16xf32>
        %swap3A_336 = arith.index_cast %scan3A_290 : i32 to index
        %swap3A_337 = arith.constant 32 : index
        %swap3A_338 = tpu.vector_load %arg14[%swap3A_336, %swap3A_337] {strides = array<i32>} : memref<80x128xf32, #tpu.memory_space<vmem>>, vector<1x16xf32>,
        %swap3A_339 = vector.shape_cast %swap3A_338 : vector<1x16xf32> to vector<16xf32>
        %swap3A_340 = vector.shape_cast %max3A_335 : vector<16xf32> to vector<1x16xf32>
        tpu.vector_store %arg14[%swap3A_336, %swap3A_337], %swap3A_340 {strides = array<i32>} : memref<80x128xf32, #tpu.memory_space<vmem>>, vector<1x16xf32>,
        %get3A_341 = arith.index_cast %scan3A_290 : i32 to index
        %get3A_342 = arith.constant 48 : index
        %get3A_343 = tpu.vector_load %arg14[%get3A_341, %get3A_342] {strides = array<i32>} : memref<80x128xf32, #tpu.memory_space<vmem>>, vector<1x16xf32>,
        %get3A_344 = vector.shape_cast %get3A_343 : vector<1x16xf32> to vector<16xf32>
        %get3A_345 = arith.index_cast %scan3A_290 : i32 to index
        %get3A_346 = arith.constant 48 : index
        %get3A_347 = tpu.vector_load %arg15[%get3A_345, %get3A_346] {strides = array<i32>} : memref<80x128xf32, #tpu.memory_space<vmem>>, vector<1x16xf32>,
        %get3A_348 = vector.shape_cast %get3A_347 : vector<1x16xf32> to vector<16xf32>
        %add3A_349 = arith.addf %get3A_344, %get3A_348 : vector<16xf32>
        %max3A_350 = arith.constant 0.000000e+00 : f32
        %max3A_351 = vector.broadcast %max3A_350 : f32 to vector<16xf32>
        %max3A_352 = arith.maximumf %add3A_349, %max3A_351 : vector<16xf32>
        %swap3A_353 = arith.index_cast %scan3A_290 : i32 to index
        %swap3A_354 = arith.constant 48 : index
        %swap3A_355 = tpu.vector_load %arg14[%swap3A_353, %swap3A_354] {strides = array<i32>} : memref<80x128xf32, #tpu.memory_space<vmem>>, vector<1x16xf32>,
        %swap3A_356 = vector.shape_cast %swap3A_355 : vector<1x16xf32> to vector<16xf32>
        %swap3A_357 = vector.shape_cast %max3A_352 : vector<16xf32> to vector<1x16xf32>
        tpu.vector_store %arg14[%swap3A_353, %swap3A_354], %swap3A_357 {strides = array<i32>} : memref<80x128xf32, #tpu.memory_space<vmem>>, vector<1x16xf32>,
        %get3A_358 = arith.index_cast %scan3A_290 : i32 to index
        %get3A_359 = arith.constant 64 : index
        %get3A_360 = tpu.vector_load %arg14[%get3A_358, %get3A_359] {strides = array<i32>} : memref<80x128xf32, #tpu.memory_space<vmem>>, vector<1x16xf32>,
        %get3A_361 = vector.shape_cast %get3A_360 : vector<1x16xf32> to vector<16xf32>
        %get3A_362 = arith.index_cast %scan3A_290 : i32 to index
        %get3A_363 = arith.constant 64 : index
        %get3A_364 = tpu.vector_load %arg15[%get3A_362, %get3A_363] {strides = array<i32>} : memref<80x128xf32, #tpu.memory_space<vmem>>, vector<1x16xf32>,
        %get3A_365 = vector.shape_cast %get3A_364 : vector<1x16xf32> to vector<16xf32>
        %add3A_366 = arith.addf %get3A_361, %get3A_365 : vector<16xf32>
        %max3A_367 = arith.constant 0.000000e+00 : f32
        %max3A_368 = vector.broadcast %max3A_367 : f32 to vector<16xf32>
        %max3A_369 = arith.maximumf %add3A_366, %max3A_368 : vector<16xf32>
        %swap3A_370 = arith.index_cast %scan3A_290 : i32 to index
        %swap3A_371 = arith.constant 64 : index
        %swap3A_372 = tpu.vector_load %arg14[%swap3A_370, %swap3A_371] {strides = array<i32>} : memref<80x128xf32, #tpu.memory_space<vmem>>, vector<1x16xf32>,
        %swap3A_373 = vector.shape_cast %swap3A_372 : vector<1x16xf32> to vector<16xf32>
        %swap3A_374 = vector.shape_cast %max3A_369 : vector<16xf32> to vector<1x16xf32>
        tpu.vector_store %arg14[%swap3A_370, %swap3A_371], %swap3A_374 {strides = array<i32>} : memref<80x128xf32, #tpu.memory_space<vmem>>, vector<1x16xf32>,
        %get3A_375 = arith.index_cast %scan3A_290 : i32 to index
        %get3A_376 = arith.constant 80 : index
        %get3A_377 = tpu.vector_load %arg14[%get3A_375, %get3A_376] {strides = array<i32>} : memref<80x128xf32, #tpu.memory_space<vmem>>, vector<1x16xf32>,
        %get3A_378 = vector.shape_cast %get3A_377 : vector<1x16xf32> to vector<16xf32>
        %get3A_379 = arith.index_cast %scan3A_290 : i32 to index
        %get3A_380 = arith.constant 80 : index
        %get3A_381 = tpu.vector_load %arg15[%get3A_379, %get3A_380] {strides = array<i32>} : memref<80x128xf32, #tpu.memory_space<vmem>>, vector<1x16xf32>,
        %get3A_382 = vector.shape_cast %get3A_381 : vector<1x16xf32> to vector<16xf32>
        %add3A_383 = arith.addf %get3A_378, %get3A_382 : vector<16xf32>
        %max3A_384 = arith.constant 0.000000e+00 : f32
        %max3A_385 = vector.broadcast %max3A_384 : f32 to vector<16xf32>
        %max3A_386 = arith.maximumf %add3A_383, %max3A_385 : vector<16xf32>
        %swap3A_387 = arith.index_cast %scan3A_290 : i32 to index
        %swap3A_388 = arith.constant 80 : index
        %swap3A_389 = tpu.vector_load %arg14[%swap3A_387, %swap3A_388] {strides = array<i32>} : memref<80x128xf32, #tpu.memory_space<vmem>>, vector<1x16xf32>,
        %swap3A_390 = vector.shape_cast %swap3A_389 : vector<1x16xf32> to vector<16xf32>
        %swap3A_391 = vector.shape_cast %max3A_386 : vector<16xf32> to vector<1x16xf32>
        tpu.vector_store %arg14[%swap3A_387, %swap3A_388], %swap3A_391 {strides = array<i32>} : memref<80x128xf32, #tpu.memory_space<vmem>>, vector<1x16xf32>,
        %get3A_392 = arith.index_cast %scan3A_290 : i32 to index
        %get3A_393 = arith.constant 96 : index
        %get3A_394 = tpu.vector_load %arg14[%get3A_392, %get3A_393] {strides = array<i32>} : memref<80x128xf32, #tpu.memory_space<vmem>>, vector<1x16xf32>,
        %get3A_395 = vector.shape_cast %get3A_394 : vector<1x16xf32> to vector<16xf32>
        %get3A_396 = arith.index_cast %scan3A_290 : i32 to index
        %get3A_397 = arith.constant 96 : index
        %get3A_398 = tpu.vector_load %arg15[%get3A_396, %get3A_397] {strides = array<i32>} : memref<80x128xf32, #tpu.memory_space<vmem>>, vector<1x16xf32>,
        %get3A_399 = vector.shape_cast %get3A_398 : vector<1x16xf32> to vector<16xf32>
        %add3A_400 = arith.addf %get3A_395, %get3A_399 : vector<16xf32>
        %max3A_401 = arith.constant 0.000000e+00 : f32
        %max3A_402 = vector.broadcast %max3A_401 : f32 to vector<16xf32>
        %max3A_403 = arith.maximumf %add3A_400, %max3A_402 : vector<16xf32>
        %swap3A_404 = arith.index_cast %scan3A_290 : i32 to index
        %swap3A_405 = arith.constant 96 : index
        %swap3A_406 = tpu.vector_load %arg14[%swap3A_404, %swap3A_405] {strides = array<i32>} : memref<80x128xf32, #tpu.memory_space<vmem>>, vector<1x16xf32>,
        %swap3A_407 = vector.shape_cast %swap3A_406 : vector<1x16xf32> to vector<16xf32>
        %swap3A_408 = vector.shape_cast %max3A_403 : vector<16xf32> to vector<1x16xf32>
        tpu.vector_store %arg14[%swap3A_404, %swap3A_405], %swap3A_408 {strides = array<i32>} : memref<80x128xf32, #tpu.memory_space<vmem>>, vector<1x16xf32>,
        %get3A_409 = arith.index_cast %scan3A_290 : i32 to index
        %get3A_410 = arith.constant 112 : index
        %get3A_411 = tpu.vector_load %arg14[%get3A_409, %get3A_410] {strides = array<i32>} : memref<80x128xf32, #tpu.memory_space<vmem>>, vector<1x16xf32>,
        %get3A_412 = vector.shape_cast %get3A_411 : vector<1x16xf32> to vector<16xf32>
        %get3A_413 = arith.index_cast %scan3A_290 : i32 to index
        %get3A_414 = arith.constant 112 : index
        %get3A_415 = tpu.vector_load %arg15[%get3A_413, %get3A_414] {strides = array<i32>} : memref<80x128xf32, #tpu.memory_space<vmem>>, vector<1x16xf32>,
        %get3A_416 = vector.shape_cast %get3A_415 : vector<1x16xf32> to vector<16xf32>
        %add3A_417 = arith.addf %get3A_412, %get3A_416 : vector<16xf32>
        %max3A_418 = arith.constant 0.000000e+00 : f32
        %max3A_419 = vector.broadcast %max3A_418 : f32 to vector<16xf32>
        %max3A_420 = arith.maximumf %add3A_417, %max3A_419 : vector<16xf32>
        %swap3A_421 = arith.index_cast %scan3A_290 : i32 to index
        %swap3A_422 = arith.constant 112 : index
        %swap3A_423 = tpu.vector_load %arg14[%swap3A_421, %swap3A_422] {strides = array<i32>} : memref<80x128xf32, #tpu.memory_space<vmem>>, vector<1x16xf32>,
        %swap3A_424 = vector.shape_cast %swap3A_423 : vector<1x16xf32> to vector<16xf32>
        %swap3A_425 = vector.shape_cast %max3A_420 : vector<16xf32> to vector<1x16xf32>
        tpu.vector_store %arg14[%swap3A_421, %swap3A_422], %swap3A_425 {strides = array<i32>} : memref<80x128xf32, #tpu.memory_space<vmem>>, vector<1x16xf32>,
      }
      %scan3A_240 = arith.constant 80 : i32
      %get3A_241 = arith.constant 0 : index
      %get3A_242 = tpu.vector_load %arg8[%get3A_241] {strides = array<i32>} : memref<80xi32, #tpu.memory_space<vmem>>, vector<16xi32>,
      %get3A_243 = vector.shape_cast %get3A_242 : vector<16xi32> to vector<16xi32>
      %swap3A_244 = arith.constant 0 : index
      %swap3A_245 = tpu.vector_load %arg12[%swap3A_244] {strides = array<i32>} : memref<80xi32, #tpu.memory_space<vmem>>, vector<16xi32>,
      %swap3A_246 = vector.shape_cast %swap3A_245 : vector<16xi32> to vector<16xi32>
      %swap3A_247 = vector.shape_cast %get3A_243 : vector<16xi32> to vector<16xi32>
      tpu.vector_store %arg12[%swap3A_244], %swap3A_247 {strides = array<i32>} : memref<80xi32, #tpu.memory_space<vmem>>, vector<16xi32>,
      %get3A_248 = arith.constant 16 : index
      %get3A_249 = tpu.vector_load %arg8[%get3A_248] {strides = array<i32>} : memref<80xi32, #tpu.memory_space<vmem>>, vector<16xi32>,
      %get3A_250 = vector.shape_cast %get3A_249 : vector<16xi32> to vector<16xi32>
      %swap3A_251 = arith.constant 16 : index
      %swap3A_252 = tpu.vector_load %arg12[%swap3A_251] {strides = array<i32>} : memref<80xi32, #tpu.memory_space<vmem>>, vector<16xi32>,
      %swap3A_253 = vector.shape_cast %swap3A_252 : vector<16xi32> to vector<16xi32>
      %swap3A_254 = vector.shape_cast %get3A_250 : vector<16xi32> to vector<16xi32>
      tpu.vector_store %arg12[%swap3A_251], %swap3A_254 {strides = array<i32>} : memref<80xi32, #tpu.memory_space<vmem>>, vector<16xi32>,
      %get3A_255 = arith.constant 32 : index
      %get3A_256 = tpu.vector_load %arg8[%get3A_255] {strides = array<i32>} : memref<80xi32, #tpu.memory_space<vmem>>, vector<16xi32>,
      %get3A_257 = vector.shape_cast %get3A_256 : vector<16xi32> to vector<16xi32>
      %swap3A_258 = arith.constant 32 : index
      %swap3A_259 = tpu.vector_load %arg12[%swap3A_258] {strides = array<i32>} : memref<80xi32, #tpu.memory_space<vmem>>, vector<16xi32>,
      %swap3A_260 = vector.shape_cast %swap3A_259 : vector<16xi32> to vector<16xi32>
      %swap3A_261 = vector.shape_cast %get3A_257 : vector<16xi32> to vector<16xi32>
      tpu.vector_store %arg12[%swap3A_258], %swap3A_261 {strides = array<i32>} : memref<80xi32, #tpu.memory_space<vmem>>, vector<16xi32>,
      %get3A_262 = arith.constant 48 : index
      %get3A_263 = tpu.vector_load %arg8[%get3A_262] {strides = array<i32>} : memref<80xi32, #tpu.memory_space<vmem>>, vector<16xi32>,
      %get3A_264 = vector.shape_cast %get3A_263 : vector<16xi32> to vector<16xi32>
      %swap3A_265 = arith.constant 48 : index
      %swap3A_266 = tpu.vector_load %arg12[%swap3A_265] {strides = array<i32>} : memref<80xi32, #tpu.memory_space<vmem>>, vector<16xi32>,
      %swap3A_267 = vector.shape_cast %swap3A_266 : vector<16xi32> to vector<16xi32>
      %swap3A_268 = vector.shape_cast %get3A_264 : vector<16xi32> to vector<16xi32>
      tpu.vector_store %arg12[%swap3A_265], %swap3A_268 {strides = array<i32>} : memref<80xi32, #tpu.memory_space<vmem>>, vector<16xi32>,
      %get3A_269 = arith.constant 64 : index
      %get3A_270 = tpu.vector_load %arg8[%get3A_269] {strides = array<i32>} : memref<80xi32, #tpu.memory_space<vmem>>, vector<16xi32>,
      %get3A_271 = vector.shape_cast %get3A_270 : vector<16xi32> to vector<16xi32>
      %swap3A_272 = arith.constant 64 : index
      %swap3A_273 = tpu.vector_load %arg12[%swap3A_272] {strides = array<i32>} : memref<80xi32, #tpu.memory_space<vmem>>, vector<16xi32>,
      %swap3A_274 = vector.shape_cast %swap3A_273 : vector<16xi32> to vector<16xi32>
      %swap3A_275 = vector.shape_cast %get3A_271 : vector<16xi32> to vector<16xi32>
      tpu.vector_store %arg12[%swap3A_272], %swap3A_275 {strides = array<i32>} : memref<80xi32, #tpu.memory_space<vmem>>, vector<16xi32>,
      %dma_start3A_276 = arith.constant 0 : i32
      %dma_start3A_277 = arith.constant 0 : i32
      %dma_start3A_278 = tpu.memref_slice %arg18[%dma_start3A_276, %dma_start3A_277] : memref<10112x128xf32, #tpu.memory_space<vmem_shared>> -> memref<10112x128xf32, #tpu.memory_space<vmem_shared>>
      tpu.enqueue_indirect_dma source(%arg14 : memref<80x128xf32, #tpu.memory_space<vmem>>) target(%dma_start3A_278 : memref<10112x128xf32, #tpu.memory_space<vmem_shared>>) offsets(%arg12 : memref<80xi32, #tpu.memory_space<vmem>>) semaphore(%arg27 : memref<!tpu.dma_semaphore, #tpu.memory_space<semaphore_mem>>) {add = true}
      %add3A_279 = arith.constant 2 : i32
      %add3A_280 = arith.addi %add3A_211, %add3A_279 : i32
      %mul3A_281 = arith.constant 80 : i32
      %mul3A_282 = arith.muli %add3A_280, %mul3A_281 : i32
      %add3A_283 = arith.addi %mul3A_4, %mul3A_282 : i32
      %min3A_284 = arith.constant 319920 : i32
      %min3A_285 = arith.minsi %add3A_283, %min3A_284 : i32
      %dma_start3A_286 = tpu.memref_slice %arg2[%min3A_285] : memref<320000xi32, #tpu.memory_space<hbm>> -> memref<80xi32, #tpu.memory_space<hbm>>
      %dma_start3A_287 = tpu.memref_slice %arg2[%min3A_285] : memref<320000xi32, #tpu.memory_space<hbm>> -> memref<80xi32, #tpu.memory_space<hbm>>
      tpu.enqueue_dma source(%dma_start3A_287 : memref<80xi32, #tpu.memory_space<hbm>>) target(%arg8 : memref<80xi32, #tpu.memory_space<vmem>>) target_semaphore(%arg19 : memref<!tpu.dma_semaphore, #tpu.memory_space<semaphore_mem>>)
      %dma_start3A_288 = tpu.memref_slice %arg3[%min3A_285] : memref<320000xi32, #tpu.memory_space<hbm>> -> memref<80xi32, #tpu.memory_space<hbm>>
      %dma_start3A_289 = tpu.memref_slice %arg3[%min3A_285] : memref<320000xi32, #tpu.memory_space<hbm>> -> memref<80xi32, #tpu.memory_space<hbm>>
      tpu.enqueue_dma source(%dma_start3A_289 : memref<80xi32, #tpu.memory_space<hbm>>) target(%arg9 : memref<80xi32, #tpu.memory_space<vmem>>) target_semaphore(%arg20 : memref<!tpu.dma_semaphore, #tpu.memory_space<semaphore_mem>>)
    }
    %scan3A_106 = arith.constant 62 : i32
    %dma_wait3A_107 = arith.constant 0 : i32
    %dma_wait3A_108 = arith.constant 0 : i32
    %dma_wait3A_109 = tpu.memref_slice %arg18[%dma_wait3A_107, %dma_wait3A_108] : memref<10112x128xf32, #tpu.memory_space<vmem_shared>> -> memref<10112x128xf32, #tpu.memory_space<vmem_shared>>
    tpu.wait_indirect_dma semaphore(%arg27 : memref<!tpu.dma_semaphore, #tpu.memory_space<semaphore_mem>>) src(%arg14 : memref<80x128xf32, #tpu.memory_space<vmem>>) dst(%dma_wait3A_109 : memref<10112x128xf32, #tpu.memory_space<vmem_shared>>)
    %dma_wait3A_110 = arith.constant 0 : i32
    %dma_wait3A_111 = arith.constant 0 : i32
    %dma_wait3A_112 = tpu.memref_slice %arg4[%dma_wait3A_110, %dma_wait3A_111] : memref<10000x128xf32, #tpu.memory_space<hbm>> -> memref<10000x128xf32, #tpu.memory_space<hbm>>
    tpu.wait_indirect_dma semaphore(%arg25 : memref<!tpu.dma_semaphore, #tpu.memory_space<semaphore_mem>>) src(%dma_wait3A_112 : memref<10000x128xf32, #tpu.memory_space<hbm>>) dst(%arg16 : memref<80x128xf32, #tpu.memory_space<vmem>>)
    %dma_wait3A_113 = arith.constant 0 : i32
    %dma_wait3A_114 = arith.constant 0 : i32
    %dma_wait3A_115 = tpu.memref_slice %arg5[%dma_wait3A_113, %dma_wait3A_114] : memref<40000x128xf32, #tpu.memory_space<hbm>> -> memref<40000x128xf32, #tpu.memory_space<hbm>>
    tpu.wait_indirect_dma semaphore(%arg26 : memref<!tpu.dma_semaphore, #tpu.memory_space<semaphore_mem>>) src(%dma_wait3A_115 : memref<40000x128xf32, #tpu.memory_space<hbm>>) dst(%arg17 : memref<80x128xf32, #tpu.memory_space<vmem>>)
    %dma_wait3A_116 = arith.constant 0 : i32
    %dma_wait3A_117 = tpu.memref_slice %arg2[%dma_wait3A_116] : memref<320000xi32, #tpu.memory_space<hbm>> -> memref<80xi32, #tpu.memory_space<hbm>>
    %dma_wait3A_118 = arith.constant 0 : i32
    %dma_wait3A_119 = tpu.memref_slice %arg2[%dma_wait3A_118] : memref<320000xi32, #tpu.memory_space<hbm>> -> memref<80xi32, #tpu.memory_space<hbm>>
    tpu.wait_dma2 semaphore(%arg19 : memref<!tpu.dma_semaphore, #tpu.memory_space<semaphore_mem>>) src(%dma_wait3A_119 : memref<80xi32, #tpu.memory_space<hbm>>) dst(%arg8 : memref<80xi32, #tpu.memory_space<vmem>>)
    %dma_wait3A_120 = arith.constant 0 : i32
    %dma_wait3A_121 = tpu.memref_slice %arg3[%dma_wait3A_120] : memref<320000xi32, #tpu.memory_space<hbm>> -> memref<80xi32, #tpu.memory_space<hbm>>
    %dma_wait3A_122 = arith.constant 0 : i32
    %dma_wait3A_123 = tpu.memref_slice %arg3[%dma_wait3A_122] : memref<320000xi32, #tpu.memory_space<hbm>> -> memref<80xi32, #tpu.memory_space<hbm>>
    tpu.wait_dma2 semaphore(%arg20 : memref<!tpu.dma_semaphore, #tpu.memory_space<semaphore_mem>>) src(%dma_wait3A_123 : memref<80xi32, #tpu.memory_space<hbm>>) dst(%arg9 : memref<80xi32, #tpu.memory_space<vmem>>)
    %barrier3A_124 = arith.constant 0 : index
    tpu.barrier barrier_id(%barrier3A_124)
    "tpu.region"() ({
      %run_scoped3A = tpu.sem_alloc : memref<!tpu.dma_semaphore, #tpu.memory_space<semaphore_mem>>
      %dma_start3A_125 = arith.constant 0 : i32
      %dma_start3A_126 = tpu.memref_slice %arg7[%arg0, %mul3A_2, %dma_start3A_125] : memref<2x10112x128xf32, #tpu.memory_space<hbm>> -> memref<1x632x128xf32, #tpu.memory_space<hbm>>
      %dma_start3A_127 = tpu.memref_squeeze %dma_start3A_126 : memref<1x632x128xf32, #tpu.memory_space<hbm>> -> memref<632x128xf32, #tpu.memory_space<hbm>>
      %dma_start3A_128 = arith.constant 0 : i32
      %dma_start3A_129 = tpu.memref_slice %arg18[%mul3A_2, %dma_start3A_128] : memref<10112x128xf32, #tpu.memory_space<vmem_shared>> -> memref<632x128xf32, #tpu.memory_space<vmem_shared>>
      tpu.enqueue_dma source(%dma_start3A_129 : memref<632x128xf32, #tpu.memory_space<vmem_shared>>) target(%dma_start3A_127 : memref<632x128xf32, #tpu.memory_space<hbm>>) target_semaphore(%run_scoped3A : memref<!tpu.dma_semaphore, #tpu.memory_space<semaphore_mem>>)
      %dma_wait3A_130 = arith.constant 0 : i32
      %dma_wait3A_131 = tpu.memref_slice %arg7[%arg0, %mul3A_2, %dma_wait3A_130] : memref<2x10112x128xf32, #tpu.memory_space<hbm>> -> memref<1x632x128xf32, #tpu.memory_space<hbm>>
      %dma_wait3A_132 = tpu.memref_squeeze %dma_wait3A_131 : memref<1x632x128xf32, #tpu.memory_space<hbm>> -> memref<632x128xf32, #tpu.memory_space<hbm>>
      %dma_wait3A_133 = arith.constant 0 : i32
      %dma_wait3A_134 = tpu.memref_slice %arg18[%mul3A_2, %dma_wait3A_133] : memref<10112x128xf32, #tpu.memory_space<vmem_shared>> -> memref<632x128xf32, #tpu.memory_space<vmem_shared>>
      tpu.wait_dma2 semaphore(%run_scoped3A : memref<!tpu.dma_semaphore, #tpu.memory_space<semaphore_mem>>) src(%dma_wait3A_134 : memref<632x128xf32, #tpu.memory_space<vmem_shared>>) dst(%dma_wait3A_132 : memref<632x128xf32, #tpu.memory_space<hbm>>)
      tpu.yield
    }) : () -> ()
    return
  }
}

module attributes {stable_mosaic.version = 14 : i64} {
  func.func @mlp_body(%arg0: i32, %arg1: memref<1000x128xf32, #tpu.memory_space<vmem>>, %arg2: memref<128x128xf32, #tpu.memory_space<vmem>>, %arg3: memref<1x128xf32, #tpu.memory_space<vmem>>, %arg4: memref<128x128xf32, #tpu.memory_space<vmem>>, %arg5: memref<1x128xf32, #tpu.memory_space<vmem>>, %arg6: memref<128x128xf32, #tpu.memory_space<vmem>>, %arg7: memref<128x128xf32, #tpu.memory_space<vmem>>, %arg8: memref<4x128xf32, #tpu.memory_space<vmem>>, %arg9: memref<1000x128xf32, #tpu.memory_space<vmem>>, %arg10: memref<1000x128xf32, #tpu.memory_space<vmem>>, %arg11: memref<4x1000x128xf32, #tpu.memory_space<vmem>>) attributes {dimension_semantics = [#tpu.dimension_semantics<arbitrary>], iteration_bounds = array<i64: 10>, scalar_prefetch = 0 : i64, scratch_operands = 0 : i64, tpu.core_type = #tpu.core_type<tc>, window_params = [{transform_indices = @transform_0, window_bounds = array<i64: 1000, 128>}, {pipeline_mode = #tpu.pipeline_mode<synchronous>, transform_indices = @transform_1, window_bounds = array<i64: 128, 128>}, {pipeline_mode = #tpu.pipeline_mode<synchronous>, transform_indices = @transform_2, window_bounds = array<i64: 1, 128>}, {pipeline_mode = #tpu.pipeline_mode<synchronous>, transform_indices = @transform_3, window_bounds = array<i64: 128, 128>}, {pipeline_mode = #tpu.pipeline_mode<synchronous>, transform_indices = @transform_4, window_bounds = array<i64: 1, 128>}, {pipeline_mode = #tpu.pipeline_mode<synchronous>, transform_indices = @transform_5, window_bounds = array<i64: 128, 128>}, {pipeline_mode = #tpu.pipeline_mode<synchronous>, transform_indices = @transform_6, window_bounds = array<i64: 128, 128>}, {pipeline_mode = #tpu.pipeline_mode<synchronous>, transform_indices = @transform_7, window_bounds = array<i64: 4, 128>}, {transform_indices = @transform_8, window_bounds = array<i64: 1000, 128>}, {transform_indices = @transform_9, window_bounds = array<i64: 1000, 128>}, {transform_indices = @transform_10, window_bounds = array<i64: 4, 1000, 128>}]} {
    %get3A = arith.constant 0 : index
    %get3A_0 = arith.constant 0 : index
    %get3A_1 = vector.load %arg1[%get3A, %get3A_0] : memref<1000x128xf32, #tpu.memory_space<vmem>>, vector<1000x128xf32>
    %get3A_2 = arith.constant 0 : index
    %get3A_3 = arith.constant 0 : index
    %get3A_4 = vector.load %arg2[%get3A_2, %get3A_3] : memref<128x128xf32, #tpu.memory_space<vmem>>, vector<128x128xf32>
    %dot_general3A = arith.constant dense<0.000000e+00> : vector<1000x128xf32>
    %dot_general3A_5 = tpu.matmul %get3A_1, %get3A_4, %dot_general3A {dimension_numbers = #tpu.dot_dimension_numbers<[1], [0], [0], [1], [0, 0, 1, 1], [], []>, transpose_lhs_hint = false} : vector<1000x128xf32>, vector<128x128xf32>, vector<1000x128xf32> -> vector<1000x128xf32>
    %get3A_6 = arith.constant 0 : index
    %get3A_7 = arith.constant 0 : index
    %get3A_8 = vector.load %arg3[%get3A_6, %get3A_7] : memref<1x128xf32, #tpu.memory_space<vmem>>, vector<1x128xf32>
    %add3A = vector.broadcast %get3A_8 : vector<1x128xf32> to vector<1000x128xf32>
    %add3A_9 = arith.addf %dot_general3A_5, %add3A : vector<1000x128xf32>
    %ge3A = arith.constant 0.000000e+00 : f32
    %ge3A_10 = vector.broadcast %ge3A : f32 to vector<1000x128xf32>
    %ge3A_11 = arith.cmpf oge, %add3A_9, %ge3A_10 : vector<1000x128xf32>
    %mul3A = arith.constant 1.000000e-01 : f32
    %mul3A_12 = vector.broadcast %mul3A : f32 to vector<1000x128xf32>
    %mul3A_13 = arith.mulf %mul3A_12, %add3A_9 : vector<1000x128xf32>
    %select_n3A = arith.select %ge3A_11, %add3A_9, %mul3A_13 : vector<1000x128xi1>, vector<1000x128xf32>
    %ge3A_14 = arith.constant 0.000000e+00 : f32
    %ge3A_15 = vector.broadcast %ge3A_14 : f32 to vector<1000x128xf32>
    %ge3A_16 = arith.cmpf oge, %select_n3A, %ge3A_15 : vector<1000x128xf32>
    %mul3A_17 = arith.constant 1.000000e-01 : f32
    %mul3A_18 = vector.broadcast %mul3A_17 : f32 to vector<1000x128xf32>
    %mul3A_19 = arith.mulf %mul3A_18, %select_n3A : vector<1000x128xf32>
    %select_n3A_20 = arith.select %ge3A_16, %select_n3A, %mul3A_19 : vector<1000x128xi1>, vector<1000x128xf32>
    %get3A_21 = arith.constant 0 : index
    %get3A_22 = arith.constant 0 : index
    %get3A_23 = vector.load %arg4[%get3A_21, %get3A_22] : memref<128x128xf32, #tpu.memory_space<vmem>>, vector<128x128xf32>
    %dot_general3A_24 = arith.constant dense<0.000000e+00> : vector<1000x128xf32>
    %dot_general3A_25 = tpu.matmul %select_n3A_20, %get3A_23, %dot_general3A_24 {dimension_numbers = #tpu.dot_dimension_numbers<[1], [0], [0], [1], [0, 0, 1, 1], [], []>, transpose_lhs_hint = false} : vector<1000x128xf32>, vector<128x128xf32>, vector<1000x128xf32> -> vector<1000x128xf32>
    %get3A_26 = arith.constant 0 : index
    %get3A_27 = arith.constant 0 : index
    %get3A_28 = vector.load %arg5[%get3A_26, %get3A_27] : memref<1x128xf32, #tpu.memory_space<vmem>>, vector<1x128xf32>
    %add3A_29 = vector.broadcast %get3A_28 : vector<1x128xf32> to vector<1000x128xf32>
    %add3A_30 = arith.addf %dot_general3A_25, %add3A_29 : vector<1000x128xf32>
    %ge3A_31 = arith.constant 0.000000e+00 : f32
    %ge3A_32 = vector.broadcast %ge3A_31 : f32 to vector<1000x128xf32>
    %ge3A_33 = arith.cmpf oge, %add3A_30, %ge3A_32 : vector<1000x128xf32>
    %mul3A_34 = arith.constant 1.000000e-01 : f32
    %mul3A_35 = vector.broadcast %mul3A_34 : f32 to vector<1000x128xf32>
    %mul3A_36 = arith.mulf %mul3A_35, %add3A_30 : vector<1000x128xf32>
    %select_n3A_37 = arith.select %ge3A_33, %add3A_30, %mul3A_36 : vector<1000x128xi1>, vector<1000x128xf32>
    %swap3A = arith.constant 0 : index
    %swap3A_38 = arith.constant 0 : index
    %swap3A_39 = vector.load %arg9[%swap3A, %swap3A_38] : memref<1000x128xf32, #tpu.memory_space<vmem>>, vector<1000x128xf32>
    tpu.vector_store %arg9[%swap3A, %swap3A_38], %select_n3A_37 {strides = array<i32>} : memref<1000x128xf32, #tpu.memory_space<vmem>>, vector<1000x128xf32>,
    %get3A_40 = arith.constant 0 : index
    %get3A_41 = arith.constant 0 : index
    %get3A_42 = vector.load %arg6[%get3A_40, %get3A_41] : memref<128x128xf32, #tpu.memory_space<vmem>>, vector<128x128xf32>
    %dot_general3A_43 = arith.constant dense<0.000000e+00> : vector<1000x128xf32>
    %dot_general3A_44 = tpu.matmul %select_n3A_37, %get3A_42, %dot_general3A_43 {dimension_numbers = #tpu.dot_dimension_numbers<[1], [0], [0], [1], [0, 0, 1, 1], [], []>, transpose_lhs_hint = false} : vector<1000x128xf32>, vector<128x128xf32>, vector<1000x128xf32> -> vector<1000x128xf32>
    %swap3A_45 = arith.constant 0 : index
    %swap3A_46 = arith.constant 0 : index
    %swap3A_47 = vector.load %arg10[%swap3A_45, %swap3A_46] : memref<1000x128xf32, #tpu.memory_space<vmem>>, vector<1000x128xf32>
    tpu.vector_store %arg10[%swap3A_45, %swap3A_46], %dot_general3A_44 {strides = array<i32>} : memref<1000x128xf32, #tpu.memory_space<vmem>>, vector<1000x128xf32>,
    %get3A_48 = arith.constant 0 : index
    %get3A_49 = arith.constant 0 : index
    %get3A_50 = vector.load %arg7[%get3A_48, %get3A_49] : memref<128x128xf32, #tpu.memory_space<vmem>>, vector<128x128xf32>
    %dot_general3A_51 = arith.constant dense<0.000000e+00> : vector<1000x128xf32>
    %dot_general3A_52 = tpu.matmul %select_n3A_37, %get3A_50, %dot_general3A_51 {dimension_numbers = #tpu.dot_dimension_numbers<[1], [0], [0], [1], [0, 0, 1, 1], [], []>, transpose_lhs_hint = false} : vector<1000x128xf32>, vector<128x128xf32>, vector<1000x128xf32> -> vector<1000x128xf32>
    %broadcast_in_dim3A = vector.shape_cast %dot_general3A_52 : vector<1000x128xf32> to vector<1x1000x128xf32>
    %get3A_53 = arith.constant 0 : index
    %get3A_54 = arith.constant 0 : index
    %get3A_55 = vector.load %arg8[%get3A_53, %get3A_54] : memref<4x128xf32, #tpu.memory_space<vmem>>, vector<4x128xf32>
    %broadcast_in_dim3A_56 = vector.shape_cast %get3A_55 : vector<4x128xf32> to vector<4x1x128xf32>
    %add3A_57 = vector.broadcast %broadcast_in_dim3A : vector<1x1000x128xf32> to vector<4x1000x128xf32>
    %add3A_58 = vector.broadcast %broadcast_in_dim3A_56 : vector<4x1x128xf32> to vector<4x1000x128xf32>
    %add3A_59 = arith.addf %add3A_57, %add3A_58 : vector<4x1000x128xf32>
    %swap3A_60 = arith.constant 0 : index
    %swap3A_61 = arith.constant 0 : index
    %swap3A_62 = arith.constant 0 : index
    %swap3A_63 = vector.load %arg11[%swap3A_60, %swap3A_61, %swap3A_62] : memref<4x1000x128xf32, #tpu.memory_space<vmem>>, vector<4x1000x128xf32>
    tpu.vector_store %arg11[%swap3A_60, %swap3A_61, %swap3A_62], %add3A_59 {strides = array<i32>} : memref<4x1000x128xf32, #tpu.memory_space<vmem>>, vector<4x1000x128xf32>,
    return
  }
  func.func @transform_0(%arg0: i32) -> (i32, i32) {
    %c0_i32 = arith.constant 0 : i32
    %c0_i32_0 = arith.constant 0 : i32
    return %arg0, %c0_i32 : i32, i32
  }
  func.func @transform_1(%arg0: i32) -> (i32, i32) {
    %c0_i32 = arith.constant 0 : i32
    %c0_i32_0 = arith.constant 0 : i32
    %c0_i32_1 = arith.constant 0 : i32
    return %c0_i32, %c0_i32_0 : i32, i32
  }
  func.func @transform_2(%arg0: i32) -> (i32, i32) {
    %c0_i32 = arith.constant 0 : i32
    %c0_i32_0 = arith.constant 0 : i32
    %c0_i32_1 = arith.constant 0 : i32
    return %c0_i32, %c0_i32_0 : i32, i32
  }
  func.func @transform_3(%arg0: i32) -> (i32, i32) {
    %c0_i32 = arith.constant 0 : i32
    %c0_i32_0 = arith.constant 0 : i32
    %c0_i32_1 = arith.constant 0 : i32
    return %c0_i32, %c0_i32_0 : i32, i32
  }
  func.func @transform_4(%arg0: i32) -> (i32, i32) {
    %c0_i32 = arith.constant 0 : i32
    %c0_i32_0 = arith.constant 0 : i32
    %c0_i32_1 = arith.constant 0 : i32
    return %c0_i32, %c0_i32_0 : i32, i32
  }
  func.func @transform_5(%arg0: i32) -> (i32, i32) {
    %c0_i32 = arith.constant 0 : i32
    %c0_i32_0 = arith.constant 0 : i32
    %c0_i32_1 = arith.constant 0 : i32
    return %c0_i32, %c0_i32_0 : i32, i32
  }
  func.func @transform_6(%arg0: i32) -> (i32, i32) {
    %c0_i32 = arith.constant 0 : i32
    %c0_i32_0 = arith.constant 0 : i32
    %c0_i32_1 = arith.constant 0 : i32
    return %c0_i32, %c0_i32_0 : i32, i32
  }
  func.func @transform_7(%arg0: i32) -> (i32, i32) {
    %c0_i32 = arith.constant 0 : i32
    %c0_i32_0 = arith.constant 0 : i32
    %c0_i32_1 = arith.constant 0 : i32
    return %c0_i32, %c0_i32_0 : i32, i32
  }
  func.func @transform_8(%arg0: i32) -> (i32, i32) {
    %c0_i32 = arith.constant 0 : i32
    %c0_i32_0 = arith.constant 0 : i32
    return %arg0, %c0_i32 : i32, i32
  }
  func.func @transform_9(%arg0: i32) -> (i32, i32) {
    %c0_i32 = arith.constant 0 : i32
    %c0_i32_0 = arith.constant 0 : i32
    return %arg0, %c0_i32 : i32, i32
  }
  func.func @transform_10(%arg0: i32) -> (i32, i32, i32) {
    %c0_i32 = arith.constant 0 : i32
    %c0_i32_0 = arith.constant 0 : i32
    %c0_i32_1 = arith.constant 0 : i32
    return %c0_i32, %arg0, %c0_i32_0 : i32, i32, i32
  }
}

module attributes {stable_mosaic.version = 14 : i64} {
  func.func @mid_body(%arg0: i32, %arg1: memref<2x1000x128xf32, #tpu.memory_space<vmem>>, %arg2: memref<128x128xf32, #tpu.memory_space<vmem>>, %arg3: memref<128x128xf32, #tpu.memory_space<vmem>>, %arg4: memref<4x128xf32, #tpu.memory_space<vmem>>, %arg5: memref<1000x128xf32, #tpu.memory_space<vmem>>, %arg6: memref<1000x128xf32, #tpu.memory_space<vmem>>, %arg7: memref<4x1000x128xf32, #tpu.memory_space<vmem>>) attributes {dimension_semantics = [#tpu.dimension_semantics<arbitrary>], iteration_bounds = array<i64: 10>, scalar_prefetch = 0 : i64, scratch_operands = 0 : i64, tpu.core_type = #tpu.core_type<tc>, window_params = [{transform_indices = @transform_0, window_bounds = array<i64: 2, 1000, 128>}, {pipeline_mode = #tpu.pipeline_mode<synchronous>, transform_indices = @transform_1, window_bounds = array<i64: 128, 128>}, {pipeline_mode = #tpu.pipeline_mode<synchronous>, transform_indices = @transform_2, window_bounds = array<i64: 128, 128>}, {pipeline_mode = #tpu.pipeline_mode<synchronous>, transform_indices = @transform_3, window_bounds = array<i64: 4, 128>}, {transform_indices = @transform_4, window_bounds = array<i64: 1000, 128>}, {transform_indices = @transform_5, window_bounds = array<i64: 1000, 128>}, {transform_indices = @transform_6, window_bounds = array<i64: 4, 1000, 128>}]} {
    %get3A = arith.constant 0 : index
    %get3A_0 = arith.constant 0 : index
    %get3A_1 = arith.constant 0 : index
    %get3A_2 = vector.load %arg1[%get3A, %get3A_0, %get3A_1] : memref<2x1000x128xf32, #tpu.memory_space<vmem>>, vector<1x1000x128xf32>
    %get3A_3 = vector.shape_cast %get3A_2 : vector<1x1000x128xf32> to vector<1000x128xf32>
    %get3A_4 = arith.constant 1 : index
    %get3A_5 = arith.constant 0 : index
    %get3A_6 = arith.constant 0 : index
    %get3A_7 = vector.load %arg1[%get3A_4, %get3A_5, %get3A_6] : memref<2x1000x128xf32, #tpu.memory_space<vmem>>, vector<1x1000x128xf32>
    %get3A_8 = vector.shape_cast %get3A_7 : vector<1x1000x128xf32> to vector<1000x128xf32>
    %add3A = arith.addf %get3A_3, %get3A_8 : vector<1000x128xf32>
    %swap3A = arith.constant 0 : index
    %swap3A_9 = arith.constant 0 : index
    %swap3A_10 = vector.load %arg5[%swap3A, %swap3A_9] : memref<1000x128xf32, #tpu.memory_space<vmem>>, vector<1000x128xf32>
    tpu.vector_store %arg5[%swap3A, %swap3A_9], %add3A {strides = array<i32>} : memref<1000x128xf32, #tpu.memory_space<vmem>>, vector<1000x128xf32>,
    %get3A_11 = arith.constant 0 : index
    %get3A_12 = arith.constant 0 : index
    %get3A_13 = vector.load %arg2[%get3A_11, %get3A_12] : memref<128x128xf32, #tpu.memory_space<vmem>>, vector<128x128xf32>
    %dot_general3A = arith.constant dense<0.000000e+00> : vector<1000x128xf32>
    %dot_general3A_14 = tpu.matmul %add3A, %get3A_13, %dot_general3A {dimension_numbers = #tpu.dot_dimension_numbers<[1], [0], [0], [1], [0, 0, 1, 1], [], []>, transpose_lhs_hint = false} : vector<1000x128xf32>, vector<128x128xf32>, vector<1000x128xf32> -> vector<1000x128xf32>
    %swap3A_15 = arith.constant 0 : index
    %swap3A_16 = arith.constant 0 : index
    %swap3A_17 = vector.load %arg6[%swap3A_15, %swap3A_16] : memref<1000x128xf32, #tpu.memory_space<vmem>>, vector<1000x128xf32>
    tpu.vector_store %arg6[%swap3A_15, %swap3A_16], %dot_general3A_14 {strides = array<i32>} : memref<1000x128xf32, #tpu.memory_space<vmem>>, vector<1000x128xf32>,
    %get3A_18 = arith.constant 0 : index
    %get3A_19 = arith.constant 0 : index
    %get3A_20 = vector.load %arg3[%get3A_18, %get3A_19] : memref<128x128xf32, #tpu.memory_space<vmem>>, vector<128x128xf32>
    %dot_general3A_21 = arith.constant dense<0.000000e+00> : vector<1000x128xf32>
    %dot_general3A_22 = tpu.matmul %add3A, %get3A_20, %dot_general3A_21 {dimension_numbers = #tpu.dot_dimension_numbers<[1], [0], [0], [1], [0, 0, 1, 1], [], []>, transpose_lhs_hint = false} : vector<1000x128xf32>, vector<128x128xf32>, vector<1000x128xf32> -> vector<1000x128xf32>
    %broadcast_in_dim3A = vector.shape_cast %dot_general3A_22 : vector<1000x128xf32> to vector<1x1000x128xf32>
    %get3A_23 = arith.constant 0 : index
    %get3A_24 = arith.constant 0 : index
    %get3A_25 = vector.load %arg4[%get3A_23, %get3A_24] : memref<4x128xf32, #tpu.memory_space<vmem>>, vector<4x128xf32>
    %broadcast_in_dim3A_26 = vector.shape_cast %get3A_25 : vector<4x128xf32> to vector<4x1x128xf32>
    %add3A_27 = vector.broadcast %broadcast_in_dim3A : vector<1x1000x128xf32> to vector<4x1000x128xf32>
    %add3A_28 = vector.broadcast %broadcast_in_dim3A_26 : vector<4x1x128xf32> to vector<4x1000x128xf32>
    %add3A_29 = arith.addf %add3A_27, %add3A_28 : vector<4x1000x128xf32>
    %swap3A_30 = arith.constant 0 : index
    %swap3A_31 = arith.constant 0 : index
    %swap3A_32 = arith.constant 0 : index
    %swap3A_33 = vector.load %arg7[%swap3A_30, %swap3A_31, %swap3A_32] : memref<4x1000x128xf32, #tpu.memory_space<vmem>>, vector<4x1000x128xf32>
    tpu.vector_store %arg7[%swap3A_30, %swap3A_31, %swap3A_32], %add3A_29 {strides = array<i32>} : memref<4x1000x128xf32, #tpu.memory_space<vmem>>, vector<4x1000x128xf32>,
    return
  }
  func.func @transform_0(%arg0: i32) -> (i32, i32, i32) {
    %c0_i32 = arith.constant 0 : i32
    %c0_i32_0 = arith.constant 0 : i32
    %c0_i32_1 = arith.constant 0 : i32
    return %c0_i32, %arg0, %c0_i32_0 : i32, i32, i32
  }
  func.func @transform_1(%arg0: i32) -> (i32, i32) {
    %c0_i32 = arith.constant 0 : i32
    %c0_i32_0 = arith.constant 0 : i32
    %c0_i32_1 = arith.constant 0 : i32
    return %c0_i32, %c0_i32_0 : i32, i32
  }
  func.func @transform_2(%arg0: i32) -> (i32, i32) {
    %c0_i32 = arith.constant 0 : i32
    %c0_i32_0 = arith.constant 0 : i32
    %c0_i32_1 = arith.constant 0 : i32
    return %c0_i32, %c0_i32_0 : i32, i32
  }
  func.func @transform_3(%arg0: i32) -> (i32, i32) {
    %c0_i32 = arith.constant 0 : i32
    %c0_i32_0 = arith.constant 0 : i32
    %c0_i32_1 = arith.constant 0 : i32
    return %c0_i32, %c0_i32_0 : i32, i32
  }
  func.func @transform_4(%arg0: i32) -> (i32, i32) {
    %c0_i32 = arith.constant 0 : i32
    %c0_i32_0 = arith.constant 0 : i32
    return %arg0, %c0_i32 : i32, i32
  }
  func.func @transform_5(%arg0: i32) -> (i32, i32) {
    %c0_i32 = arith.constant 0 : i32
    %c0_i32_0 = arith.constant 0 : i32
    return %arg0, %c0_i32 : i32, i32
  }
  func.func @transform_6(%arg0: i32) -> (i32, i32, i32) {
    %c0_i32 = arith.constant 0 : i32
    %c0_i32_0 = arith.constant 0 : i32
    %c0_i32_1 = arith.constant 0 : i32
    return %c0_i32, %arg0, %c0_i32_0 : i32, i32, i32
  }
}

module attributes {stable_mosaic.version = 14 : i64} {
  func.func @out_body(%arg0: i32, %arg1: memref<2x1000x128xf32, #tpu.memory_space<vmem>>, %arg2: memref<1000x128xf32, #tpu.memory_space<vmem>>, %arg3: memref<1000x128xf32, #tpu.memory_space<vmem>>, %arg4: memref<128x128xf32, #tpu.memory_space<vmem>>, %arg5: memref<128x128xf32, #tpu.memory_space<vmem>>, %arg6: memref<128x128xf32, #tpu.memory_space<vmem>>, %arg7: memref<1x128xf32, #tpu.memory_space<vmem>>, %arg8: memref<1000x128xf32, #tpu.memory_space<vmem>>) attributes {dimension_semantics = [#tpu.dimension_semantics<arbitrary>], iteration_bounds = array<i64: 10>, scalar_prefetch = 0 : i64, scratch_operands = 0 : i64, tpu.core_type = #tpu.core_type<tc>, window_params = [{transform_indices = @transform_0, window_bounds = array<i64: 2, 1000, 128>}, {transform_indices = @transform_1, window_bounds = array<i64: 1000, 128>}, {transform_indices = @transform_2, window_bounds = array<i64: 1000, 128>}, {pipeline_mode = #tpu.pipeline_mode<synchronous>, transform_indices = @transform_3, window_bounds = array<i64: 128, 128>}, {pipeline_mode = #tpu.pipeline_mode<synchronous>, transform_indices = @transform_4, window_bounds = array<i64: 128, 128>}, {pipeline_mode = #tpu.pipeline_mode<synchronous>, transform_indices = @transform_5, window_bounds = array<i64: 128, 128>}, {pipeline_mode = #tpu.pipeline_mode<synchronous>, transform_indices = @transform_6, window_bounds = array<i64: 1, 128>}, {transform_indices = @transform_7, window_bounds = array<i64: 1000, 128>}]} {
    %get3A = arith.constant 0 : index
    %get3A_0 = arith.constant 0 : index
    %get3A_1 = arith.constant 0 : index
    %get3A_2 = vector.load %arg1[%get3A, %get3A_0, %get3A_1] : memref<2x1000x128xf32, #tpu.memory_space<vmem>>, vector<1x1000x128xf32>
    %get3A_3 = vector.shape_cast %get3A_2 : vector<1x1000x128xf32> to vector<1000x128xf32>
    %get3A_4 = arith.constant 1 : index
    %get3A_5 = arith.constant 0 : index
    %get3A_6 = arith.constant 0 : index
    %get3A_7 = vector.load %arg1[%get3A_4, %get3A_5, %get3A_6] : memref<2x1000x128xf32, #tpu.memory_space<vmem>>, vector<1x1000x128xf32>
    %get3A_8 = vector.shape_cast %get3A_7 : vector<1x1000x128xf32> to vector<1000x128xf32>
    %add3A = arith.addf %get3A_3, %get3A_8 : vector<1000x128xf32>
    %get3A_9 = arith.constant 0 : index
    %get3A_10 = arith.constant 0 : index
    %get3A_11 = vector.load %arg2[%get3A_9, %get3A_10] : memref<1000x128xf32, #tpu.memory_space<vmem>>, vector<1000x128xf32>
    %get3A_12 = arith.constant 0 : index
    %get3A_13 = arith.constant 0 : index
    %get3A_14 = vector.load %arg4[%get3A_12, %get3A_13] : memref<128x128xf32, #tpu.memory_space<vmem>>, vector<128x128xf32>
    %dot_general3A = arith.constant dense<0.000000e+00> : vector<1000x128xf32>
    %dot_general3A_15 = tpu.matmul %get3A_11, %get3A_14, %dot_general3A {dimension_numbers = #tpu.dot_dimension_numbers<[1], [0], [0], [1], [0, 0, 1, 1], [], []>, transpose_lhs_hint = false} : vector<1000x128xf32>, vector<128x128xf32>, vector<1000x128xf32> -> vector<1000x128xf32>
    %get3A_16 = arith.constant 0 : index
    %get3A_17 = arith.constant 0 : index
    %get3A_18 = vector.load %arg3[%get3A_16, %get3A_17] : memref<1000x128xf32, #tpu.memory_space<vmem>>, vector<1000x128xf32>
    %get3A_19 = arith.constant 0 : index
    %get3A_20 = arith.constant 0 : index
    %get3A_21 = vector.load %arg5[%get3A_19, %get3A_20] : memref<128x128xf32, #tpu.memory_space<vmem>>, vector<128x128xf32>
    %dot_general3A_22 = arith.constant dense<0.000000e+00> : vector<1000x128xf32>
    %dot_general3A_23 = tpu.matmul %get3A_18, %get3A_21, %dot_general3A_22 {dimension_numbers = #tpu.dot_dimension_numbers<[1], [0], [0], [1], [0, 0, 1, 1], [], []>, transpose_lhs_hint = false} : vector<1000x128xf32>, vector<128x128xf32>, vector<1000x128xf32> -> vector<1000x128xf32>
    %add3A_24 = arith.addf %dot_general3A_15, %dot_general3A_23 : vector<1000x128xf32>
    %get3A_25 = arith.constant 0 : index
    %get3A_26 = arith.constant 0 : index
    %get3A_27 = vector.load %arg6[%get3A_25, %get3A_26] : memref<128x128xf32, #tpu.memory_space<vmem>>, vector<128x128xf32>
    %dot_general3A_28 = arith.constant dense<0.000000e+00> : vector<1000x128xf32>
    %dot_general3A_29 = tpu.matmul %add3A, %get3A_27, %dot_general3A_28 {dimension_numbers = #tpu.dot_dimension_numbers<[1], [0], [0], [1], [0, 0, 1, 1], [], []>, transpose_lhs_hint = false} : vector<1000x128xf32>, vector<128x128xf32>, vector<1000x128xf32> -> vector<1000x128xf32>
    %add3A_30 = arith.addf %add3A_24, %dot_general3A_29 : vector<1000x128xf32>
    %get3A_31 = arith.constant 0 : index
    %get3A_32 = arith.constant 0 : index
    %get3A_33 = vector.load %arg7[%get3A_31, %get3A_32] : memref<1x128xf32, #tpu.memory_space<vmem>>, vector<1x128xf32>
    %add3A_34 = vector.broadcast %get3A_33 : vector<1x128xf32> to vector<1000x128xf32>
    %add3A_35 = arith.addf %add3A_30, %add3A_34 : vector<1000x128xf32>
    %ge3A = arith.constant 0.000000e+00 : f32
    %ge3A_36 = vector.broadcast %ge3A : f32 to vector<1000x128xf32>
    %ge3A_37 = arith.cmpf oge, %add3A_35, %ge3A_36 : vector<1000x128xf32>
    %mul3A = arith.constant 1.000000e-01 : f32
    %mul3A_38 = vector.broadcast %mul3A : f32 to vector<1000x128xf32>
    %mul3A_39 = arith.mulf %mul3A_38, %add3A_35 : vector<1000x128xf32>
    %select_n3A = arith.select %ge3A_37, %add3A_35, %mul3A_39 : vector<1000x128xi1>, vector<1000x128xf32>
    %swap3A = arith.constant 0 : index
    %swap3A_40 = arith.constant 0 : index
    %swap3A_41 = vector.load %arg8[%swap3A, %swap3A_40] : memref<1000x128xf32, #tpu.memory_space<vmem>>, vector<1000x128xf32>
    tpu.vector_store %arg8[%swap3A, %swap3A_40], %select_n3A {strides = array<i32>} : memref<1000x128xf32, #tpu.memory_space<vmem>>, vector<1000x128xf32>,
    return
  }
  func.func @transform_0(%arg0: i32) -> (i32, i32, i32) {
    %c0_i32 = arith.constant 0 : i32
    %c0_i32_0 = arith.constant 0 : i32
    %c0_i32_1 = arith.constant 0 : i32
    return %c0_i32, %arg0, %c0_i32_0 : i32, i32, i32
  }
  func.func @transform_1(%arg0: i32) -> (i32, i32) {
    %c0_i32 = arith.constant 0 : i32
    %c0_i32_0 = arith.constant 0 : i32
    return %arg0, %c0_i32 : i32, i32
  }
  func.func @transform_2(%arg0: i32) -> (i32, i32) {
    %c0_i32 = arith.constant 0 : i32
    %c0_i32_0 = arith.constant 0 : i32
    return %arg0, %c0_i32 : i32, i32
  }
  func.func @transform_3(%arg0: i32) -> (i32, i32) {
    %c0_i32 = arith.constant 0 : i32
    %c0_i32_0 = arith.constant 0 : i32
    %c0_i32_1 = arith.constant 0 : i32
    return %c0_i32, %c0_i32_0 : i32, i32
  }
  func.func @transform_4(%arg0: i32) -> (i32, i32) {
    %c0_i32 = arith.constant 0 : i32
    %c0_i32_0 = arith.constant 0 : i32
    %c0_i32_1 = arith.constant 0 : i32
    return %c0_i32, %c0_i32_0 : i32, i32
  }
  func.func @transform_5(%arg0: i32) -> (i32, i32) {
    %c0_i32 = arith.constant 0 : i32
    %c0_i32_0 = arith.constant 0 : i32
    %c0_i32_1 = arith.constant 0 : i32
    return %c0_i32, %c0_i32_0 : i32, i32
  }
  func.func @transform_6(%arg0: i32) -> (i32, i32) {
    %c0_i32 = arith.constant 0 : i32
    %c0_i32_0 = arith.constant 0 : i32
    %c0_i32_1 = arith.constant 0 : i32
    return %c0_i32, %c0_i32_0 : i32, i32
  }
  func.func @transform_7(%arg0: i32) -> (i32, i32) {
    %c0_i32 = arith.constant 0 : i32
    %c0_i32_0 = arith.constant 0 : i32
    return %arg0, %c0_i32 : i32, i32
  }
}

</mosaic_0001>

<sc_bundles>
// kernel: kernel.10.cloned.1.call-start
scs
__scs_entry_jumppad:
0x0: {  	(pc) =	sbr.rel $0x88, $3  }
0x1: {  	(tag) =	ssettag $0x0;
	lr =	simm.s32 $0x1  }
0x2: {  	[smem:$0x3F94] =	sst lr;
	_ =	strace $0xD0000000  }
0x3: {  	_ = 	snop  }
0x4: {  	_ = 	snop  }
0x5: {  	_ = 	snop  }
0x6: {  	_ = 	snop  }
0x7: {  	_ = 	snop  }
__scs_overlays_trampoline_lowered:
0x8: {  	[smem:$0x3FA3] =	sst s0  }
0x9: {  	[smem:$0x3FA4] =	sst s1  }
0xa: {  	[smem:$0x3FA5] =	sst s2  }
0xb: {  	[smem:$0x3FA6] =	sst s3  }
0xc: {  	[smem:$0x3FA7] =	sst s4  }
0xd: {  	[smem:$0x3FA8] =	sst s5  }
0xe: {  	[smem:$0x3FA9] =	sst s6  }
0xf: {  	[smem:$0x3FAA] =	sst s7  }
0x10: {  	[smem:$0x3FAB] =	sst s8  }
0x11: {  	[smem:$0x3FAC] =	sst s9;
	s0 =	simm.s32 @!p0 $0x0  }
0x12: {  	s1 =	sld [smem:$0x3F92];
	s0 =	simm.s32 @p0 $0x1  }
0x13: {  	[smem:$0x3FAD] =	sst s0;
	s0 =	simm.s32 @!p1 $0x0  }
0x14: {  	s2 =	sld [smem:$0x3F91];
	s0 =	simm.s32 @p1 $0x1  }
0x15: {  	[smem:$0x3FAE] =	sst s0;
	s0 =	simm.s32 @!p2 $0x0  }
0x16: {  	s3 =	sld [smem:$0x3FDB];
	s0 =	simm.s32 @p2 $0x1  }
0x17: {  	s4 =	simm.s32 $0x1BF5;
	[smem:$0x3FB0] =	sst s0  }
0x18: {  	s0 =	sld [smem:$0x3F93];
	_ =	swait.ge [sflag:s4], $0x0  }
0x19: {  	s7 =	sld [smem:$0x3F94]  }
0x1a: {  	s8 =	sadd.s32 $0xFFFFE003, lr  }
0x1b: {  	s9 =	sadd.s32 $0xFFFFFEF7, lr;
	s5 =	simm.s32 $0xFFFFFFFF;
	p2 =	slt.u32 s8, $0xFFFFF086  }
0x1c: {  	p1 =	slt.u32 s9, $0xF7A;
	s5 =	simm.s32 @!p2 $0x0  }
0x1d: {  	s5 =	simm.s32 @p1 $0x1;
	p0 =	seq.s32 s7, s2  }
0x1e: {  	s7 =	smul.u32 @!p0 $0xF7A, s2;
	p2 =	seq.s32 @!p0 s5, $0x0  }
0x1f: {  	s9 =	smul.u32 $0xF7A, s1;
	s8 =	simm.s32 @!p0 $0x1BF5;
	p2 =	por !p2, p0  }
0x20: {  	[sflag:s8] =	ssyncset.s32 @!p0 $0xFFFFF086;
	s6 =	sadd.s32 @!p0 s3, s7;
	s7 =	simm.s32 @!p0 $0x108  }
0x21: {  	s3 =	sadd.s32 s3, s9;
	s6 =	sadd.s32 @!p0 $0x88, s6;
	s7 =	simm.s32 @p2 $0x1082  }
0x22: {  	[simem:s7], [sflag:s8] =	dma.local @!p0 [hbm:s6], $0xF7A  }
0x23: {  	s9 =	sor.u32 $0xD0000000, s2;
	s6 =	simm.s32 $0x108;
	_ =	swait.ge @!p0 [sflag:s8], $0x0  }
0x24: {  	s3 =	sadd.s32 $0x88, s3;
	s6 =	simm.s32 @!p1 $0x1082;
	[sflag:s4] =	ssyncset.s32 $0xFFFFF086  }
0x25: {  	[simem:s6], [sflag:s4] =	dma.local [hbm:s3], $0xF7A  }
0x26: {  	[smem:$0x3F94] =	sst s1;
	(tag) =	ssettag s2;
	_ =	strace s9  }
0x27: {  	s1 =	sld [smem:$0x3FA4]  }
0x28: {  	s2 =	sld [smem:$0x3FA5]  }
0x29: {  	s4 =	sld [smem:$0x3FA7]  }
0x2a: {  	p0 =	seq.s32 s5, $0x0;
	s5 =	sld [smem:$0x3FA8]  }
0x2b: {  	s6 =	sld [smem:$0x3FA9]  }
0x2c: {  	s7 =	sld [smem:$0x3FAA]  }
0x2d: {  	s3 =	simm.s32 $0x108;
	s8 =	sld [smem:$0x3FAB]  }
0x2e: {  	s3 =	simm.s32 @!p0 $0x1082;
	s9 =	sld [smem:$0x3FAC]  }
0x2f: {  	lr =	sadd.s32 s0, s3;
	s0 =	sld [smem:$0x3FA3]  }
0x30: {  	s3 =	sld [smem:$0x3FA6]  }
0x31: {  	[smem:$0x3FAF] =	sst s10  }
0x32: {  	s10 =	sld [smem:$0x3FAD];
	_ =	sdelay $0x3  }
0x33: {  	p0 =	seq.s32 s10, $0x1;
	s10 =	sld [smem:$0x3FAF];
	_ =	sdelay $0x3  }
0x34: {  	[smem:$0x3FAF] =	sst s10  }
0x35: {  	s10 =	sld [smem:$0x3FAE];
	_ =	sdelay $0x3  }
0x36: {  	p1 =	seq.s32 s10, $0x1;
	s10 =	sld [smem:$0x3FAF];
	_ =	sdelay $0x3  }
0x37: {  	[smem:$0x3FAF] =	sst s10  }
0x38: {  	s10 =	sld [smem:$0x3FB0]  }
0x39: {  	_ = 	snop;
	(pc) =	sbr.ind lr, $3  }
0x3a: {  	_ = 	snop  }
0x3b: {  	_ = 	snop  }
0x3c: {  	p2 =	seq.s32 s10, $0x1;
	s10 =	sld [smem:$0x3FAF]  }
0x3d: {  	_ =	shalt  }
0x3e: {  	_ =	shalt  }
0x3f: {  	_ =	shalt  }
0x40: {  	_ =	shalt  }
0x41: {  	_ =	shalt  }
0x42: {  	_ =	shalt  }
0x43: {  	_ =	shalt  }
0x44: {  	_ =	shalt  }
0x45: {  	_ =	shalt  }
0x46: {  	_ =	shalt  }
0x47: {  	_ =	shalt  }
0x48: {  	_ =	shalt  }
0x49: {  	_ =	shalt  }
0x4a: {  	_ =	shalt  }
0x4b: {  	_ =	shalt  }
0x4c: {  	_ =	shalt  }
0x4d: {  	_ =	shalt  }
0x4e: {  	_ =	shalt  }
0x4f: {  	_ =	shalt  }
0x50: {  	_ =	shalt  }
0x51: {  	_ =	shalt  }
0x52: {  	_ =	shalt  }
0x53: {  	_ =	shalt  }
0x54: {  	_ =	shalt  }
0x55: {  	_ =	shalt  }
0x56: {  	_ =	shalt  }
0x57: {  	_ =	shalt  }
0x58: {  	_ =	shalt  }
0x59: {  	_ =	shalt  }
0x5a: {  	_ =	shalt  }
0x5b: {  	_ =	shalt  }
0x5c: {  	_ =	shalt  }
0x5d: {  	_ =	shalt  }
0x5e: {  	_ =	shalt  }
0x5f: {  	_ =	shalt  }
0x60: {  	_ =	shalt  }
0x61: {  	_ =	shalt  }
0x62: {  	_ =	shalt  }
0x63: {  	_ =	shalt  }
0x64: {  	_ =	shalt  }
0x65: {  	_ =	shalt  }
0x66: {  	_ =	shalt  }
0x67: {  	_ =	shalt  }
0x68: {  	_ =	shalt  }
0x69: {  	_ =	shalt  }
0x6a: {  	_ =	shalt  }
0x6b: {  	_ =	shalt  }
0x6c: {  	_ =	shalt  }
0x6d: {  	_ =	shalt  }
0x6e: {  	_ =	shalt  }
0x6f: {  	_ =	shalt  }
0x70: {  	_ =	shalt  }
0x71: {  	_ =	shalt  }
0x72: {  	_ =	shalt  }
0x73: {  	_ =	shalt  }
0x74: {  	_ =	shalt  }
0x75: {  	_ =	shalt  }
0x76: {  	_ =	shalt  }
0x77: {  	_ =	shalt  }
0x78: {  	_ =	shalt  }
0x79: {  	_ =	shalt  }
0x7a: {  	_ =	shalt  }
0x7b: {  	_ =	shalt  }
0x7c: {  	_ =	shalt  }
0x7d: {  	_ =	shalt  }
0x7e: {  	_ =	shalt  }
0x7f: {  	_ =	shalt  }
0x80: {  	_ =	shalt  }
0x81: {  	_ =	shalt  }
0x82: {  	_ =	shalt  }
0x83: {  	_ =	shalt  }
0x84: {  	_ =	shalt  }
0x85: {  	_ =	shalt  }
0x86: {  	_ =	shalt  }
0x87: {  	_ =	shalt  }
.Lfunc_end0:
.L_simem_size_0:
called_computation.1_lowered:
.L_overlay_start_0:
0x88: {  	s2 =	sld [smem:$0x3FD9]  }
0x89: {  	s3 =	sld [smem:$0x3FFE];
	_ =	sdelay $0x1  }
0x8a: {  	s1 =	srdreg.scid  }
0x8b: {  	s0 =	sand.u32 $0x1, s1  }
0x8c: {  	s17 =	sshll.u32 s0, $0xA;
	s2 =	sadd.s32 s3, s2  }
0x8d: {  	s2 =	sadd.s32 s2, s17  }
0x8e: {  	[smem:$0x3FBB] =	sst s2  }
0x8f: {  	_ = 	snop  }
0x90: {  	s2 =	sld [smem:$0x3FD0];
	(tm) =	ssettm $0x1  }
0x91: {  	s18 =	sld [smem:$0x3FFB];
	_ =	sdelay $0x3  }
0x92: {  	_ =	strace s18  }
0x93: {  	s3 =	sld [smem:$0x3FFC];
	_ =	sdelay $0x3  }
0x94: {  	_ =	strace s3  }
0x95: {  	s3 =	sld [smem:$0x3FFD];
	_ =	sdelay $0x3  }
0x96: {  	_ =	strace s3  }
0x97: {  	_ =	strace $0x8FFFFFFF  }
0x98: {  	s19 =	sld [smem:$0x3FDB];
	_ =	sdelay $0x1  }
0x99: {  	s4 =	simm.s32 $_scs_section_size  }
0x9a: {  	s5 =	simm.s32 $_size__tile_overlayer_lowered;
	s6 =	simm.s32 $_tile_overlayer_lowered  }
0x9b: {  	s22 =	simm.s32 $0x1BFF;
	s21 =	sshll.u32 s6, $0x1;
	s3 =	sadd.s32 s4, s19  }
0x9c: {  	s7 =	simm.s32 $0x0;
	s20 =	sshll.u32 s5, $0x1;
	s5 =	sadd.s32 s21, s3  }
0x9d: {  	[timem:s7], [sflag:s22] =	dma.local [hbm:s5], s20  }
0x9e: {  	_ =	swait.ge [sflag:s22], s20  }
0x9f: {  	s4 =	ssub.s32 $0x0, s20;
	[sflag:s22] =	ssyncset.done $0x0  }
0xa0: {  	[sflag:s22] =	ssyncadd.s32 s4;
	_ =	sdelay $0x1  }
0xa1: {  	s23 =	simm.s32 $0x1B8B  }
0xa2: {  	_ =	swait.ge [sflag:s23], $0x1  }
0xa3: {  	[sflag:s23] =	ssyncset.done $0x0  }
0xa4: {  	s25 =	simm.s32 $0x1B8E;
	s24 =	sld [smem:$0x3FFE];
	[sflag:s23] =	ssyncadd.s32 $0xFFFFFFFF  }
0xa5: {  	s26 =	simm.s32 $execute0_lowered;
	[smem:$0x3FD2] =	sst s25  }
0xa6: {  	s5 =	sshll.u32 s26, $0x1;
	_ =	strace $0x80000049;
	[dreg:$0x1] =	wrdreg $0xFFFFFFFF  }
0xa7: {  	s28 =	simm.s32 $_size_execute0_lowered;
	s3 =	sadd.s32 s3, s5;
	[dreg:$0x0] =	wrdreg $0x0  }
0xa8: {  	s5 =	sshll.u32 s28, $0x1;
	[dreg:$0x2] =	wrdreg s3  }
0xa9: {  	[dreg:$0x3] =	wrdreg s5  }
0xaa: {  	[dreg:$0x4] =	wrdreg $0xC0  }
0xab: {  	_ =	task [dreg:s7], $0x5FFFF  }
0xac: {  	[dreg:$0x1] =	wrdreg $0xFFFFFFFF  }
0xad: {  	[dreg:$0x0] =	wrdreg $0x60  }
0xae: {  	[dreg:$0x2] =	wrdreg s24  }
0xaf: {  	[dreg:$0x3] =	wrdreg s2  }
0xb0: {  	[dreg:$0x4] =	wrdreg $0xA3000  }
0xb1: {  	[dreg:$0x5] =	wrdreg $0x9  }
0xb2: {  	_ =	task.clear_ibuf [dreg:s7], $0x6FFFF;
	_ =	strace $0x90000049  }
0xb3: {  	s29 =	simm.s32 $0x9;
	_ =	strace $0x8000004B  }
0xb4: {  	_ =	swait.ge [sflag:s29], $0x1  }
0xb5: {  	[sflag:s29] =	ssyncadd.s32 $0xFFFFFFFF  }
0xb6: {  	_ =	strace $0x9000004B  }
0xb7: {  	_ =	sfence  }
0xb8: {  	s30 =	sld [smem:$0x0];
	_ =	sdelay $0x2  }
0xb9: {  	s31 =	sshll.u32 s1, $0xD;
	s1 =	sshrl.u32 s1, $0x2  }
0xba: {  	s3 =	sand.u32 $0x4000, s31;
	s1 =	sadd.s32 s1, s30  }
0xbb: {  	s0 =	sor.u32 s3, s0;
	s1 =	sshll.u32 s1, $0x11  }
0xbc: {  	s0 =	sor.u32 s1, s0  }
0xbd: {  	s0 =	sadd.s32 $0x8F2B, s0  }
0xbe: {  	[sflag:s0] =	ssyncadd.remote.s32 $0x1  }
0xbf: {  	_ =	sfence.sel $0xFFFF  }
0xc0: {  	[dreg:$0x0] =	wrdreg $0xFFFFFFFF;
	(pc) =	sbr.abs _section_cstart, $3  }
0xc1: {  	[dreg:$0x1] =	wrdreg $0xFFFFFFFF  }
0xc2: {  	_ =	task.clear_ibuf [dreg:s7], $0x2FFFF;
	_ =	strace $0x9FFFFFFF  }
0xc3: {  	(tm) =	ssettm $0x7FFFFFFF  }
tec
execute0_lowered:
.L_overlay_start_1:
0x0: {  	(tag) =	ssettag $0x1  }
0x1: {  	s0 =	rddreg [dreg:$0x0]  }
0x2: {  	s1 =	rddreg [dreg:$0x1]  }
0x3: {  	s3 =	rddreg [dreg:$0x2]  }
0x4: {  	s4 =	simm.s32 $0x0;
	s13 =	stileid.u32;
	s5 =	srdreg.scid  }
0x5: {  	s29 =	simm.s32 $0x100;
	s30 =	simm.s32 $0x180;
	s31 =	simm.s32 $0x3  }
0x6: {  	[smem:$0x7FF] =	sst s4;
	s2 =	smul.u32 $0x13C00, s13;
	s8 =	sand.u32 $0x1, s5  }
0x7: {  	s5 =	sadd.s32 $0x1800, s0;
	s6 =	sadd.s32 $0xB600, s0;
	s7 =	sadd.s32 $0x15400, s0  }
0x8: {  	s28 =	smul.u32 $0x4F000, s13;
	s11 =	sshll.u32 s13, $0x1;
	s19 =	sshll.u32 s13, $0x6  }
0x9: {  	s13 =	simm.s32 $0x9;
	_ =	strace $0x8000004A;
	s10 =	smul.u32 $0x13C000, s8  }
0xa: {  	s12 =	ssub.s32 $0x2, s8;
	s8 =	sor.u32 s8, s11;
	s18 =	sor.u32 $0x1C0B, s19  }
0xb: {  	s19 =	simm.s32 $0xA;
	s9 =	sshrl.u32 s2, $0x3;
	s14 =	sshrl.u32 s12, $0x1  }
0xc: {  	s8 =	smul.u32 $0x2710, s8;
	[dreg:$0x5] =	wrdreg s18;
	s9 =	sadd.s32 s9, s0  }
0xd: {  	s2 =	sadd.s32 s2, s10;
	s10 =	sshrl.u32 s28, $0x2;
	s15 =	ssub.s32 s12, s14  }
0xe: {  	s12 =	simm.s32 $0x200;
	s14 =	simm.s32 $0x7;
	s2 =	sshrl.u32 s2, $0x3  }
0xf: {  	s10 =	sadd.s32 s10, s3;
	s9 =	sadd.s32 $0xB1800, s9;
	s20 =	sshrl.u32 s8, $0x3  }
0x10: {  	s16 =	sadd.s32 $0xF0, s8;
	s17 =	sadd.s32 $0x140, s8;
	s28 =	smax.u32 s15, $0x1  }
0x11: {  	s15 =	simm.s32 $0x8;
	s0 =	sadd.s32 s2, s0;
	[dreg:$0x4] =	wrdreg s9  }
0x12: {  	s21 =	sadd.s32 s5, s20;
	s22 =	sadd.s32 $0xA, s20;
	[dreg:$0xd] =	wrdreg s28  }
0x13: {  	s23 =	sadd.s32 s6, s20;
	s11 =	sadd.s32 $0x14, s20;
	[dreg:$0x6] =	wrdreg s21  }
0x14: {  	s20 =	simm.s32 $0xB;
	[dreg:$0x7] =	wrdreg s23;
	s24 =	sadd.s32 s5, s22  }
0x15: {  	s2 =	simm.s32 $0x5300;
	s9 =	sadd.s32 s6, s22;
	[dreg:$0x8] =	wrdreg s24  }
0x16: {  	s25 =	sadd.s32 s5, s11;
	s26 =	sadd.s32 s6, s11;
	[dreg:$0x9] =	wrdreg s9  }
0x17: {  	s0 =	sadd.s32 $0x100200, s0;
	s22 =	simm.s32 $0x80;
	[dreg:$0xa] =	wrdreg s25  }
0x18: {  	s23 =	simm.s32 $0x1;
	s11 =	simm.s32 $0x6;
	[dreg:$0xb] =	wrdreg s26  }
0x19: {  	s21 =	simm.s32 $0x0;
	[dreg:$0xc] =	wrdreg s0;
	s9 =	sshrl.u32 s10, $0x3  }
0x1a: {  	s24 =	simm.s32 $0x2;
	s25 =	simm.s32 $0x50;
	s26 =	simm.s32 $0x300  }
0x1b: {  	s0 =	simm.s32 $0x4;
	s10 =	simm.s32 $0x5;
	[dreg:$0xe] =	wrdreg s9  }
.LBB2_1:
0x1c: {  	[dreg:$0xf] =	wrdreg s21  }
0x1d: {  	s8 =	rddreg [dreg:$0x4]  }
0x1e: {  	[spmem:s9], [sflag:s18] =	dma.local [hbm:s8], $0x2780  }
0x1f: {  	_ =	swait.ge [sflag:s20], $0x2780  }
0x20: {  	[sflag:s20] =	ssyncset.done $0x0  }
0x21: {  	[sflag:s20] =	ssyncadd.s32 $0xFFFFD880  }
0x22: {  	[bflag:$0x0] =	sbarrier.arrive $0xFFFF  }
0x23: {  	s28 =	rddreg [dreg:$0x6]  }
0x24: {  	[tilespmem:s4], [sflag:$0x1] =	stream.linear.gather [hbm4b:s28+s4], $0x50, $0x38;
	[tilespmem:$0x1DF00] =	vst v63  }
0x25: {  	s9 =	rddreg [dreg:$0x7]  }
0x26: {  	[tilespmem:s22], [sflag:$0x2] =	stream.linear.gather [hbm4b:s9+s4], $0x50, $0x38;
	[tilespmem:$0x1DF00] =	vst v63  }
0x27: {  	_ =	swait.ge [sflag:s23], $0x50  }
0x28: {  	[sflag:s23] =	ssyncset.done $0x0  }
0x29: {  	[sflag:s23] =	ssyncadd.s32 $0xFFFFFFB0  }
0x2a: {  	_ =	swait.ge [sflag:s24], $0x50  }
0x2b: {  	[sflag:s24] =	ssyncset.done $0x0  }
0x2c: {  	[sflag:s24] =	ssyncadd.s32 $0xFFFFFFB0  }
0x2d: {  	[tilespmem:s26], [sflag:$0x5] =	stream.indirect.gather [hbm4b:s1+s25], $0x80, s4, s25, $0xb8;
	[tilespmem:$0x1DF00] =	vst v63  }
0x2e: {  	s18 =	simm.s32 $0x2B00  }
0x2f: {  	[tilespmem:s18], [sflag:$0x6] =	stream.indirect.gather [hbm4b:s7+s25], $0x80, s22, s25, $0xb8;
	[tilespmem:$0x1DF00] =	vst v63  }
0x30: {  	s20 =	rddreg [dreg:$0x8]  }
0x31: {  	[tilespmem:s29], [sflag:$0x3] =	stream.linear.gather [hbm4b:s20+s4], $0x50, $0x38;
	[tilespmem:$0x1DF00] =	vst v63  }
0x32: {  	s21 =	rddreg [dreg:$0x9]  }
0x33: {  	[tilespmem:s30], [sflag:$0x4] =	stream.linear.gather [hbm4b:s21+s4], $0x50, $0x38;
	[tilespmem:$0x1DF00] =	vst v63  }
0x34: {  	_ =	swait.ge [sflag:s31], $0x50  }
0x35: {  	[sflag:s31] =	ssyncset.done $0x0  }
0x36: {  	[sflag:s31] =	ssyncadd.s32 $0xFFFFFFB0  }
0x37: {  	_ =	swait.ge [sflag:s0], $0x50  }
0x38: {  	[sflag:s0] =	ssyncset.done $0x0  }
0x39: {  	[sflag:s0] =	ssyncadd.s32 $0xFFFFFFB0  }
0x3a: {  	[tilespmem:s2], [sflag:$0x7] =	stream.indirect.gather [hbm4b:s1+s25], $0x80, s29, s25, $0xb8;
	[tilespmem:$0x1DF00] =	vst v63  }
0x3b: {  	s28 =	simm.s32 $0x7B00  }
0x3c: {  	[tilespmem:s28], [sflag:$0x8] =	stream.indirect.gather [hbm4b:s7+s25], $0x80, s30, s25, $0xb8;
	[tilespmem:$0x1DF00] =	vst v63  }
0x3d: {  	_ =	swait.ge [sflag:s10], $0x2800  }
0x3e: {  	[sflag:s10] =	ssyncset.done $0x0  }
0x3f: {  	[sflag:s10] =	ssyncadd.s32 $0xFFFFD800  }
0x40: {  	_ =	swait.ge [sflag:s11], $0x2800  }
0x41: {  	[sflag:s11] =	ssyncset.done $0x0  }
0x42: {  	s9 =	simm.s32 $0x0;
	[sflag:s11] =	ssyncadd.s32 $0xFFFFD800  }
0x43: {  	v6 =	vld [tilespmem:s9+$0x2B00]  }
0x44: {  	v11 =	vld [tilespmem:s9+$0x2B10]  }
0x45: {  	v5 =	vld [tilespmem:s9+$0x2B20]  }
0x46: {  	v4 =	vld [tilespmem:s9+$0x2B30]  }
0x47: {  	v3 =	vld [tilespmem:s9+$0x2B40]  }
0x48: {  	v2 =	vld [tilespmem:s9+$0x2B50]  }
0x49: {  	v1 =	vld [tilespmem:s9+$0x2B60]  }
0x4a: {  	v0 =	vld [tilespmem:s9+$0x2B70]  }
0x4b: {  	v12 =	vld [tilespmem:s9+$0x300]  }
0x4c: {  	v13 =	vld [tilespmem:s9+$0x310]  }
0x4d: {  	v10 =	vld [tilespmem:s9+$0x320]  }
0x4e: {  	v9 =	vld [tilespmem:s9+$0x330]  }
0x4f: {  	v8 =	vld [tilespmem:s9+$0x340]  }
0x50: {  	v7 =	vld [tilespmem:s9+$0x350];
	v12 =	vadd.f32 v6, v12  }
0x51: {  	s18 =	simm.s32 $0x200;
	v11 =	vadd.f32 v11, v13;
	v6 =	vld [tilespmem:s9+$0x360]  }
.LBB2_2:
0x52: {  	s20 =	sshra.s32 s18, $0x2;
	p0 =	sne.s32 s18, $0x9E00;
	v12 =	vmax.f32 v12, $0.0e+00;
	v5 =	vadd.f32 v5, v10;
	v10 =	vld [tilespmem:s9+$0x370]  }
0x53: {  	v13 =	vld [tilespmem:s20+$0x2B00];
	[tilespmem:s9+$0x300] =	vst v12;
	v11 =	vmax.f32 v11, $0.0e+00;
	v4 =	vadd.f32 v4, v9  }
0x54: {  	v14 =	vld [tilespmem:s20+$0x2B10];
	[tilespmem:s9+$0x310] =	vst v11;
	v9 =	vmax.f32 v5, $0.0e+00;
	v3 =	vadd.f32 v3, v8  }
0x55: {  	v5 =	vld [tilespmem:s20+$0x2B20];
	[tilespmem:s9+$0x320] =	vst v9;
	v8 =	vmax.f32 v4, $0.0e+00;
	v2 =	vadd.f32 v2, v7  }
0x56: {  	v4 =	vld [tilespmem:s20+$0x2B30];
	[tilespmem:s9+$0x330] =	vst v8;
	v7 =	vmax.f32 v3, $0.0e+00;
	v1 =	vadd.f32 v1, v6  }
0x57: {  	v3 =	vld [tilespmem:s20+$0x2B40];
	[tilespmem:s9+$0x340] =	vst v7;
	v6 =	vmax.f32 v2, $0.0e+00;
	v0 =	vadd.f32 v0, v10  }
0x58: {  	v2 =	vld [tilespmem:s20+$0x2B50];
	[tilespmem:s9+$0x350] =	vst v6;
	v6 =	vmax.f32 v1, $0.0e+00  }
0x59: {  	v1 =	vld [tilespmem:s20+$0x2B60];
	[tilespmem:s9+$0x360] =	vst v6;
	v6 =	vmax.f32 v0, $0.0e+00  }
0x5a: {  	v0 =	vld [tilespmem:s20+$0x2B70];
	[tilespmem:s9+$0x370] =	vst v6;
	s9 =	smov.u32 s20  }
0x5b: {  	v6 =	vld [tilespmem:s9+$0x300]  }
0x5c: {  	v11 =	vld [tilespmem:s9+$0x310]  }
.Ltmp0:
0x5d: {  	v10 =	vld [tilespmem:s9+$0x320];
	(pc) =	sbr.rel @p0 .LBB2_2-.Ltmp0, $4  }
0x5e: {  	v9 =	vld [tilespmem:s9+$0x330]  }
0x5f: {  	v8 =	vld [tilespmem:s9+$0x340]  }
0x60: {  	v12 =	vadd.f32 v13, v6;
	v7 =	vld [tilespmem:s9+$0x350]  }
0x61: {  	s18 =	sadd.s32 $0x200, s18;
	v11 =	vadd.f32 v14, v11;
	v6 =	vld [tilespmem:s9+$0x360]  }
0x62: {  	v12 =	vmax.f32 v12, $0.0e+00;
	v5 =	vadd.f32 v5, v10;
	v63 =	vld [tilespmem:s9+$0x370]  }
0x63: {  	[tilespmem:s9+$0x300] =	vst v12;
	v11 =	vmax.f32 v11, $0.0e+00;
	v4 =	vadd.f32 v4, v9  }
0x64: {  	[tilespmem:s9+$0x310] =	vst v11;
	v5 =	vmax.f32 v5, $0.0e+00;
	v3 =	vadd.f32 v3, v8  }
0x65: {  	[tilespmem:s9+$0x320] =	vst v5;
	v4 =	vmax.f32 v4, $0.0e+00;
	v2 =	vadd.f32 v2, v7  }
0x66: {  	[tilespmem:s9+$0x330] =	vst v4;
	v3 =	vmax.f32 v3, $0.0e+00;
	v1 =	vadd.f32 v1, v6  }
0x67: {  	[tilespmem:s9+$0x340] =	vst v3;
	v2 =	vmax.f32 v2, $0.0e+00;
	v0 =	vadd.f32 v0, v63  }
0x68: {  	[tilespmem:s9+$0x350] =	vst v2;
	v1 =	vmax.f32 v1, $0.0e+00  }
0x69: {  	[tilespmem:s9+$0x360] =	vst v1;
	v0 =	vmax.f32 v0, $0.0e+00  }
0x6a: {  	[tilespmem:s9+$0x370] =	vst v0  }
0x6b: {  	v0 =	vld [tilespmem:$0x0]  }
0x6c: {  	v1 =	vld [tilespmem:$0x10]  }
0x6d: {  	v2 =	vld [tilespmem:$0x20]  }
0x6e: {  	v3 =	vld [tilespmem:$0x30]  }
0x6f: {  	v4 =	vld [tilespmem:$0x40]  }
0x70: {  	[tilespmem:$0x200] =	vst v0  }
0x71: {  	[tilespmem:$0x210] =	vst v1  }
0x72: {  	[tilespmem:$0x220] =	vst v2  }
0x73: {  	[tilespmem:$0x230] =	vst v3  }
0x74: {  	[tilespmem:$0x240] =	vst v4  }
0x75: {  	[spmem:s3] =	stream.indirect.scatter.add.f32 [tilespmem:s26], [sflag:$0x9], $0x80, s12, s25, $0xb8;
	[tilespmem:$0x1DF00] =	vst v63  }
0x76: {  	s20 =	simm.s32 $0x0;
	s8 =	rddreg [dreg:$0xa]  }
0x77: {  	[tilespmem:s20], [sflag:$0x1] =	stream.linear.gather [hbm4b:s8+s20], $0x50, $0x38;
	[tilespmem:$0x1DF00] =	vst v63  }
0x78: {  	s28 =	rddreg [dreg:$0xb];
	s21 =	simm.s32 $0x0  }
0x79: {  	[tilespmem:s22], [sflag:$0x2] =	stream.linear.gather [hbm4b:s28+s20], $0x50, $0x38;
	[tilespmem:$0x1DF00] =	vst v63  }
.LBB2_4:
0x7a: {  	_ =	swait.ge [sflag:s23], $0x50  }
0x7b: {  	[sflag:s23] =	ssyncset.done $0x0  }
0x7c: {  	[sflag:s23] =	ssyncadd.s32 $0xFFFFFFB0  }
0x7d: {  	_ =	swait.ge [sflag:s24], $0x50  }
0x7e: {  	[sflag:s24] =	ssyncset.done $0x0  }
0x7f: {  	[sflag:s24] =	ssyncadd.s32 $0xFFFFFFB0  }
0x80: {  	_ =	swait.ge [sflag:s13], $0x2800  }
0x81: {  	[sflag:s13] =	ssyncset.done $0x0  }
0x82: {  	[sflag:s13] =	ssyncadd.s32 $0xFFFFD800  }
0x83: {  	[tilespmem:s26], [sflag:$0x5] =	stream.indirect.gather [hbm4b:s1+s25], $0x80, s20, s25, $0xb8;
	[tilespmem:$0x1DF00] =	vst v63  }
0x84: {  	s8 =	simm.s32 $0x2B00  }
0x85: {  	[tilespmem:s8], [sflag:$0x6] =	stream.indirect.gather [hbm4b:s7+s25], $0x80, s22, s25, $0xb8;
	[tilespmem:$0x1DF00] =	vst v63  }
0x86: {  	_ =	swait.ge [sflag:s14], $0x2800  }
0x87: {  	[sflag:s14] =	ssyncset.done $0x0  }
0x88: {  	[sflag:s14] =	ssyncadd.s32 $0xFFFFD800  }
0x89: {  	_ =	swait.ge [sflag:s15], $0x2800  }
0x8a: {  	[sflag:s15] =	ssyncset.done $0x0  }
0x8b: {  	s9 =	simm.s32 $0x0;
	[sflag:s15] =	ssyncadd.s32 $0xFFFFD800  }
0x8c: {  	v6 =	vld [tilespmem:s9+$0x7B00]  }
0x8d: {  	v11 =	vld [tilespmem:s9+$0x7B10]  }
0x8e: {  	v5 =	vld [tilespmem:s9+$0x7B20]  }
0x8f: {  	v4 =	vld [tilespmem:s9+$0x7B30]  }
0x90: {  	v3 =	vld [tilespmem:s9+$0x7B40]  }
0x91: {  	v2 =	vld [tilespmem:s9+$0x7B50]  }
0x92: {  	v1 =	vld [tilespmem:s9+$0x7B60]  }
0x93: {  	v0 =	vld [tilespmem:s9+$0x7B70]  }
0x94: {  	v12 =	vld [tilespmem:s9+$0x5300]  }
0x95: {  	v13 =	vld [tilespmem:s9+$0x5310]  }
0x96: {  	v10 =	vld [tilespmem:s9+$0x5320]  }
0x97: {  	v9 =	vld [tilespmem:s9+$0x5330]  }
0x98: {  	v8 =	vld [tilespmem:s9+$0x5340]  }
0x99: {  	v7 =	vld [tilespmem:s9+$0x5350];
	v12 =	vadd.f32 v6, v12  }
0x9a: {  	s18 =	simm.s32 $0x200;
	v11 =	vadd.f32 v11, v13;
	v6 =	vld [tilespmem:s9+$0x5360]  }
.LBB2_5:
0x9b: {  	s28 =	sshra.s32 s18, $0x2;
	p0 =	sne.s32 s18, $0x9E00;
	v12 =	vmax.f32 v12, $0.0e+00;
	v5 =	vadd.f32 v5, v10;
	v10 =	vld [tilespmem:s9+$0x5370]  }
0x9c: {  	v13 =	vld [tilespmem:s28+$0x7B00];
	[tilespmem:s9+$0x5300] =	vst v12;
	v11 =	vmax.f32 v11, $0.0e+00;
	v4 =	vadd.f32 v4, v9  }
0x9d: {  	v14 =	vld [tilespmem:s28+$0x7B10];
	[tilespmem:s9+$0x5310] =	vst v11;
	v9 =	vmax.f32 v5, $0.0e+00;
	v3 =	vadd.f32 v3, v8  }
0x9e: {  	v5 =	vld [tilespmem:s28+$0x7B20];
	[tilespmem:s9+$0x5320] =	vst v9;
	v8 =	vmax.f32 v4, $0.0e+00;
	v2 =	vadd.f32 v2, v7  }
0x9f: {  	v4 =	vld [tilespmem:s28+$0x7B30];
	[tilespmem:s9+$0x5330] =	vst v8;
	v7 =	vmax.f32 v3, $0.0e+00;
	v1 =	vadd.f32 v1, v6  }
0xa0: {  	v3 =	vld [tilespmem:s28+$0x7B40];
	[tilespmem:s9+$0x5340] =	vst v7;
	v6 =	vmax.f32 v2, $0.0e+00;
	v0 =	vadd.f32 v0, v10  }
0xa1: {  	v2 =	vld [tilespmem:s28+$0x7B50];
	[tilespmem:s9+$0x5350] =	vst v6;
	v6 =	vmax.f32 v1, $0.0e+00  }
0xa2: {  	v1 =	vld [tilespmem:s28+$0x7B60];
	[tilespmem:s9+$0x5360] =	vst v6;
	v6 =	vmax.f32 v0, $0.0e+00  }
0xa3: {  	v0 =	vld [tilespmem:s28+$0x7B70];
	[tilespmem:s9+$0x5370] =	vst v6;
	s9 =	smov.u32 s28  }
0xa4: {  	v6 =	vld [tilespmem:s9+$0x5300]  }
0xa5: {  	v11 =	vld [tilespmem:s9+$0x5310]  }
.Ltmp1:
0xa6: {  	v10 =	vld [tilespmem:s9+$0x5320];
	(pc) =	sbr.rel @p0 .LBB2_5-.Ltmp1, $4  }
0xa7: {  	v9 =	vld [tilespmem:s9+$0x5330]  }
0xa8: {  	v8 =	vld [tilespmem:s9+$0x5340]  }
0xa9: {  	v12 =	vadd.f32 v13, v6;
	v7 =	vld [tilespmem:s9+$0x5350]  }
0xaa: {  	s18 =	sadd.s32 $0x200, s18;
	v11 =	vadd.f32 v14, v11;
	v6 =	vld [tilespmem:s9+$0x5360]  }
0xab: {  	v12 =	vmax.f32 v12, $0.0e+00;
	v5 =	vadd.f32 v5, v10;
	v10 =	vld [tilespmem:s9+$0x5370]  }
0xac: {  	[tilespmem:s9+$0x5300] =	vst v12;
	v11 =	vmax.f32 v11, $0.0e+00;
	v4 =	vadd.f32 v4, v9  }
0xad: {  	[tilespmem:s9+$0x5310] =	vst v11;
	v5 =	vmax.f32 v5, $0.0e+00;
	v3 =	vadd.f32 v3, v8  }
0xae: {  	[tilespmem:s9+$0x5320] =	vst v5;
	v4 =	vmax.f32 v4, $0.0e+00;
	v2 =	vadd.f32 v2, v7  }
0xaf: {  	[tilespmem:s9+$0x5330] =	vst v4;
	v3 =	vmax.f32 v3, $0.0e+00;
	v1 =	vadd.f32 v1, v6  }
0xb0: {  	[tilespmem:s9+$0x5340] =	vst v3;
	v2 =	vmax.f32 v2, $0.0e+00;
	v0 =	vadd.f32 v0, v10  }
0xb1: {  	[tilespmem:s9+$0x5350] =	vst v2;
	v1 =	vmax.f32 v1, $0.0e+00  }
0xb2: {  	[tilespmem:s9+$0x5360] =	vst v1;
	v0 =	vmax.f32 v0, $0.0e+00  }
0xb3: {  	[tilespmem:s9+$0x5370] =	vst v0  }
0xb4: {  	v0 =	vld [tilespmem:$0x100]  }
0xb5: {  	v1 =	vld [tilespmem:$0x110]  }
0xb6: {  	v2 =	vld [tilespmem:$0x120]  }
0xb7: {  	v3 =	vld [tilespmem:$0x130]  }
0xb8: {  	s9 =	smul.u32 $0xA0, s21;
	v4 =	vld [tilespmem:$0x140]  }
0xb9: {  	[tilespmem:$0x280] =	vst v0  }
0xba: {  	s18 =	sadd.s32 s9, s16;
	[tilespmem:$0x290] =	vst v1  }
0xbb: {  	p0 =	slt.s32 s18, $0x4E1B0;
	[tilespmem:$0x2A0] =	vst v2  }
0xbc: {  	s18 =	simm.s32 @!p0 $0x4E1B0;
	[tilespmem:$0x2B0] =	vst v3  }
0xbd: {  	s8 =	simm.s32 $0x280;
	s18 =	sshrl.u32 s18, $0x3;
	[tilespmem:$0x2C0] =	vst v4  }
0xbe: {  	[spmem:s3] =	stream.indirect.scatter.add.f32 [tilespmem:s2], [sflag:$0xA], $0x80, s8, s25, $0xb8;
	[tilespmem:$0x1DF00] =	vst v63  }
0xbf: {  	s28 =	sadd.s32 s5, s18;
	s8 =	simm.s32 $0x0  }
0xc0: {  	[tilespmem:s29], [sflag:$0x3] =	stream.linear.gather [hbm4b:s28+s8], $0x50, $0x38;
	[tilespmem:$0x1DF00] =	vst v63  }
0xc1: {  	s18 =	sadd.s32 s6, s18  }
0xc2: {  	[tilespmem:s30], [sflag:$0x4] =	stream.linear.gather [hbm4b:s18+s8], $0x50, $0x38;
	[tilespmem:$0x1DF00] =	vst v63  }
0xc3: {  	_ =	swait.ge [sflag:s31], $0x50  }
0xc4: {  	[sflag:s31] =	ssyncset.done $0x0  }
0xc5: {  	[sflag:s31] =	ssyncadd.s32 $0xFFFFFFB0  }
0xc6: {  	_ =	swait.ge [sflag:s0], $0x50  }
0xc7: {  	[sflag:s0] =	ssyncset.done $0x0  }
0xc8: {  	[sflag:s0] =	ssyncadd.s32 $0xFFFFFFB0  }
0xc9: {  	_ =	swait.ge [sflag:s19], $0x2800  }
0xca: {  	[sflag:s19] =	ssyncset.done $0x0  }
0xcb: {  	[sflag:s19] =	ssyncadd.s32 $0xFFFFD800  }
0xcc: {  	[tilespmem:s2], [sflag:$0x7] =	stream.indirect.gather [hbm4b:s1+s25], $0x80, s29, s25, $0xb8;
	[tilespmem:$0x1DF00] =	vst v63  }
0xcd: {  	s18 =	simm.s32 $0x7B00  }
0xce: {  	[tilespmem:s18], [sflag:$0x8] =	stream.indirect.gather [hbm4b:s7+s25], $0x80, s30, s25, $0xb8;
	[tilespmem:$0x1DF00] =	vst v63  }
0xcf: {  	_ =	swait.ge [sflag:s10], $0x2800  }
0xd0: {  	[sflag:s10] =	ssyncset.done $0x0  }
0xd1: {  	[sflag:s10] =	ssyncadd.s32 $0xFFFFD800  }
0xd2: {  	_ =	swait.ge [sflag:s11], $0x2800  }
0xd3: {  	[sflag:s11] =	ssyncset.done $0x0  }
0xd4: {  	s18 =	simm.s32 $0x0;
	[sflag:s11] =	ssyncadd.s32 $0xFFFFD800  }
0xd5: {  	v6 =	vld [tilespmem:s18+$0x2B00]  }
0xd6: {  	v11 =	vld [tilespmem:s18+$0x2B10]  }
0xd7: {  	v5 =	vld [tilespmem:s18+$0x2B20]  }
0xd8: {  	v4 =	vld [tilespmem:s18+$0x2B30]  }
0xd9: {  	v3 =	vld [tilespmem:s18+$0x2B40]  }
0xda: {  	v2 =	vld [tilespmem:s18+$0x2B50]  }
0xdb: {  	v1 =	vld [tilespmem:s18+$0x2B60]  }
0xdc: {  	v0 =	vld [tilespmem:s18+$0x2B70]  }
0xdd: {  	v12 =	vld [tilespmem:s18+$0x300]  }
0xde: {  	v13 =	vld [tilespmem:s18+$0x310]  }
0xdf: {  	v10 =	vld [tilespmem:s18+$0x320]  }
0xe0: {  	v9 =	vld [tilespmem:s18+$0x330]  }
0xe1: {  	v8 =	vld [tilespmem:s18+$0x340]  }
0xe2: {  	v7 =	vld [tilespmem:s18+$0x350];
	v12 =	vadd.f32 v6, v12  }
0xe3: {  	s28 =	simm.s32 $0x200;
	v11 =	vadd.f32 v11, v13;
	v6 =	vld [tilespmem:s18+$0x360]  }
.LBB2_7:
0xe4: {  	s8 =	sshra.s32 s28, $0x2;
	p0 =	sne.s32 s28, $0x9E00;
	v12 =	vmax.f32 v12, $0.0e+00;
	v5 =	vadd.f32 v5, v10;
	v10 =	vld [tilespmem:s18+$0x370]  }
0xe5: {  	v13 =	vld [tilespmem:s8+$0x2B00];
	[tilespmem:s18+$0x300] =	vst v12;
	v11 =	vmax.f32 v11, $0.0e+00;
	v4 =	vadd.f32 v4, v9  }
0xe6: {  	v14 =	vld [tilespmem:s8+$0x2B10];
	[tilespmem:s18+$0x310] =	vst v11;
	v9 =	vmax.f32 v5, $0.0e+00;
	v3 =	vadd.f32 v3, v8  }
0xe7: {  	v5 =	vld [tilespmem:s8+$0x2B20];
	[tilespmem:s18+$0x320] =	vst v9;
	v8 =	vmax.f32 v4, $0.0e+00;
	v2 =	vadd.f32 v2, v7  }
0xe8: {  	v4 =	vld [tilespmem:s8+$0x2B30];
	[tilespmem:s18+$0x330] =	vst v8;
	v7 =	vmax.f32 v3, $0.0e+00;
	v1 =	vadd.f32 v1, v6  }
0xe9: {  	v3 =	vld [tilespmem:s8+$0x2B40];
	[tilespmem:s18+$0x340] =	vst v7;
	v6 =	vmax.f32 v2, $0.0e+00;
	v0 =	vadd.f32 v0, v10  }
0xea: {  	v2 =	vld [tilespmem:s8+$0x2B50];
	[tilespmem:s18+$0x350] =	vst v6;
	v6 =	vmax.f32 v1, $0.0e+00  }
0xeb: {  	v1 =	vld [tilespmem:s8+$0x2B60];
	[tilespmem:s18+$0x360] =	vst v6;
	v6 =	vmax.f32 v0, $0.0e+00  }
0xec: {  	v0 =	vld [tilespmem:s8+$0x2B70];
	[tilespmem:s18+$0x370] =	vst v6;
	s18 =	smov.u32 s8  }
0xed: {  	v6 =	vld [tilespmem:s18+$0x300]  }
0xee: {  	v11 =	vld [tilespmem:s18+$0x310]  }
.Ltmp2:
0xef: {  	v10 =	vld [tilespmem:s18+$0x320];
	(pc) =	sbr.rel @p0 .LBB2_7-.Ltmp2, $4  }
0xf0: {  	v9 =	vld [tilespmem:s18+$0x330]  }
0xf1: {  	v8 =	vld [tilespmem:s18+$0x340]  }
0xf2: {  	v12 =	vadd.f32 v13, v6;
	v7 =	vld [tilespmem:s18+$0x350]  }
0xf3: {  	s28 =	sadd.s32 $0x200, s28;
	v11 =	vadd.f32 v14, v11;
	v6 =	vld [tilespmem:s18+$0x360]  }
0xf4: {  	v12 =	vmax.f32 v12, $0.0e+00;
	v5 =	vadd.f32 v5, v10;
	v63 =	vld [tilespmem:s18+$0x370]  }
0xf5: {  	[tilespmem:s18+$0x300] =	vst v12;
	v11 =	vmax.f32 v11, $0.0e+00;
	v4 =	vadd.f32 v4, v9  }
0xf6: {  	[tilespmem:s18+$0x310] =	vst v11;
	v5 =	vmax.f32 v5, $0.0e+00;
	v3 =	vadd.f32 v3, v8  }
0xf7: {  	[tilespmem:s18+$0x320] =	vst v5;
	v4 =	vmax.f32 v4, $0.0e+00;
	v2 =	vadd.f32 v2, v7  }
0xf8: {  	[tilespmem:s18+$0x330] =	vst v4;
	v3 =	vmax.f32 v3, $0.0e+00;
	v1 =	vadd.f32 v1, v6  }
0xf9: {  	[tilespmem:s18+$0x340] =	vst v3;
	v2 =	vmax.f32 v2, $0.0e+00;
	v0 =	vadd.f32 v0, v63  }
0xfa: {  	[tilespmem:s18+$0x350] =	vst v2;
	v1 =	vmax.f32 v1, $0.0e+00  }
0xfb: {  	[tilespmem:s18+$0x360] =	vst v1;
	v0 =	vmax.f32 v0, $0.0e+00  }
0xfc: {  	[tilespmem:s18+$0x370] =	vst v0  }
0xfd: {  	v0 =	vld [tilespmem:$0x0]  }
0xfe: {  	v1 =	vld [tilespmem:$0x10]  }
0xff: {  	v2 =	vld [tilespmem:$0x20]  }
0x100: {  	v3 =	vld [tilespmem:$0x30]  }
0x101: {  	v4 =	vld [tilespmem:$0x40]  }
0x102: {  	[tilespmem:$0x200] =	vst v0  }
0x103: {  	[tilespmem:$0x210] =	vst v1  }
0x104: {  	s8 =	sadd.s32 s9, s17;
	[tilespmem:$0x220] =	vst v2  }
0x105: {  	s21 =	sadd.s32 $0x1, s21;
	p0 =	slt.s32 s8, $0x4E1B0;
	[tilespmem:$0x230] =	vst v3  }
0x106: {  	s8 =	simm.s32 @!p0 $0x4E1B0;
	p0 =	sne.s32 s21, $0x3E;
	[tilespmem:$0x240] =	vst v4  }
0x107: {  	[spmem:s3] =	stream.indirect.scatter.add.f32 [tilespmem:s26], [sflag:$0x9], $0x80, s12, s25, $0xb8;
	[tilespmem:$0x1DF00] =	vst v63  }
.Ltmp3:
0x108: {  	s8 =	sshrl.u32 s8, $0x3;
	(pc) =	sbr.rel @p0 .LBB2_4-.Ltmp3, $4  }
0x109: {  	s28 =	sadd.s32 s5, s8  }
0x10a: {  	[tilespmem:s4], [sflag:$0x1] =	stream.linear.gather [hbm4b:s28+s4], $0x50, $0x38;
	[tilespmem:$0x1DF00] =	vst v63  }
0x10b: {  	s8 =	sadd.s32 s6, s8  }
0x10c: {  	[tilespmem:s22], [sflag:$0x2] =	stream.linear.gather [hbm4b:s8+s4], $0x50, $0x38;
	[tilespmem:$0x1DF00] =	vst v63  }
0x10d: {  	_ =	swait.ge [sflag:s13], $0x2800  }
0x10e: {  	[sflag:s13] =	ssyncset.done $0x0  }
0x10f: {  	[sflag:s13] =	ssyncadd.s32 $0xFFFFD800  }
0x110: {  	_ =	swait.ge [sflag:s14], $0x2800  }
0x111: {  	[sflag:s14] =	ssyncset.done $0x0  }
0x112: {  	[sflag:s14] =	ssyncadd.s32 $0xFFFFD800  }
0x113: {  	_ =	swait.ge [sflag:s15], $0x2800  }
0x114: {  	[sflag:s15] =	ssyncset.done $0x0  }
0x115: {  	[sflag:s15] =	ssyncadd.s32 $0xFFFFD800  }
0x116: {  	_ =	swait.ge [sflag:s23], $0x50  }
0x117: {  	[sflag:s23] =	ssyncset.done $0x0  }
0x118: {  	[sflag:s23] =	ssyncadd.s32 $0xFFFFFFB0  }
0x119: {  	_ =	swait.ge [sflag:s24], $0x50  }
0x11a: {  	[sflag:s24] =	ssyncset.done $0x0  }
0x11b: {  	[sflag:s24] =	ssyncadd.s32 $0xFFFFFFB0  }
0x11c: {  	[bflag:$0x0] =	sbarrier.arrive $0xFFFF  }
0x11d: {  	s18 =	rddreg [dreg:$0x5]  }
0x11e: {  	s8 =	rddreg [dreg:$0xc]  }
0x11f: {  	s20 =	simm.s32 $0xB;
	s9 =	rddreg [dreg:$0xe]  }
0x120: {  	[hbm:s8], [sflag:s18] =	dma.local [spmem:s9], $0x2780  }
0x121: {  	_ =	swait.ge [sflag:s20], $0x2780  }
0x122: {  	s21 =	rddreg [dreg:$0xf]  }
0x123: {  	s28 =	rddreg [dreg:$0xd];
	s21 =	sadd.s32 $0x1, s21  }
0x124: {  	p0 =	sne.s32 s21, s28  }
.Ltmp4:
0x125: {  	_ = 	snop;
	(pc) =	sbr.rel @p0 .LBB2_1-.Ltmp4, $3  }
0x126: {  	_ =	sdelay $0x1  }
0x127: {  	[sflag:s20] =	ssyncset.done $0x0  }
0x128: {  	[sflag:s20] =	ssyncadd.s32 $0xFFFFD880  }
0x129: {  	_ =	sfence.sel $0x180000  }
0x12a: {  	[bflag:$0x0] =	sbarrier.arrive $0xFFFF  }
0x12b: {  	_ =	strace $0x9000004A  }
0x12c: {  	s0 =	stileid.u32;
	[bflag:$0x2] =	sbarrier.arrive $0xFFFF  }
0x12d: {  	p0 =	sne.s32 s0, $0x0;
	s0 =	rddreg [dreg:$0x3]  }
0x12e: {  	s0 =	sadd.s32 @!p0 $0x100000, s0  }
0x12f: {  	[sflag:s0] =	ssyncadd.tile.s32 @!p0 $0x1;
	_ =	shalt  }
.Lfunc_end2:
_tile_overlayer_lowered:
.L_overlay_start_2:
0x130: {  	(tag) =	ssettag $0x2  }
0x131: {  	s0 =	rddreg [dreg:$0x0];
	s2 =	stileid.u32  }
0x132: {  	s1 =	rddreg [dreg:$0x1];
	p0 =	sne.s32 s2, $0x0  }
0x133: {  	s3 =	rddreg [dreg:$0x2];
	[bflag:$0x3] =	sbarrier.arrive $0xFFFF;
	s2 =	simm.s32 @!p0 $0x1C0B  }
0x134: {  	[timem:s3], [sflag:s2] =	dma.local @!p0 [hbm:s0], s1  }
0x135: {  	s0 =	simm.s32 @!p0 $0xB  }
0x136: {  	_ =	swait.ge @!p0 [sflag:s0], s1  }
0x137: {  	s1 =	ssub.s32 @!p0 $0x0, s1;
	[sflag:s0] =	ssyncset.done @!p0 $0x0  }
0x138: {  	[sflag:s0] =	ssyncadd.s32 @!p0 s1  }
0x139: {  	[bflag:$0x3] =	sbarrier.arrive $0xFFFF  }
0x13a: {  	_ =	shalt  }

// kernel: kernel.7.cloned.1.call-start
scs
__scs_entry_jumppad:
0x0: {  	(pc) =	sbr.rel $0x88, $3  }
0x1: {  	(tag) =	ssettag $0x0;
	lr =	simm.s32 $0x1  }
0x2: {  	[smem:$0x3F94] =	sst lr;
	_ =	strace $0xD0000000  }
0x3: {  	_ = 	snop  }
0x4: {  	_ = 	snop  }
0x5: {  	_ = 	snop  }
0x6: {  	_ = 	snop  }
0x7: {  	_ = 	snop  }
__scs_overlays_trampoline_lowered:
0x8: {  	[smem:$0x3FA3] =	sst s0  }
0x9: {  	[smem:$0x3FA4] =	sst s1  }
0xa: {  	[smem:$0x3FA5] =	sst s2  }
0xb: {  	[smem:$0x3FA6] =	sst s3  }
0xc: {  	[smem:$0x3FA7] =	sst s4  }
0xd: {  	[smem:$0x3FA8] =	sst s5  }
0xe: {  	[smem:$0x3FA9] =	sst s6  }
0xf: {  	[smem:$0x3FAA] =	sst s7  }
0x10: {  	[smem:$0x3FAB] =	sst s8  }
0x11: {  	[smem:$0x3FAC] =	sst s9;
	s0 =	simm.s32 @!p0 $0x0  }
0x12: {  	s1 =	sld [smem:$0x3F92];
	s0 =	simm.s32 @p0 $0x1  }
0x13: {  	[smem:$0x3FAD] =	sst s0;
	s0 =	simm.s32 @!p1 $0x0  }
0x14: {  	s2 =	sld [smem:$0x3F91];
	s0 =	simm.s32 @p1 $0x1  }
0x15: {  	[smem:$0x3FAE] =	sst s0;
	s0 =	simm.s32 @!p2 $0x0  }
0x16: {  	s3 =	sld [smem:$0x3FDB];
	s0 =	simm.s32 @p2 $0x1  }
0x17: {  	s4 =	simm.s32 $0x1BF5;
	[smem:$0x3FB0] =	sst s0  }
0x18: {  	s0 =	sld [smem:$0x3F93];
	_ =	swait.ge [sflag:s4], $0x0  }
0x19: {  	s7 =	sld [smem:$0x3F94]  }
0x1a: {  	s8 =	sadd.s32 $0xFFFFE003, lr  }
0x1b: {  	s9 =	sadd.s32 $0xFFFFFEF7, lr;
	s5 =	simm.s32 $0xFFFFFFFF;
	p2 =	slt.u32 s8, $0xFFFFF086  }
0x1c: {  	p1 =	slt.u32 s9, $0xF7A;
	s5 =	simm.s32 @!p2 $0x0  }
0x1d: {  	s5 =	simm.s32 @p1 $0x1;
	p0 =	seq.s32 s7, s2  }
0x1e: {  	s7 =	smul.u32 @!p0 $0xF7A, s2;
	p2 =	seq.s32 @!p0 s5, $0x0  }
0x1f: {  	s9 =	smul.u32 $0xF7A, s1;
	s8 =	simm.s32 @!p0 $0x1BF5;
	p2 =	por !p2, p0  }
0x20: {  	[sflag:s8] =	ssyncset.s32 @!p0 $0xFFFFF086;
	s6 =	sadd.s32 @!p0 s3, s7;
	s7 =	simm.s32 @!p0 $0x108  }
0x21: {  	s3 =	sadd.s32 s3, s9;
	s6 =	sadd.s32 @!p0 $0x88, s6;
	s7 =	simm.s32 @p2 $0x1082  }
0x22: {  	[simem:s7], [sflag:s8] =	dma.local @!p0 [hbm:s6], $0xF7A  }
0x23: {  	s9 =	sor.u32 $0xD0000000, s2;
	s6 =	simm.s32 $0x108;
	_ =	swait.ge @!p0 [sflag:s8], $0x0  }
0x24: {  	s3 =	sadd.s32 $0x88, s3;
	s6 =	simm.s32 @!p1 $0x1082;
	[sflag:s4] =	ssyncset.s32 $0xFFFFF086  }
0x25: {  	[simem:s6], [sflag:s4] =	dma.local [hbm:s3], $0xF7A  }
0x26: {  	[smem:$0x3F94] =	sst s1;
	(tag) =	ssettag s2;
	_ =	strace s9  }
0x27: {  	s1 =	sld [smem:$0x3FA4]  }
0x28: {  	s2 =	sld [smem:$0x3FA5]  }
0x29: {  	s4 =	sld [smem:$0x3FA7]  }
0x2a: {  	p0 =	seq.s32 s5, $0x0;
	s5 =	sld [smem:$0x3FA8]  }
0x2b: {  	s6 =	sld [smem:$0x3FA9]  }
0x2c: {  	s7 =	sld [smem:$0x3FAA]  }
0x2d: {  	s3 =	simm.s32 $0x108;
	s8 =	sld [smem:$0x3FAB]  }
0x2e: {  	s3 =	simm.s32 @!p0 $0x1082;
	s9 =	sld [smem:$0x3FAC]  }
0x2f: {  	lr =	sadd.s32 s0, s3;
	s0 =	sld [smem:$0x3FA3]  }
0x30: {  	s3 =	sld [smem:$0x3FA6]  }
0x31: {  	[smem:$0x3FAF] =	sst s10  }
0x32: {  	s10 =	sld [smem:$0x3FAD];
	_ =	sdelay $0x3  }
0x33: {  	p0 =	seq.s32 s10, $0x1;
	s10 =	sld [smem:$0x3FAF];
	_ =	sdelay $0x3  }
0x34: {  	[smem:$0x3FAF] =	sst s10  }
0x35: {  	s10 =	sld [smem:$0x3FAE];
	_ =	sdelay $0x3  }
0x36: {  	p1 =	seq.s32 s10, $0x1;
	s10 =	sld [smem:$0x3FAF];
	_ =	sdelay $0x3  }
0x37: {  	[smem:$0x3FAF] =	sst s10  }
0x38: {  	s10 =	sld [smem:$0x3FB0]  }
0x39: {  	_ = 	snop;
	(pc) =	sbr.ind lr, $3  }
0x3a: {  	_ = 	snop  }
0x3b: {  	_ = 	snop  }
0x3c: {  	p2 =	seq.s32 s10, $0x1;
	s10 =	sld [smem:$0x3FAF]  }
0x3d: {  	_ =	shalt  }
0x3e: {  	_ =	shalt  }
0x3f: {  	_ =	shalt  }
0x40: {  	_ =	shalt  }
0x41: {  	_ =	shalt  }
0x42: {  	_ =	shalt  }
0x43: {  	_ =	shalt  }
0x44: {  	_ =	shalt  }
0x45: {  	_ =	shalt  }
0x46: {  	_ =	shalt  }
0x47: {  	_ =	shalt  }
0x48: {  	_ =	shalt  }
0x49: {  	_ =	shalt  }
0x4a: {  	_ =	shalt  }
0x4b: {  	_ =	shalt  }
0x4c: {  	_ =	shalt  }
0x4d: {  	_ =	shalt  }
0x4e: {  	_ =	shalt  }
0x4f: {  	_ =	shalt  }
0x50: {  	_ =	shalt  }
0x51: {  	_ =	shalt  }
0x52: {  	_ =	shalt  }
0x53: {  	_ =	shalt  }
0x54: {  	_ =	shalt  }
0x55: {  	_ =	shalt  }
0x56: {  	_ =	shalt  }
0x57: {  	_ =	shalt  }
0x58: {  	_ =	shalt  }
0x59: {  	_ =	shalt  }
0x5a: {  	_ =	shalt  }
0x5b: {  	_ =	shalt  }
0x5c: {  	_ =	shalt  }
0x5d: {  	_ =	shalt  }
0x5e: {  	_ =	shalt  }
0x5f: {  	_ =	shalt  }
0x60: {  	_ =	shalt  }
0x61: {  	_ =	shalt  }
0x62: {  	_ =	shalt  }
0x63: {  	_ =	shalt  }
0x64: {  	_ =	shalt  }
0x65: {  	_ =	shalt  }
0x66: {  	_ =	shalt  }
0x67: {  	_ =	shalt  }
0x68: {  	_ =	shalt  }
0x69: {  	_ =	shalt  }
0x6a: {  	_ =	shalt  }
0x6b: {  	_ =	shalt  }
0x6c: {  	_ =	shalt  }
0x6d: {  	_ =	shalt  }
0x6e: {  	_ =	shalt  }
0x6f: {  	_ =	shalt  }
0x70: {  	_ =	shalt  }
0x71: {  	_ =	shalt  }
0x72: {  	_ =	shalt  }
0x73: {  	_ =	shalt  }
0x74: {  	_ =	shalt  }
0x75: {  	_ =	shalt  }
0x76: {  	_ =	shalt  }
0x77: {  	_ =	shalt  }
0x78: {  	_ =	shalt  }
0x79: {  	_ =	shalt  }
0x7a: {  	_ =	shalt  }
0x7b: {  	_ =	shalt  }
0x7c: {  	_ =	shalt  }
0x7d: {  	_ =	shalt  }
0x7e: {  	_ =	shalt  }
0x7f: {  	_ =	shalt  }
0x80: {  	_ =	shalt  }
0x81: {  	_ =	shalt  }
0x82: {  	_ =	shalt  }
0x83: {  	_ =	shalt  }
0x84: {  	_ =	shalt  }
0x85: {  	_ =	shalt  }
0x86: {  	_ =	shalt  }
0x87: {  	_ =	shalt  }
.Lfunc_end0:
.L_simem_size_0:
called_computation_lowered:
.L_overlay_start_0:
0x88: {  	s2 =	sld [smem:$0x3FD9]  }
0x89: {  	s3 =	sld [smem:$0x3FFE];
	_ =	sdelay $0x1  }
0x8a: {  	s1 =	srdreg.scid  }
0x8b: {  	s0 =	sand.u32 $0x1, s1  }
0x8c: {  	s17 =	sshll.u32 s0, $0xA;
	s2 =	sadd.s32 s3, s2  }
0x8d: {  	s2 =	sadd.s32 s2, s17  }
0x8e: {  	[smem:$0x3FBB] =	sst s2  }
0x8f: {  	_ = 	snop  }
0x90: {  	s2 =	sld [smem:$0x3FD0];
	(tm) =	ssettm $0x1  }
0x91: {  	s18 =	sld [smem:$0x3FFB];
	_ =	sdelay $0x3  }
0x92: {  	_ =	strace s18  }
0x93: {  	s3 =	sld [smem:$0x3FFC];
	_ =	sdelay $0x3  }
0x94: {  	_ =	strace s3  }
0x95: {  	s3 =	sld [smem:$0x3FFD];
	_ =	sdelay $0x3  }
0x96: {  	_ =	strace s3  }
0x97: {  	_ =	strace $0x8FFFFFFF  }
0x98: {  	s19 =	sld [smem:$0x3FDB];
	_ =	sdelay $0x1  }
0x99: {  	s4 =	simm.s32 $_scs_section_size  }
0x9a: {  	s5 =	simm.s32 $_size__tile_overlayer_lowered;
	s6 =	simm.s32 $_tile_overlayer_lowered  }
0x9b: {  	s22 =	simm.s32 $0x1BFF;
	s21 =	sshll.u32 s6, $0x1;
	s3 =	sadd.s32 s4, s19  }
0x9c: {  	s7 =	simm.s32 $0x0;
	s20 =	sshll.u32 s5, $0x1;
	s5 =	sadd.s32 s21, s3  }
0x9d: {  	[timem:s7], [sflag:s22] =	dma.local [hbm:s5], s20  }
0x9e: {  	_ =	swait.ge [sflag:s22], s20  }
0x9f: {  	s4 =	ssub.s32 $0x0, s20;
	[sflag:s22] =	ssyncset.done $0x0  }
0xa0: {  	[sflag:s22] =	ssyncadd.s32 s4;
	_ =	sdelay $0x1  }
0xa1: {  	s23 =	simm.s32 $0x1B8B  }
0xa2: {  	_ =	swait.ge [sflag:s23], $0x1  }
0xa3: {  	[sflag:s23] =	ssyncset.done $0x0  }
0xa4: {  	s25 =	simm.s32 $0x1B8E;
	s24 =	sld [smem:$0x3FFE];
	[sflag:s23] =	ssyncadd.s32 $0xFFFFFFFF  }
0xa5: {  	s26 =	simm.s32 $execute0_lowered;
	[smem:$0x3FD2] =	sst s25  }
0xa6: {  	s5 =	sshll.u32 s26, $0x1;
	_ =	strace $0x80000046;
	[dreg:$0x1] =	wrdreg $0xFFFFFFFF  }
0xa7: {  	s28 =	simm.s32 $_size_execute0_lowered;
	s3 =	sadd.s32 s3, s5;
	[dreg:$0x0] =	wrdreg $0x0  }
0xa8: {  	s5 =	sshll.u32 s28, $0x1;
	[dreg:$0x2] =	wrdreg s3  }
0xa9: {  	[dreg:$0x3] =	wrdreg s5  }
0xaa: {  	[dreg:$0x4] =	wrdreg $0xC0  }
0xab: {  	_ =	task [dreg:s7], $0x5FFFF  }
0xac: {  	[dreg:$0x1] =	wrdreg $0xFFFFFFFF  }
0xad: {  	[dreg:$0x0] =	wrdreg $0x60  }
0xae: {  	[dreg:$0x2] =	wrdreg s24  }
0xaf: {  	[dreg:$0x3] =	wrdreg s2  }
0xb0: {  	[dreg:$0x4] =	wrdreg $0xA3000  }
0xb1: {  	[dreg:$0x5] =	wrdreg $0x9  }
0xb2: {  	_ =	task.clear_ibuf [dreg:s7], $0x6FFFF;
	_ =	strace $0x90000046  }
0xb3: {  	s29 =	simm.s32 $0x9;
	_ =	strace $0x80000048  }
0xb4: {  	_ =	swait.ge [sflag:s29], $0x1  }
0xb5: {  	[sflag:s29] =	ssyncadd.s32 $0xFFFFFFFF  }
0xb6: {  	_ =	strace $0x90000048  }
0xb7: {  	_ =	sfence  }
0xb8: {  	s30 =	sld [smem:$0x0];
	_ =	sdelay $0x2  }
0xb9: {  	s31 =	sshll.u32 s1, $0xD;
	s1 =	sshrl.u32 s1, $0x2  }
0xba: {  	s3 =	sand.u32 $0x4000, s31;
	s1 =	sadd.s32 s1, s30  }
0xbb: {  	s0 =	sor.u32 s3, s0;
	s1 =	sshll.u32 s1, $0x11  }
0xbc: {  	s0 =	sor.u32 s1, s0  }
0xbd: {  	s0 =	sadd.s32 $0x8F2B, s0  }
0xbe: {  	[sflag:s0] =	ssyncadd.remote.s32 $0x1  }
0xbf: {  	_ =	sfence.sel $0xFFFF  }
0xc0: {  	[dreg:$0x0] =	wrdreg $0xFFFFFFFF;
	(pc) =	sbr.abs _section_cstart, $3  }
0xc1: {  	[dreg:$0x1] =	wrdreg $0xFFFFFFFF  }
0xc2: {  	_ =	task.clear_ibuf [dreg:s7], $0x2FFFF;
	_ =	strace $0x9FFFFFFF  }
0xc3: {  	(tm) =	ssettm $0x7FFFFFFF  }
tec
execute0_lowered:
.L_overlay_start_1:
0x0: {  	(tag) =	ssettag $0x1  }
0x1: {  	s0 =	rddreg [dreg:$0x0]  }
0x2: {  	s1 =	rddreg [dreg:$0x1]  }
0x3: {  	s3 =	rddreg [dreg:$0x2]  }
0x4: {  	s4 =	simm.s32 $0x0;
	s13 =	stileid.u32;
	s5 =	srdreg.scid  }
0x5: {  	s29 =	simm.s32 $0x100;
	s30 =	simm.s32 $0x180;
	s31 =	simm.s32 $0x3  }
0x6: {  	[smem:$0x7FF] =	sst s4;
	s2 =	smul.u32 $0x13C00, s13;
	s8 =	sand.u32 $0x1, s5  }
0x7: {  	s5 =	sadd.s32 $0x1800, s0;
	s6 =	sadd.s32 $0xB600, s0;
	s7 =	sadd.s32 $0x15400, s0  }
0x8: {  	s28 =	smul.u32 $0x4F000, s13;
	s11 =	sshll.u32 s13, $0x1;
	s19 =	sshll.u32 s13, $0x6  }
0x9: {  	s13 =	simm.s32 $0x9;
	_ =	strace $0x80000047;
	s10 =	smul.u32 $0x13C000, s8  }
0xa: {  	s12 =	ssub.s32 $0x2, s8;
	s8 =	sor.u32 s8, s11;
	s18 =	sor.u32 $0x1C0B, s19  }
0xb: {  	s19 =	simm.s32 $0xA;
	s9 =	sshrl.u32 s2, $0x3;
	s14 =	sshrl.u32 s12, $0x1  }
0xc: {  	s8 =	smul.u32 $0x2710, s8;
	[dreg:$0x5] =	wrdreg s18;
	s9 =	sadd.s32 s9, s0  }
0xd: {  	s2 =	sadd.s32 s2, s10;
	s10 =	sshrl.u32 s28, $0x2;
	s15 =	ssub.s32 s12, s14  }
0xe: {  	s12 =	simm.s32 $0x200;
	s14 =	simm.s32 $0x7;
	s2 =	sshrl.u32 s2, $0x3  }
0xf: {  	s10 =	sadd.s32 s10, s3;
	s9 =	sadd.s32 $0xB1800, s9;
	s20 =	sshrl.u32 s8, $0x3  }
0x10: {  	s16 =	sadd.s32 $0xF0, s8;
	s17 =	sadd.s32 $0x140, s8;
	s28 =	smax.u32 s15, $0x1  }
0x11: {  	s15 =	simm.s32 $0x8;
	s0 =	sadd.s32 s2, s0;
	[dreg:$0x4] =	wrdreg s9  }
0x12: {  	s21 =	sadd.s32 s5, s20;
	s22 =	sadd.s32 $0xA, s20;
	[dreg:$0xd] =	wrdreg s28  }
0x13: {  	s23 =	sadd.s32 s6, s20;
	s11 =	sadd.s32 $0x14, s20;
	[dreg:$0x6] =	wrdreg s21  }
0x14: {  	s20 =	simm.s32 $0xB;
	[dreg:$0x7] =	wrdreg s23;
	s24 =	sadd.s32 s5, s22  }
0x15: {  	s2 =	simm.s32 $0x5300;
	s9 =	sadd.s32 s6, s22;
	[dreg:$0x8] =	wrdreg s24  }
0x16: {  	s25 =	sadd.s32 s5, s11;
	s26 =	sadd.s32 s6, s11;
	[dreg:$0x9] =	wrdreg s9  }
0x17: {  	s0 =	sadd.s32 $0xD9000, s0;
	s22 =	simm.s32 $0x80;
	[dreg:$0xa] =	wrdreg s25  }
0x18: {  	s23 =	simm.s32 $0x1;
	s11 =	simm.s32 $0x6;
	[dreg:$0xb] =	wrdreg s26  }
0x19: {  	s21 =	simm.s32 $0x0;
	[dreg:$0xc] =	wrdreg s0;
	s9 =	sshrl.u32 s10, $0x3  }
0x1a: {  	s24 =	simm.s32 $0x2;
	s25 =	simm.s32 $0x50;
	s26 =	simm.s32 $0x300  }
0x1b: {  	s0 =	simm.s32 $0x4;
	s10 =	simm.s32 $0x5;
	[dreg:$0xe] =	wrdreg s9  }
.LBB2_1:
0x1c: {  	[dreg:$0xf] =	wrdreg s21  }
0x1d: {  	s8 =	rddreg [dreg:$0x4]  }
0x1e: {  	[spmem:s9], [sflag:s18] =	dma.local [hbm:s8], $0x2780  }
0x1f: {  	_ =	swait.ge [sflag:s20], $0x2780  }
0x20: {  	[sflag:s20] =	ssyncset.done $0x0  }
0x21: {  	[sflag:s20] =	ssyncadd.s32 $0xFFFFD880  }
0x22: {  	[bflag:$0x0] =	sbarrier.arrive $0xFFFF  }
0x23: {  	s28 =	rddreg [dreg:$0x6]  }
0x24: {  	[tilespmem:s4], [sflag:$0x1] =	stream.linear.gather [hbm4b:s28+s4], $0x50, $0x38;
	[tilespmem:$0x1DF00] =	vst v63  }
0x25: {  	s9 =	rddreg [dreg:$0x7]  }
0x26: {  	[tilespmem:s22], [sflag:$0x2] =	stream.linear.gather [hbm4b:s9+s4], $0x50, $0x38;
	[tilespmem:$0x1DF00] =	vst v63  }
0x27: {  	_ =	swait.ge [sflag:s23], $0x50  }
0x28: {  	[sflag:s23] =	ssyncset.done $0x0  }
0x29: {  	[sflag:s23] =	ssyncadd.s32 $0xFFFFFFB0  }
0x2a: {  	_ =	swait.ge [sflag:s24], $0x50  }
0x2b: {  	[sflag:s24] =	ssyncset.done $0x0  }
0x2c: {  	[sflag:s24] =	ssyncadd.s32 $0xFFFFFFB0  }
0x2d: {  	[tilespmem:s26], [sflag:$0x5] =	stream.indirect.gather [hbm4b:s1+s25], $0x80, s4, s25, $0xb8;
	[tilespmem:$0x1DF00] =	vst v63  }
0x2e: {  	s18 =	simm.s32 $0x2B00  }
0x2f: {  	[tilespmem:s18], [sflag:$0x6] =	stream.indirect.gather [hbm4b:s7+s25], $0x80, s22, s25, $0xb8;
	[tilespmem:$0x1DF00] =	vst v63  }
0x30: {  	s20 =	rddreg [dreg:$0x8]  }
0x31: {  	[tilespmem:s29], [sflag:$0x3] =	stream.linear.gather [hbm4b:s20+s4], $0x50, $0x38;
	[tilespmem:$0x1DF00] =	vst v63  }
0x32: {  	s21 =	rddreg [dreg:$0x9]  }
0x33: {  	[tilespmem:s30], [sflag:$0x4] =	stream.linear.gather [hbm4b:s21+s4], $0x50, $0x38;
	[tilespmem:$0x1DF00] =	vst v63  }
0x34: {  	_ =	swait.ge [sflag:s31], $0x50  }
0x35: {  	[sflag:s31] =	ssyncset.done $0x0  }
0x36: {  	[sflag:s31] =	ssyncadd.s32 $0xFFFFFFB0  }
0x37: {  	_ =	swait.ge [sflag:s0], $0x50  }
0x38: {  	[sflag:s0] =	ssyncset.done $0x0  }
0x39: {  	[sflag:s0] =	ssyncadd.s32 $0xFFFFFFB0  }
0x3a: {  	[tilespmem:s2], [sflag:$0x7] =	stream.indirect.gather [hbm4b:s1+s25], $0x80, s29, s25, $0xb8;
	[tilespmem:$0x1DF00] =	vst v63  }
0x3b: {  	s28 =	simm.s32 $0x7B00  }
0x3c: {  	[tilespmem:s28], [sflag:$0x8] =	stream.indirect.gather [hbm4b:s7+s25], $0x80, s30, s25, $0xb8;
	[tilespmem:$0x1DF00] =	vst v63  }
0x3d: {  	_ =	swait.ge [sflag:s10], $0x2800  }
0x3e: {  	[sflag:s10] =	ssyncset.done $0x0  }
0x3f: {  	[sflag:s10] =	ssyncadd.s32 $0xFFFFD800  }
0x40: {  	_ =	swait.ge [sflag:s11], $0x2800  }
0x41: {  	[sflag:s11] =	ssyncset.done $0x0  }
0x42: {  	s9 =	simm.s32 $0x0;
	[sflag:s11] =	ssyncadd.s32 $0xFFFFD800  }
0x43: {  	v6 =	vld [tilespmem:s9+$0x2B00]  }
0x44: {  	v11 =	vld [tilespmem:s9+$0x2B10]  }
0x45: {  	v5 =	vld [tilespmem:s9+$0x2B20]  }
0x46: {  	v4 =	vld [tilespmem:s9+$0x2B30]  }
0x47: {  	v3 =	vld [tilespmem:s9+$0x2B40]  }
0x48: {  	v2 =	vld [tilespmem:s9+$0x2B50]  }
0x49: {  	v1 =	vld [tilespmem:s9+$0x2B60]  }
0x4a: {  	v0 =	vld [tilespmem:s9+$0x2B70]  }
0x4b: {  	v12 =	vld [tilespmem:s9+$0x300]  }
0x4c: {  	v13 =	vld [tilespmem:s9+$0x310]  }
0x4d: {  	v10 =	vld [tilespmem:s9+$0x320]  }
0x4e: {  	v9 =	vld [tilespmem:s9+$0x330]  }
0x4f: {  	v8 =	vld [tilespmem:s9+$0x340]  }
0x50: {  	v7 =	vld [tilespmem:s9+$0x350];
	v12 =	vadd.f32 v6, v12  }
0x51: {  	s18 =	simm.s32 $0x200;
	v11 =	vadd.f32 v11, v13;
	v6 =	vld [tilespmem:s9+$0x360]  }
.LBB2_2:
0x52: {  	s20 =	sshra.s32 s18, $0x2;
	p0 =	sne.s32 s18, $0x9E00;
	v12 =	vmax.f32 v12, $0.0e+00;
	v5 =	vadd.f32 v5, v10;
	v10 =	vld [tilespmem:s9+$0x370]  }
0x53: {  	v13 =	vld [tilespmem:s20+$0x2B00];
	[tilespmem:s9+$0x300] =	vst v12;
	v11 =	vmax.f32 v11, $0.0e+00;
	v4 =	vadd.f32 v4, v9  }
0x54: {  	v14 =	vld [tilespmem:s20+$0x2B10];
	[tilespmem:s9+$0x310] =	vst v11;
	v9 =	vmax.f32 v5, $0.0e+00;
	v3 =	vadd.f32 v3, v8  }
0x55: {  	v5 =	vld [tilespmem:s20+$0x2B20];
	[tilespmem:s9+$0x320] =	vst v9;
	v8 =	vmax.f32 v4, $0.0e+00;
	v2 =	vadd.f32 v2, v7  }
0x56: {  	v4 =	vld [tilespmem:s20+$0x2B30];
	[tilespmem:s9+$0x330] =	vst v8;
	v7 =	vmax.f32 v3, $0.0e+00;
	v1 =	vadd.f32 v1, v6  }
0x57: {  	v3 =	vld [tilespmem:s20+$0x2B40];
	[tilespmem:s9+$0x340] =	vst v7;
	v6 =	vmax.f32 v2, $0.0e+00;
	v0 =	vadd.f32 v0, v10  }
0x58: {  	v2 =	vld [tilespmem:s20+$0x2B50];
	[tilespmem:s9+$0x350] =	vst v6;
	v6 =	vmax.f32 v1, $0.0e+00  }
0x59: {  	v1 =	vld [tilespmem:s20+$0x2B60];
	[tilespmem:s9+$0x360] =	vst v6;
	v6 =	vmax.f32 v0, $0.0e+00  }
0x5a: {  	v0 =	vld [tilespmem:s20+$0x2B70];
	[tilespmem:s9+$0x370] =	vst v6;
	s9 =	smov.u32 s20  }
0x5b: {  	v6 =	vld [tilespmem:s9+$0x300]  }
0x5c: {  	v11 =	vld [tilespmem:s9+$0x310]  }
.Ltmp0:
0x5d: {  	v10 =	vld [tilespmem:s9+$0x320];
	(pc) =	sbr.rel @p0 .LBB2_2-.Ltmp0, $4  }
0x5e: {  	v9 =	vld [tilespmem:s9+$0x330]  }
0x5f: {  	v8 =	vld [tilespmem:s9+$0x340]  }
0x60: {  	v12 =	vadd.f32 v13, v6;
	v7 =	vld [tilespmem:s9+$0x350]  }
0x61: {  	s18 =	sadd.s32 $0x200, s18;
	v11 =	vadd.f32 v14, v11;
	v6 =	vld [tilespmem:s9+$0x360]  }
0x62: {  	v12 =	vmax.f32 v12, $0.0e+00;
	v5 =	vadd.f32 v5, v10;
	v63 =	vld [tilespmem:s9+$0x370]  }
0x63: {  	[tilespmem:s9+$0x300] =	vst v12;
	v11 =	vmax.f32 v11, $0.0e+00;
	v4 =	vadd.f32 v4, v9  }
0x64: {  	[tilespmem:s9+$0x310] =	vst v11;
	v5 =	vmax.f32 v5, $0.0e+00;
	v3 =	vadd.f32 v3, v8  }
0x65: {  	[tilespmem:s9+$0x320] =	vst v5;
	v4 =	vmax.f32 v4, $0.0e+00;
	v2 =	vadd.f32 v2, v7  }
0x66: {  	[tilespmem:s9+$0x330] =	vst v4;
	v3 =	vmax.f32 v3, $0.0e+00;
	v1 =	vadd.f32 v1, v6  }
0x67: {  	[tilespmem:s9+$0x340] =	vst v3;
	v2 =	vmax.f32 v2, $0.0e+00;
	v0 =	vadd.f32 v0, v63  }
0x68: {  	[tilespmem:s9+$0x350] =	vst v2;
	v1 =	vmax.f32 v1, $0.0e+00  }
0x69: {  	[tilespmem:s9+$0x360] =	vst v1;
	v0 =	vmax.f32 v0, $0.0e+00  }
0x6a: {  	[tilespmem:s9+$0x370] =	vst v0  }
0x6b: {  	v0 =	vld [tilespmem:$0x0]  }
0x6c: {  	v1 =	vld [tilespmem:$0x10]  }
0x6d: {  	v2 =	vld [tilespmem:$0x20]  }
0x6e: {  	v3 =	vld [tilespmem:$0x30]  }
0x6f: {  	v4 =	vld [tilespmem:$0x40]  }
0x70: {  	[tilespmem:$0x200] =	vst v0  }
0x71: {  	[tilespmem:$0x210] =	vst v1  }
0x72: {  	[tilespmem:$0x220] =	vst v2  }
0x73: {  	[tilespmem:$0x230] =	vst v3  }
0x74: {  	[tilespmem:$0x240] =	vst v4  }
0x75: {  	[spmem:s3] =	stream.indirect.scatter.add.f32 [tilespmem:s26], [sflag:$0x9], $0x80, s12, s25, $0xb8;
	[tilespmem:$0x1DF00] =	vst v63  }
0x76: {  	s20 =	simm.s32 $0x0;
	s8 =	rddreg [dreg:$0xa]  }
0x77: {  	[tilespmem:s20], [sflag:$0x1] =	stream.linear.gather [hbm4b:s8+s20], $0x50, $0x38;
	[tilespmem:$0x1DF00] =	vst v63  }
0x78: {  	s28 =	rddreg [dreg:$0xb];
	s21 =	simm.s32 $0x0  }
0x79: {  	[tilespmem:s22], [sflag:$0x2] =	stream.linear.gather [hbm4b:s28+s20], $0x50, $0x38;
	[tilespmem:$0x1DF00] =	vst v63  }
.LBB2_4:
0x7a: {  	_ =	swait.ge [sflag:s23], $0x50  }
0x7b: {  	[sflag:s23] =	ssyncset.done $0x0  }
0x7c: {  	[sflag:s23] =	ssyncadd.s32 $0xFFFFFFB0  }
0x7d: {  	_ =	swait.ge [sflag:s24], $0x50  }
0x7e: {  	[sflag:s24] =	ssyncset.done $0x0  }
0x7f: {  	[sflag:s24] =	ssyncadd.s32 $0xFFFFFFB0  }
0x80: {  	_ =	swait.ge [sflag:s13], $0x2800  }
0x81: {  	[sflag:s13] =	ssyncset.done $0x0  }
0x82: {  	[sflag:s13] =	ssyncadd.s32 $0xFFFFD800  }
0x83: {  	[tilespmem:s26], [sflag:$0x5] =	stream.indirect.gather [hbm4b:s1+s25], $0x80, s20, s25, $0xb8;
	[tilespmem:$0x1DF00] =	vst v63  }
0x84: {  	s8 =	simm.s32 $0x2B00  }
0x85: {  	[tilespmem:s8], [sflag:$0x6] =	stream.indirect.gather [hbm4b:s7+s25], $0x80, s22, s25, $0xb8;
	[tilespmem:$0x1DF00] =	vst v63  }
0x86: {  	_ =	swait.ge [sflag:s14], $0x2800  }
0x87: {  	[sflag:s14] =	ssyncset.done $0x0  }
0x88: {  	[sflag:s14] =	ssyncadd.s32 $0xFFFFD800  }
0x89: {  	_ =	swait.ge [sflag:s15], $0x2800  }
0x8a: {  	[sflag:s15] =	ssyncset.done $0x0  }
0x8b: {  	s9 =	simm.s32 $0x0;
	[sflag:s15] =	ssyncadd.s32 $0xFFFFD800  }
0x8c: {  	v6 =	vld [tilespmem:s9+$0x7B00]  }
0x8d: {  	v11 =	vld [tilespmem:s9+$0x7B10]  }
0x8e: {  	v5 =	vld [tilespmem:s9+$0x7B20]  }
0x8f: {  	v4 =	vld [tilespmem:s9+$0x7B30]  }
0x90: {  	v3 =	vld [tilespmem:s9+$0x7B40]  }
0x91: {  	v2 =	vld [tilespmem:s9+$0x7B50]  }
0x92: {  	v1 =	vld [tilespmem:s9+$0x7B60]  }
0x93: {  	v0 =	vld [tilespmem:s9+$0x7B70]  }
0x94: {  	v12 =	vld [tilespmem:s9+$0x5300]  }
0x95: {  	v13 =	vld [tilespmem:s9+$0x5310]  }
0x96: {  	v10 =	vld [tilespmem:s9+$0x5320]  }
0x97: {  	v9 =	vld [tilespmem:s9+$0x5330]  }
0x98: {  	v8 =	vld [tilespmem:s9+$0x5340]  }
0x99: {  	v7 =	vld [tilespmem:s9+$0x5350];
	v12 =	vadd.f32 v6, v12  }
0x9a: {  	s18 =	simm.s32 $0x200;
	v11 =	vadd.f32 v11, v13;
	v6 =	vld [tilespmem:s9+$0x5360]  }
.LBB2_5:
0x9b: {  	s28 =	sshra.s32 s18, $0x2;
	p0 =	sne.s32 s18, $0x9E00;
	v12 =	vmax.f32 v12, $0.0e+00;
	v5 =	vadd.f32 v5, v10;
	v10 =	vld [tilespmem:s9+$0x5370]  }
0x9c: {  	v13 =	vld [tilespmem:s28+$0x7B00];
	[tilespmem:s9+$0x5300] =	vst v12;
	v11 =	vmax.f32 v11, $0.0e+00;
	v4 =	vadd.f32 v4, v9  }
0x9d: {  	v14 =	vld [tilespmem:s28+$0x7B10];
	[tilespmem:s9+$0x5310] =	vst v11;
	v9 =	vmax.f32 v5, $0.0e+00;
	v3 =	vadd.f32 v3, v8  }
0x9e: {  	v5 =	vld [tilespmem:s28+$0x7B20];
	[tilespmem:s9+$0x5320] =	vst v9;
	v8 =	vmax.f32 v4, $0.0e+00;
	v2 =	vadd.f32 v2, v7  }
0x9f: {  	v4 =	vld [tilespmem:s28+$0x7B30];
	[tilespmem:s9+$0x5330] =	vst v8;
	v7 =	vmax.f32 v3, $0.0e+00;
	v1 =	vadd.f32 v1, v6  }
0xa0: {  	v3 =	vld [tilespmem:s28+$0x7B40];
	[tilespmem:s9+$0x5340] =	vst v7;
	v6 =	vmax.f32 v2, $0.0e+00;
	v0 =	vadd.f32 v0, v10  }
0xa1: {  	v2 =	vld [tilespmem:s28+$0x7B50];
	[tilespmem:s9+$0x5350] =	vst v6;
	v6 =	vmax.f32 v1, $0.0e+00  }
0xa2: {  	v1 =	vld [tilespmem:s28+$0x7B60];
	[tilespmem:s9+$0x5360] =	vst v6;
	v6 =	vmax.f32 v0, $0.0e+00  }
0xa3: {  	v0 =	vld [tilespmem:s28+$0x7B70];
	[tilespmem:s9+$0x5370] =	vst v6;
	s9 =	smov.u32 s28  }
0xa4: {  	v6 =	vld [tilespmem:s9+$0x5300]  }
0xa5: {  	v11 =	vld [tilespmem:s9+$0x5310]  }
.Ltmp1:
0xa6: {  	v10 =	vld [tilespmem:s9+$0x5320];
	(pc) =	sbr.rel @p0 .LBB2_5-.Ltmp1, $4  }
0xa7: {  	v9 =	vld [tilespmem:s9+$0x5330]  }
0xa8: {  	v8 =	vld [tilespmem:s9+$0x5340]  }
0xa9: {  	v12 =	vadd.f32 v13, v6;
	v7 =	vld [tilespmem:s9+$0x5350]  }
0xaa: {  	s18 =	sadd.s32 $0x200, s18;
	v11 =	vadd.f32 v14, v11;
	v6 =	vld [tilespmem:s9+$0x5360]  }
0xab: {  	v12 =	vmax.f32 v12, $0.0e+00;
	v5 =	vadd.f32 v5, v10;
	v10 =	vld [tilespmem:s9+$0x5370]  }
0xac: {  	[tilespmem:s9+$0x5300] =	vst v12;
	v11 =	vmax.f32 v11, $0.0e+00;
	v4 =	vadd.f32 v4, v9  }
0xad: {  	[tilespmem:s9+$0x5310] =	vst v11;
	v5 =	vmax.f32 v5, $0.0e+00;
	v3 =	vadd.f32 v3, v8  }
0xae: {  	[tilespmem:s9+$0x5320] =	vst v5;
	v4 =	vmax.f32 v4, $0.0e+00;
	v2 =	vadd.f32 v2, v7  }
0xaf: {  	[tilespmem:s9+$0x5330] =	vst v4;
	v3 =	vmax.f32 v3, $0.0e+00;
	v1 =	vadd.f32 v1, v6  }
0xb0: {  	[tilespmem:s9+$0x5340] =	vst v3;
	v2 =	vmax.f32 v2, $0.0e+00;
	v0 =	vadd.f32 v0, v10  }
0xb1: {  	[tilespmem:s9+$0x5350] =	vst v2;
	v1 =	vmax.f32 v1, $0.0e+00  }
0xb2: {  	[tilespmem:s9+$0x5360] =	vst v1;
	v0 =	vmax.f32 v0, $0.0e+00  }
0xb3: {  	[tilespmem:s9+$0x5370] =	vst v0  }
0xb4: {  	v0 =	vld [tilespmem:$0x100]  }
0xb5: {  	v1 =	vld [tilespmem:$0x110]  }
0xb6: {  	v2 =	vld [tilespmem:$0x120]  }
0xb7: {  	v3 =	vld [tilespmem:$0x130]  }
0xb8: {  	s9 =	smul.u32 $0xA0, s21;
	v4 =	vld [tilespmem:$0x140]  }
0xb9: {  	[tilespmem:$0x280] =	vst v0  }
0xba: {  	s18 =	sadd.s32 s9, s16;
	[tilespmem:$0x290] =	vst v1  }
0xbb: {  	p0 =	slt.s32 s18, $0x4E1B0;
	[tilespmem:$0x2A0] =	vst v2  }
0xbc: {  	s18 =	simm.s32 @!p0 $0x4E1B0;
	[tilespmem:$0x2B0] =	vst v3  }
0xbd: {  	s8 =	simm.s32 $0x280;
	s18 =	sshrl.u32 s18, $0x3;
	[tilespmem:$0x2C0] =	vst v4  }
0xbe: {  	[spmem:s3] =	stream.indirect.scatter.add.f32 [tilespmem:s2], [sflag:$0xA], $0x80, s8, s25, $0xb8;
	[tilespmem:$0x1DF00] =	vst v63  }
0xbf: {  	s28 =	sadd.s32 s5, s18;
	s8 =	simm.s32 $0x0  }
0xc0: {  	[tilespmem:s29], [sflag:$0x3] =	stream.linear.gather [hbm4b:s28+s8], $0x50, $0x38;
	[tilespmem:$0x1DF00] =	vst v63  }
0xc1: {  	s18 =	sadd.s32 s6, s18  }
0xc2: {  	[tilespmem:s30], [sflag:$0x4] =	stream.linear.gather [hbm4b:s18+s8], $0x50, $0x38;
	[tilespmem:$0x1DF00] =	vst v63  }
0xc3: {  	_ =	swait.ge [sflag:s31], $0x50  }
0xc4: {  	[sflag:s31] =	ssyncset.done $0x0  }
0xc5: {  	[sflag:s31] =	ssyncadd.s32 $0xFFFFFFB0  }
0xc6: {  	_ =	swait.ge [sflag:s0], $0x50  }
0xc7: {  	[sflag:s0] =	ssyncset.done $0x0  }
0xc8: {  	[sflag:s0] =	ssyncadd.s32 $0xFFFFFFB0  }
0xc9: {  	_ =	swait.ge [sflag:s19], $0x2800  }
0xca: {  	[sflag:s19] =	ssyncset.done $0x0  }
0xcb: {  	[sflag:s19] =	ssyncadd.s32 $0xFFFFD800  }
0xcc: {  	[tilespmem:s2], [sflag:$0x7] =	stream.indirect.gather [hbm4b:s1+s25], $0x80, s29, s25, $0xb8;
	[tilespmem:$0x1DF00] =	vst v63  }
0xcd: {  	s18 =	simm.s32 $0x7B00  }
0xce: {  	[tilespmem:s18], [sflag:$0x8] =	stream.indirect.gather [hbm4b:s7+s25], $0x80, s30, s25, $0xb8;
	[tilespmem:$0x1DF00] =	vst v63  }
0xcf: {  	_ =	swait.ge [sflag:s10], $0x2800  }
0xd0: {  	[sflag:s10] =	ssyncset.done $0x0  }
0xd1: {  	[sflag:s10] =	ssyncadd.s32 $0xFFFFD800  }
0xd2: {  	_ =	swait.ge [sflag:s11], $0x2800  }
0xd3: {  	[sflag:s11] =	ssyncset.done $0x0  }
0xd4: {  	s18 =	simm.s32 $0x0;
	[sflag:s11] =	ssyncadd.s32 $0xFFFFD800  }
0xd5: {  	v6 =	vld [tilespmem:s18+$0x2B00]  }
0xd6: {  	v11 =	vld [tilespmem:s18+$0x2B10]  }
0xd7: {  	v5 =	vld [tilespmem:s18+$0x2B20]  }
0xd8: {  	v4 =	vld [tilespmem:s18+$0x2B30]  }
0xd9: {  	v3 =	vld [tilespmem:s18+$0x2B40]  }
0xda: {  	v2 =	vld [tilespmem:s18+$0x2B50]  }
0xdb: {  	v1 =	vld [tilespmem:s18+$0x2B60]  }
0xdc: {  	v0 =	vld [tilespmem:s18+$0x2B70]  }
0xdd: {  	v12 =	vld [tilespmem:s18+$0x300]  }
0xde: {  	v13 =	vld [tilespmem:s18+$0x310]  }
0xdf: {  	v10 =	vld [tilespmem:s18+$0x320]  }
0xe0: {  	v9 =	vld [tilespmem:s18+$0x330]  }
0xe1: {  	v8 =	vld [tilespmem:s18+$0x340]  }
0xe2: {  	v7 =	vld [tilespmem:s18+$0x350];
	v12 =	vadd.f32 v6, v12  }
0xe3: {  	s28 =	simm.s32 $0x200;
	v11 =	vadd.f32 v11, v13;
	v6 =	vld [tilespmem:s18+$0x360]  }
.LBB2_7:
0xe4: {  	s8 =	sshra.s32 s28, $0x2;
	p0 =	sne.s32 s28, $0x9E00;
	v12 =	vmax.f32 v12, $0.0e+00;
	v5 =	vadd.f32 v5, v10;
	v10 =	vld [tilespmem:s18+$0x370]  }
0xe5: {  	v13 =	vld [tilespmem:s8+$0x2B00];
	[tilespmem:s18+$0x300] =	vst v12;
	v11 =	vmax.f32 v11, $0.0e+00;
	v4 =	vadd.f32 v4, v9  }
0xe6: {  	v14 =	vld [tilespmem:s8+$0x2B10];
	[tilespmem:s18+$0x310] =	vst v11;
	v9 =	vmax.f32 v5, $0.0e+00;
	v3 =	vadd.f32 v3, v8  }
0xe7: {  	v5 =	vld [tilespmem:s8+$0x2B20];
	[tilespmem:s18+$0x320] =	vst v9;
	v8 =	vmax.f32 v4, $0.0e+00;
	v2 =	vadd.f32 v2, v7  }
0xe8: {  	v4 =	vld [tilespmem:s8+$0x2B30];
	[tilespmem:s18+$0x330] =	vst v8;
	v7 =	vmax.f32 v3, $0.0e+00;
	v1 =	vadd.f32 v1, v6  }
0xe9: {  	v3 =	vld [tilespmem:s8+$0x2B40];
	[tilespmem:s18+$0x340] =	vst v7;
	v6 =	vmax.f32 v2, $0.0e+00;
	v0 =	vadd.f32 v0, v10  }
0xea: {  	v2 =	vld [tilespmem:s8+$0x2B50];
	[tilespmem:s18+$0x350] =	vst v6;
	v6 =	vmax.f32 v1, $0.0e+00  }
0xeb: {  	v1 =	vld [tilespmem:s8+$0x2B60];
	[tilespmem:s18+$0x360] =	vst v6;
	v6 =	vmax.f32 v0, $0.0e+00  }
0xec: {  	v0 =	vld [tilespmem:s8+$0x2B70];
	[tilespmem:s18+$0x370] =	vst v6;
	s18 =	smov.u32 s8  }
0xed: {  	v6 =	vld [tilespmem:s18+$0x300]  }
0xee: {  	v11 =	vld [tilespmem:s18+$0x310]  }
.Ltmp2:
0xef: {  	v10 =	vld [tilespmem:s18+$0x320];
	(pc) =	sbr.rel @p0 .LBB2_7-.Ltmp2, $4  }
0xf0: {  	v9 =	vld [tilespmem:s18+$0x330]  }
0xf1: {  	v8 =	vld [tilespmem:s18+$0x340]  }
0xf2: {  	v12 =	vadd.f32 v13, v6;
	v7 =	vld [tilespmem:s18+$0x350]  }
0xf3: {  	s28 =	sadd.s32 $0x200, s28;
	v11 =	vadd.f32 v14, v11;
	v6 =	vld [tilespmem:s18+$0x360]  }
0xf4: {  	v12 =	vmax.f32 v12, $0.0e+00;
	v5 =	vadd.f32 v5, v10;
	v63 =	vld [tilespmem:s18+$0x370]  }
0xf5: {  	[tilespmem:s18+$0x300] =	vst v12;
	v11 =	vmax.f32 v11, $0.0e+00;
	v4 =	vadd.f32 v4, v9  }
0xf6: {  	[tilespmem:s18+$0x310] =	vst v11;
	v5 =	vmax.f32 v5, $0.0e+00;
	v3 =	vadd.f32 v3, v8  }
0xf7: {  	[tilespmem:s18+$0x320] =	vst v5;
	v4 =	vmax.f32 v4, $0.0e+00;
	v2 =	vadd.f32 v2, v7  }
0xf8: {  	[tilespmem:s18+$0x330] =	vst v4;
	v3 =	vmax.f32 v3, $0.0e+00;
	v1 =	vadd.f32 v1, v6  }
0xf9: {  	[tilespmem:s18+$0x340] =	vst v3;
	v2 =	vmax.f32 v2, $0.0e+00;
	v0 =	vadd.f32 v0, v63  }
0xfa: {  	[tilespmem:s18+$0x350] =	vst v2;
	v1 =	vmax.f32 v1, $0.0e+00  }
0xfb: {  	[tilespmem:s18+$0x360] =	vst v1;
	v0 =	vmax.f32 v0, $0.0e+00  }
0xfc: {  	[tilespmem:s18+$0x370] =	vst v0  }
0xfd: {  	v0 =	vld [tilespmem:$0x0]  }
0xfe: {  	v1 =	vld [tilespmem:$0x10]  }
0xff: {  	v2 =	vld [tilespmem:$0x20]  }
0x100: {  	v3 =	vld [tilespmem:$0x30]  }
0x101: {  	v4 =	vld [tilespmem:$0x40]  }
0x102: {  	[tilespmem:$0x200] =	vst v0  }
0x103: {  	[tilespmem:$0x210] =	vst v1  }
0x104: {  	s8 =	sadd.s32 s9, s17;
	[tilespmem:$0x220] =	vst v2  }
0x105: {  	s21 =	sadd.s32 $0x1, s21;
	p0 =	slt.s32 s8, $0x4E1B0;
	[tilespmem:$0x230] =	vst v3  }
0x106: {  	s8 =	simm.s32 @!p0 $0x4E1B0;
	p0 =	sne.s32 s21, $0x3E;
	[tilespmem:$0x240] =	vst v4  }
0x107: {  	[spmem:s3] =	stream.indirect.scatter.add.f32 [tilespmem:s26], [sflag:$0x9], $0x80, s12, s25, $0xb8;
	[tilespmem:$0x1DF00] =	vst v63  }
.Ltmp3:
0x108: {  	s8 =	sshrl.u32 s8, $0x3;
	(pc) =	sbr.rel @p0 .LBB2_4-.Ltmp3, $4  }
0x109: {  	s28 =	sadd.s32 s5, s8  }
0x10a: {  	[tilespmem:s4], [sflag:$0x1] =	stream.linear.gather [hbm4b:s28+s4], $0x50, $0x38;
	[tilespmem:$0x1DF00] =	vst v63  }
0x10b: {  	s8 =	sadd.s32 s6, s8  }
0x10c: {  	[tilespmem:s22], [sflag:$0x2] =	stream.linear.gather [hbm4b:s8+s4], $0x50, $0x38;
	[tilespmem:$0x1DF00] =	vst v63  }
0x10d: {  	_ =	swait.ge [sflag:s13], $0x2800  }
0x10e: {  	[sflag:s13] =	ssyncset.done $0x0  }
0x10f: {  	[sflag:s13] =	ssyncadd.s32 $0xFFFFD800  }
0x110: {  	_ =	swait.ge [sflag:s14], $0x2800  }
0x111: {  	[sflag:s14] =	ssyncset.done $0x0  }
0x112: {  	[sflag:s14] =	ssyncadd.s32 $0xFFFFD800  }
0x113: {  	_ =	swait.ge [sflag:s15], $0x2800  }
0x114: {  	[sflag:s15] =	ssyncset.done $0x0  }
0x115: {  	[sflag:s15] =	ssyncadd.s32 $0xFFFFD800  }
0x116: {  	_ =	swait.ge [sflag:s23], $0x50  }
0x117: {  	[sflag:s23] =	ssyncset.done $0x0  }
0x118: {  	[sflag:s23] =	ssyncadd.s32 $0xFFFFFFB0  }
0x119: {  	_ =	swait.ge [sflag:s24], $0x50  }
0x11a: {  	[sflag:s24] =	ssyncset.done $0x0  }
0x11b: {  	[sflag:s24] =	ssyncadd.s32 $0xFFFFFFB0  }
0x11c: {  	[bflag:$0x0] =	sbarrier.arrive $0xFFFF  }
0x11d: {  	s18 =	rddreg [dreg:$0x5]  }
0x11e: {  	s8 =	rddreg [dreg:$0xc]  }
0x11f: {  	s20 =	simm.s32 $0xB;
	s9 =	rddreg [dreg:$0xe]  }
0x120: {  	[hbm:s8], [sflag:s18] =	dma.local [spmem:s9], $0x2780  }
0x121: {  	_ =	swait.ge [sflag:s20], $0x2780  }
0x122: {  	s21 =	rddreg [dreg:$0xf]  }
0x123: {  	s28 =	rddreg [dreg:$0xd];
	s21 =	sadd.s32 $0x1, s21  }
0x124: {  	p0 =	sne.s32 s21, s28  }
.Ltmp4:
0x125: {  	_ = 	snop;
	(pc) =	sbr.rel @p0 .LBB2_1-.Ltmp4, $3  }
0x126: {  	_ =	sdelay $0x1  }
0x127: {  	[sflag:s20] =	ssyncset.done $0x0  }
0x128: {  	[sflag:s20] =	ssyncadd.s32 $0xFFFFD880  }
0x129: {  	_ =	sfence.sel $0x180000  }
0x12a: {  	[bflag:$0x0] =	sbarrier.arrive $0xFFFF  }
0x12b: {  	_ =	strace $0x90000047  }
0x12c: {  	s0 =	stileid.u32;
	[bflag:$0x2] =	sbarrier.arrive $0xFFFF  }
0x12d: {  	p0 =	sne.s32 s0, $0x0;
	s0 =	rddreg [dreg:$0x3]  }
0x12e: {  	s0 =	sadd.s32 @!p0 $0x100000, s0  }
0x12f: {  	[sflag:s0] =	ssyncadd.tile.s32 @!p0 $0x1;
	_ =	shalt  }
.Lfunc_end2:
_tile_overlayer_lowered:
.L_overlay_start_2:
0x130: {  	(tag) =	ssettag $0x2  }
0x131: {  	s0 =	rddreg [dreg:$0x0];
	s2 =	stileid.u32  }
0x132: {  	s1 =	rddreg [dreg:$0x1];
	p0 =	sne.s32 s2, $0x0  }
0x133: {  	s3 =	rddreg [dreg:$0x2];
	[bflag:$0x3] =	sbarrier.arrive $0xFFFF;
	s2 =	simm.s32 @!p0 $0x1C0B  }
0x134: {  	[timem:s3], [sflag:s2] =	dma.local @!p0 [hbm:s0], s1  }
0x135: {  	s0 =	simm.s32 @!p0 $0xB  }
0x136: {  	_ =	swait.ge @!p0 [sflag:s0], s1  }
0x137: {  	s1 =	ssub.s32 @!p0 $0x0, s1;
	[sflag:s0] =	ssyncset.done @!p0 $0x0  }
0x138: {  	[sflag:s0] =	ssyncadd.s32 @!p0 s1  }
0x139: {  	[bflag:$0x3] =	sbarrier.arrive $0xFFFF  }
0x13a: {  	_ =	shalt  }

</sc_bundles>
